<compile_context>
chip_gen: v7x
topology: tpu7x:2x2x1
jax: 0.10.2.dev20260603
libtpu: 0.0.44.dev20260713+nightly
codegen_flags: <defaults>
</compile_context>

<pallas_src>
import functools

import jax
import jax.numpy as jnp
from jax import lax
from jax.experimental import pallas as pl
from jax.experimental.pallas import tpu as pltpu
from jax.experimental.pallas import tpu_sc as plsc

N_GRAPHS = 1024
EMB_ATOMIC = 64
N_CHARGE = 32
EMB_CHARGE = 16
CONT_IN = 8
EMB_CONT = 32
CAT_DIM = EMB_ATOMIC + EMB_CHARGE
TOTAL_DIM = CAT_DIM + EMB_CONT
OUT_DIM = 128

NW = 32
SL = 128
STRIPS = 25
SS_DMAS = 5
SS = SL * SS_DMAS
PER_W = SL * STRIPS
NPAD = NW * PER_W
CHUNKS = ((0, 9), (288, 8), (544, 8))
BLK = 4096


def _prep_body(tc_ref, ec_ref, gg_ref):
    tc = tc_ref[...]
    oh = (tc == lax.broadcasted_iota(jnp.int32, (N_GRAPHS, N_CHARGE), 1))
    gg_ref[...] = jnp.dot(oh.astype(jnp.float32), ec_ref[...],
                          preferred_element_type=jnp.float32)


_prep = pl.pallas_call(
    _prep_body,
    out_shape=jax.ShapeDtypeStruct((N_GRAPHS, EMB_CHARGE), jnp.float32),
)


@functools.lru_cache(maxsize=None)
def _make_gather(row_base, spw):
  ssd = SS_DMAS
  supers = [min(ssd, spw - s) for s in range(0, spw, ssd)]
  nsup = len(supers)

  def body(at_hbm, b_hbm, table_hbm, gg_hbm, x_out,
           at_v, b_v, a0, a1, c0, c1, sem0, sem1, osem0, osem1):
    cid = lax.axis_index("c")
    sid = lax.axis_index("s")
    wid = cid * 16 + sid
    idx_row0 = row_base + wid * spw
    node_base = wid * spw * SL
    pltpu.sync_copy(at_hbm.at[pl.ds(idx_row0, spw)], at_v)
    pltpu.sync_copy(b_hbm.at[pl.ds(idx_row0, spw)], b_v)
    abufs, cbufs = (a0, a1), (c0, c1)
    sems, osems = (sem0, sem1), (osem0, osem1)
    pending = {}
    draining = {}

    def start(j):
        p = j & 1
        ds = []
        for k in range(supers[j]):
            r = j * ssd + k
            ds.append(pltpu.async_copy(
                table_hbm.at[at_v.at[r]], abufs[p].at[pl.ds(k * SL, SL)],
                sems[p]))
            ds.append(pltpu.async_copy(
                gg_hbm.at[b_v.at[r]], cbufs[p].at[pl.ds(k * SL, SL)],
                sems[p]))
        pending[j] = ds

    def drain(j):
        p = j & 1
        m = supers[j] * SL
        rows = pl.ds(node_base + j * ssd * SL, m)
        draining[j] = (
            pltpu.async_copy(abufs[p].at[pl.ds(0, m)],
                             x_out.at[rows, pl.ds(0, EMB_ATOMIC)],
                             osems[p]),
            pltpu.async_copy(cbufs[p].at[pl.ds(0, m)],
                             x_out.at[rows, pl.ds(EMB_ATOMIC, EMB_CHARGE)],
                             osems[p]),
        )

    start(0)
    for j in range(nsup):
        if j >= 1:
            for d in draining.pop(j - 1):
                d.wait()
        if j + 1 < nsup:
            start(j + 1)
        for d in pending.pop(j):
            d.wait()
        drain(j)
    for d in draining.pop(nsup - 1):
        d.wait()

  return pl.kernel(
    body,
    out_type=jax.ShapeDtypeStruct((NW * spw * SL, OUT_DIM), jnp.float32),
    mesh=plsc.VectorSubcoreMesh(core_axis_name="c", subcore_axis_name="s",
                                num_cores=2, num_subcores=16),
    compiler_params=pltpu.CompilerParams(use_tc_tiling_on_sc=False),
    scratch_types=[
        pltpu.VMEM((spw, SL), jnp.int32),
        pltpu.VMEM((spw, SL), jnp.int32),
        pltpu.VMEM((ssd * SL, EMB_ATOMIC), jnp.float32),
        pltpu.VMEM((ssd * SL, EMB_ATOMIC), jnp.float32),
        pltpu.VMEM((ssd * SL, EMB_CHARGE), jnp.float32),
        pltpu.VMEM((ssd * SL, EMB_CHARGE), jnp.float32),
        pltpu.SemaphoreType.DMA,
        pltpu.SemaphoreType.DMA,
        pltpu.SemaphoreType.DMA,
        pltpu.SemaphoreType.DMA,
    ],
  )


def _dense_body(x_ref, ef_ref, wp_ref, w1_ref, b1_ref, w2_ref, b2_ref,
                out_ref):
    h = jnp.dot(ef_ref[...], w1_ref[...],
                preferred_element_type=jnp.float32) + b1_ref[...]
    h = h * lax.logistic(h)
    wp = wp_ref[...]
    wh = jnp.dot(w2_ref[...], wp[CAT_DIM:], preferred_element_type=jnp.float32)
    bias = jnp.dot(b2_ref[...], wp[CAT_DIM:],
                   preferred_element_type=jnp.float32)
    y = jnp.dot(x_ref[...][:, :CAT_DIM], wp[:CAT_DIM],
                preferred_element_type=jnp.float32)
    y = y + jnp.dot(h, wh, preferred_element_type=jnp.float32) + bias
    out_ref[...] = y * lax.logistic(y)


def _dense_body_aliased(y_prev_ref, x_ref, ef_ref, wp_ref, w1_ref, b1_ref,
                        w2_ref, b2_ref, out_ref):
    del y_prev_ref
    _dense_body(x_ref, ef_ref, wp_ref, w1_ref, b1_ref, w2_ref, b2_ref,
                out_ref)


@functools.lru_cache(maxsize=None)
def _make_dense(n, blk0, nblk, aliased):
    specs = [
        pl.BlockSpec((BLK, OUT_DIM), lambda b: (b, 0)),
        pl.BlockSpec((BLK, CONT_IN), lambda b: (blk0 + b, 0)),
        pl.BlockSpec((TOTAL_DIM, OUT_DIM), lambda b: (0, 0)),
        pl.BlockSpec((CONT_IN, EMB_CONT), lambda b: (0, 0)),
        pl.BlockSpec((1, EMB_CONT), lambda b: (0, 0)),
        pl.BlockSpec((EMB_CONT, EMB_CONT), lambda b: (0, 0)),
        pl.BlockSpec((1, EMB_CONT), lambda b: (0, 0)),
    ]
    body = _dense_body
    kwargs = {}
    if aliased:
        specs = [pl.BlockSpec(memory_space=pl.ANY)] + specs
        body = _dense_body_aliased
        kwargs["input_output_aliases"] = {0: 0}
    return pl.pallas_call(
        body,
        grid=(nblk,),
        in_specs=specs,
        out_specs=pl.BlockSpec((BLK, OUT_DIM), lambda b: (blk0 + b, 0)),
        out_shape=jax.ShapeDtypeStruct((n, OUT_DIM), jnp.float32),
        **kwargs,
    )


def kernel(batch, atomic_type, total_charge, external_field,
           emb_atomic, emb_charge, W1, b1, W2, b2, Wp):
    n = batch.shape[0]
    pad = NPAD - n
    at = jnp.pad(atomic_type.astype(jnp.int32).reshape(-1), (0, pad))
    bt = jnp.pad(batch.astype(jnp.int32), (0, pad))
    at2 = at.reshape(NW * STRIPS, SL)
    bt2 = bt.reshape(NW * STRIPS, SL)

    gg = _prep(total_charge.astype(jnp.int32).reshape(-1, 1), emb_charge)
    ws = (Wp, W1, b1.reshape(1, -1), W2, b2.reshape(1, -1))

    y = None
    for row_base, spw in CHUNKS:
        x_c = _make_gather(row_base, spw)(at2, bt2, emb_atomic, gg)
        blk0 = row_base * SL // BLK
        nblk = min(-(-n // BLK) - blk0, NW * spw * SL // BLK)
        dense = _make_dense(n, blk0, nblk, y is not None)
        args = (x_c, external_field) + ws
        y = dense(y, *args) if y is not None else dense(*args)
    return y

# --- scband reference (transcript-rebuilt; emitter-appended) ---
"""Pipeline reference for scband-generic-joint-embedding-75084618268785 (READ-ONLY COPY).

The authoritative reference and input builder live on the scoring server;
editing this copy changes nothing except your own understanding.
"""

import jax, jax.numpy as jnp
import numpy as np

N_NODES = 100000
N_GRAPHS = 1024
VOCAB = 100000
EMB_ATOMIC = 64
N_CHARGE = 32
EMB_CHARGE = 16
CONT_IN = 8
EMB_CONT = 32
TOTAL_DIM = EMB_ATOMIC + EMB_CHARGE + EMB_CONT  # 112
OUT_DIM = 128


def setup_inputs(seed: int = 0) -> dict:
    key = jax.random.key(seed)
    ks = jax.random.split(key, 12)
    batch = jnp.sort(jax.random.randint(ks[0], (N_NODES,), 0, N_GRAPHS)).astype(jnp.int32)
    atomic_type = jax.random.randint(ks[1], (N_NODES, 1), 0, VOCAB).astype(jnp.int32)
    total_charge = jax.random.randint(ks[2], (N_GRAPHS,), 0, N_CHARGE).astype(jnp.int32)
    external_field = jax.random.normal(ks[3], (N_NODES, CONT_IN), dtype=jnp.float32)
    # learned parameters
    emb_atomic = jax.random.normal(ks[4], (VOCAB, EMB_ATOMIC), dtype=jnp.float32) * 0.02
    emb_charge = jax.random.normal(ks[5], (N_CHARGE, EMB_CHARGE), dtype=jnp.float32) * 0.02
    W1 = jax.random.normal(ks[6], (CONT_IN, EMB_CONT), dtype=jnp.float32) * (1.0 / np.sqrt(CONT_IN))
    b1 = jnp.zeros((EMB_CONT,), dtype=jnp.float32)
    W2 = jax.random.normal(ks[7], (EMB_CONT, EMB_CONT), dtype=jnp.float32) * (1.0 / np.sqrt(EMB_CONT))
    b2 = jnp.zeros((EMB_CONT,), dtype=jnp.float32)
    Wp = jax.random.normal(ks[8], (TOTAL_DIM, OUT_DIM), dtype=jnp.float32) * (1.0 / np.sqrt(TOTAL_DIM))
    return {
        'batch': batch,
        'atomic_type': atomic_type,
        'total_charge': total_charge,
        'external_field': external_field,
        'emb_atomic': emb_atomic,
        'emb_charge': emb_charge,
        'W1': W1, 'b1': b1, 'W2': W2, 'b2': b2,
        'Wp': Wp,
    }


def reference(batch, atomic_type, total_charge, external_field,
              emb_atomic, emb_charge, W1, b1, W2, b2, Wp):
    # categorical, per-node: [N,1] -> squeeze -> gather
    idx_at = atomic_type.astype(jnp.int32).squeeze(-1)
    e_atomic = jnp.take(emb_atomic, idx_at, axis=0)
    # categorical, per-graph: upsample via batch index, [...,None] then squeeze(-1)
    tc = total_charge[batch][..., None]
    idx_tc = tc.astype(jnp.int32).squeeze(-1)
    e_charge = jnp.take(emb_charge, idx_tc, axis=0)
    # continuous, per-node: Linear -> silu -> Linear
    h = external_field @ W1 + b1
    h = jax.nn.silu(h)
    e_cont = h @ W2 + b2
    x = jnp.concatenate([e_atomic, e_charge, e_cont], axis=-1)
    return jax.nn.silu(x @ Wp)

if __name__ == "__main__":
    import jax
    _d = setup_inputs()
    print(jax.jit(kernel)(*tuple(_d.values())))

</pallas_src>

<mosaic_0001>
#map = affine_map<(d0, d1) -> (0, 0)>
module attributes {stable_mosaic.version = 14 : i64} {
  func.func @body(%arg0: i32, %arg1: i32, %arg2: memref<800x128xi32, #tpu.memory_space<hbm>>, %arg3: memref<800x128xi32, #tpu.memory_space<hbm>>, %arg4: memref<100000x64xf32, #tpu.memory_space<hbm>>, %arg5: memref<1024x16xf32, #tpu.memory_space<hbm>>, %arg6: memref<32768x128xf32, #tpu.memory_space<hbm>>, %arg7: memref<8x128xi32, #tpu.memory_space<vmem>>, %arg8: memref<8x128xi32, #tpu.memory_space<vmem>>, %arg9: memref<640x64xf32, #tpu.memory_space<vmem>>, %arg10: memref<640x64xf32, #tpu.memory_space<vmem>>, %arg11: memref<640x16xf32, #tpu.memory_space<vmem>>, %arg12: memref<640x16xf32, #tpu.memory_space<vmem>>, %arg13: memref<!tpu.dma_semaphore, #tpu.memory_space<semaphore_mem>>, %arg14: memref<!tpu.dma_semaphore, #tpu.memory_space<semaphore_mem>>, %arg15: memref<!tpu.dma_semaphore, #tpu.memory_space<semaphore_mem>>, %arg16: memref<!tpu.dma_semaphore, #tpu.memory_space<semaphore_mem>>) attributes {dimension_semantics = [#tpu.dimension_semantics<core_parallel>, #tpu.dimension_semantics<subcore_parallel>], iteration_bounds = array<i64: 2, 16>, scalar_prefetch = 0 : i64, scratch_operands = 10 : i64, tpu.core_type = #tpu.core_type<sc_vector_subcore>, window_params = [{transform_indices = #map}, {transform_indices = #map}, {transform_indices = #map}, {transform_indices = #map}, {transform_indices = #map}]} {
    %mul3A = arith.constant 16 : i32
    %mul3A_0 = arith.muli %arg0, %mul3A : i32
    %add3A = arith.addi %mul3A_0, %arg1 : i32
    %mul3A_1 = arith.constant 8 : i32
    %mul3A_2 = arith.muli %add3A, %mul3A_1 : i32
    %add3A_3 = arith.constant 288 : i32
    %add3A_4 = arith.addi %add3A_3, %mul3A_2 : i32
    %mul3A_5 = arith.constant 8 : i32
    %mul3A_6 = arith.muli %add3A, %mul3A_5 : i32
    %mul3A_7 = arith.constant 128 : i32
    %mul3A_8 = arith.muli %mul3A_6, %mul3A_7 : i32
    "tpu.region"() ({
      %run_scoped3A = tpu.sem_alloc : memref<!tpu.dma_semaphore, #tpu.memory_space<semaphore_mem>>
      %dma_start3A_411 = arith.constant 0 : i32
      %dma_start3A_412 = tpu.memref_slice %arg2[%add3A_4, %dma_start3A_411] : memref<800x128xi32, #tpu.memory_space<hbm>> -> memref<8x128xi32, #tpu.memory_space<hbm>>
      %dma_start3A_413 = arith.constant 0 : i32
      %dma_start3A_414 = tpu.memref_slice %arg2[%add3A_4, %dma_start3A_413] : memref<800x128xi32, #tpu.memory_space<hbm>> -> memref<8x128xi32, #tpu.memory_space<hbm>>
      tpu.enqueue_dma source(%dma_start3A_414 : memref<8x128xi32, #tpu.memory_space<hbm>>) target(%arg7 : memref<8x128xi32, #tpu.memory_space<vmem>>) target_semaphore(%run_scoped3A : memref<!tpu.dma_semaphore, #tpu.memory_space<semaphore_mem>>)
      %dma_wait3A_415 = arith.constant 0 : i32
      %dma_wait3A_416 = tpu.memref_slice %arg2[%add3A_4, %dma_wait3A_415] : memref<800x128xi32, #tpu.memory_space<hbm>> -> memref<8x128xi32, #tpu.memory_space<hbm>>
      %dma_wait3A_417 = arith.constant 0 : i32
      %dma_wait3A_418 = tpu.memref_slice %arg2[%add3A_4, %dma_wait3A_417] : memref<800x128xi32, #tpu.memory_space<hbm>> -> memref<8x128xi32, #tpu.memory_space<hbm>>
      tpu.wait_dma2 semaphore(%run_scoped3A : memref<!tpu.dma_semaphore, #tpu.memory_space<semaphore_mem>>) src(%dma_wait3A_418 : memref<8x128xi32, #tpu.memory_space<hbm>>) dst(%arg7 : memref<8x128xi32, #tpu.memory_space<vmem>>)
      tpu.yield
    }) : () -> ()
    "tpu.region"() ({
      %run_scoped3A = tpu.sem_alloc : memref<!tpu.dma_semaphore, #tpu.memory_space<semaphore_mem>>
      %dma_start3A_411 = arith.constant 0 : i32
      %dma_start3A_412 = tpu.memref_slice %arg3[%add3A_4, %dma_start3A_411] : memref<800x128xi32, #tpu.memory_space<hbm>> -> memref<8x128xi32, #tpu.memory_space<hbm>>
      %dma_start3A_413 = arith.constant 0 : i32
      %dma_start3A_414 = tpu.memref_slice %arg3[%add3A_4, %dma_start3A_413] : memref<800x128xi32, #tpu.memory_space<hbm>> -> memref<8x128xi32, #tpu.memory_space<hbm>>
      tpu.enqueue_dma source(%dma_start3A_414 : memref<8x128xi32, #tpu.memory_space<hbm>>) target(%arg8 : memref<8x128xi32, #tpu.memory_space<vmem>>) target_semaphore(%run_scoped3A : memref<!tpu.dma_semaphore, #tpu.memory_space<semaphore_mem>>)
      %dma_wait3A_415 = arith.constant 0 : i32
      %dma_wait3A_416 = tpu.memref_slice %arg3[%add3A_4, %dma_wait3A_415] : memref<800x128xi32, #tpu.memory_space<hbm>> -> memref<8x128xi32, #tpu.memory_space<hbm>>
      %dma_wait3A_417 = arith.constant 0 : i32
      %dma_wait3A_418 = tpu.memref_slice %arg3[%add3A_4, %dma_wait3A_417] : memref<800x128xi32, #tpu.memory_space<hbm>> -> memref<8x128xi32, #tpu.memory_space<hbm>>
      tpu.wait_dma2 semaphore(%run_scoped3A : memref<!tpu.dma_semaphore, #tpu.memory_space<semaphore_mem>>) src(%dma_wait3A_418 : memref<8x128xi32, #tpu.memory_space<hbm>>) dst(%arg8 : memref<8x128xi32, #tpu.memory_space<vmem>>)
      tpu.yield
    }) : () -> ()
    %dma_start3A = arith.constant 0 : i32
    %dma_start3A_9 = arith.constant 0 : i32
    %dma_start3A_10 = arith.constant 0 : i32
    %dma_start3A_11 = tpu.memref_slice %arg9[%dma_start3A_9, %dma_start3A_10] : memref<640x64xf32, #tpu.memory_space<vmem>> -> memref<128x64xf32, #tpu.memory_space<vmem>>
    %dma_start3A_12 = arith.constant 0 : i32
    %dma_start3A_13 = tpu.memref_slice %arg7[%dma_start3A, %dma_start3A_12] : memref<8x128xi32, #tpu.memory_space<vmem>> -> memref<1x128xi32, #tpu.memory_space<vmem>>
    %dma_start3A_14 = tpu.memref_squeeze %dma_start3A_13 : memref<1x128xi32, #tpu.memory_space<vmem>> -> memref<128xi32, #tpu.memory_space<vmem>>
    %dma_start3A_15 = arith.constant 0 : i32
    %dma_start3A_16 = arith.constant 0 : i32
    %dma_start3A_17 = tpu.memref_slice %arg4[%dma_start3A_15, %dma_start3A_16] : memref<100000x64xf32, #tpu.memory_space<hbm>> -> memref<100000x64xf32, #tpu.memory_space<hbm>>
    tpu.enqueue_indirect_dma source(%dma_start3A_17 : memref<100000x64xf32, #tpu.memory_space<hbm>>) target(%dma_start3A_11 : memref<128x64xf32, #tpu.memory_space<vmem>>) offsets(%dma_start3A_14 : memref<128xi32, #tpu.memory_space<vmem>>) semaphore(%arg13 : memref<!tpu.dma_semaphore, #tpu.memory_space<semaphore_mem>>)
    %dma_start3A_18 = arith.constant 0 : i32
    %dma_start3A_19 = arith.constant 0 : i32
    %dma_start3A_20 = arith.constant 0 : i32
    %dma_start3A_21 = tpu.memref_slice %arg11[%dma_start3A_19, %dma_start3A_20] : memref<640x16xf32, #tpu.memory_space<vmem>> -> memref<128x16xf32, #tpu.memory_space<vmem>>
    %dma_start3A_22 = arith.constant 0 : i32
    %dma_start3A_23 = tpu.memref_slice %arg8[%dma_start3A_18, %dma_start3A_22] : memref<8x128xi32, #tpu.memory_space<vmem>> -> memref<1x128xi32, #tpu.memory_space<vmem>>
    %dma_start3A_24 = tpu.memref_squeeze %dma_start3A_23 : memref<1x128xi32, #tpu.memory_space<vmem>> -> memref<128xi32, #tpu.memory_space<vmem>>
    %dma_start3A_25 = arith.constant 0 : i32
    %dma_start3A_26 = arith.constant 0 : i32
    %dma_start3A_27 = tpu.memref_slice %arg5[%dma_start3A_25, %dma_start3A_26] : memref<1024x16xf32, #tpu.memory_space<hbm>> -> memref<1024x16xf32, #tpu.memory_space<hbm>>
    tpu.enqueue_indirect_dma source(%dma_start3A_27 : memref<1024x16xf32, #tpu.memory_space<hbm>>) target(%dma_start3A_21 : memref<128x16xf32, #tpu.memory_space<vmem>>) offsets(%dma_start3A_24 : memref<128xi32, #tpu.memory_space<vmem>>) semaphore(%arg13 : memref<!tpu.dma_semaphore, #tpu.memory_space<semaphore_mem>>)
    %dma_start3A_28 = arith.constant 1 : i32
    %dma_start3A_29 = arith.constant 128 : i32
    %dma_start3A_30 = arith.constant 0 : i32
    %dma_start3A_31 = tpu.memref_slice %arg9[%dma_start3A_29, %dma_start3A_30] : memref<640x64xf32, #tpu.memory_space<vmem>> -> memref<128x64xf32, #tpu.memory_space<vmem>>
    %dma_start3A_32 = arith.constant 0 : i32
    %dma_start3A_33 = tpu.memref_slice %arg7[%dma_start3A_28, %dma_start3A_32] : memref<8x128xi32, #tpu.memory_space<vmem>> -> memref<1x128xi32, #tpu.memory_space<vmem>>
    %dma_start3A_34 = tpu.memref_squeeze %dma_start3A_33 : memref<1x128xi32, #tpu.memory_space<vmem>> -> memref<128xi32, #tpu.memory_space<vmem>>
    %dma_start3A_35 = arith.constant 0 : i32
    %dma_start3A_36 = arith.constant 0 : i32
    %dma_start3A_37 = tpu.memref_slice %arg4[%dma_start3A_35, %dma_start3A_36] : memref<100000x64xf32, #tpu.memory_space<hbm>> -> memref<100000x64xf32, #tpu.memory_space<hbm>>
    tpu.enqueue_indirect_dma source(%dma_start3A_37 : memref<100000x64xf32, #tpu.memory_space<hbm>>) target(%dma_start3A_31 : memref<128x64xf32, #tpu.memory_space<vmem>>) offsets(%dma_start3A_34 : memref<128xi32, #tpu.memory_space<vmem>>) semaphore(%arg13 : memref<!tpu.dma_semaphore, #tpu.memory_space<semaphore_mem>>)
    %dma_start3A_38 = arith.constant 1 : i32
    %dma_start3A_39 = arith.constant 128 : i32
    %dma_start3A_40 = arith.constant 0 : i32
    %dma_start3A_41 = tpu.memref_slice %arg11[%dma_start3A_39, %dma_start3A_40] : memref<640x16xf32, #tpu.memory_space<vmem>> -> memref<128x16xf32, #tpu.memory_space<vmem>>
    %dma_start3A_42 = arith.constant 0 : i32
    %dma_start3A_43 = tpu.memref_slice %arg8[%dma_start3A_38, %dma_start3A_42] : memref<8x128xi32, #tpu.memory_space<vmem>> -> memref<1x128xi32, #tpu.memory_space<vmem>>
    %dma_start3A_44 = tpu.memref_squeeze %dma_start3A_43 : memref<1x128xi32, #tpu.memory_space<vmem>> -> memref<128xi32, #tpu.memory_space<vmem>>
    %dma_start3A_45 = arith.constant 0 : i32
    %dma_start3A_46 = arith.constant 0 : i32
    %dma_start3A_47 = tpu.memref_slice %arg5[%dma_start3A_45, %dma_start3A_46] : memref<1024x16xf32, #tpu.memory_space<hbm>> -> memref<1024x16xf32, #tpu.memory_space<hbm>>
    tpu.enqueue_indirect_dma source(%dma_start3A_47 : memref<1024x16xf32, #tpu.memory_space<hbm>>) target(%dma_start3A_41 : memref<128x16xf32, #tpu.memory_space<vmem>>) offsets(%dma_start3A_44 : memref<128xi32, #tpu.memory_space<vmem>>) semaphore(%arg13 : memref<!tpu.dma_semaphore, #tpu.memory_space<semaphore_mem>>)
    %dma_start3A_48 = arith.constant 2 : i32
    %dma_start3A_49 = arith.constant 256 : i32
    %dma_start3A_50 = arith.constant 0 : i32
    %dma_start3A_51 = tpu.memref_slice %arg9[%dma_start3A_49, %dma_start3A_50] : memref<640x64xf32, #tpu.memory_space<vmem>> -> memref<128x64xf32, #tpu.memory_space<vmem>>
    %dma_start3A_52 = arith.constant 0 : i32
    %dma_start3A_53 = tpu.memref_slice %arg7[%dma_start3A_48, %dma_start3A_52] : memref<8x128xi32, #tpu.memory_space<vmem>> -> memref<1x128xi32, #tpu.memory_space<vmem>>
    %dma_start3A_54 = tpu.memref_squeeze %dma_start3A_53 : memref<1x128xi32, #tpu.memory_space<vmem>> -> memref<128xi32, #tpu.memory_space<vmem>>
    %dma_start3A_55 = arith.constant 0 : i32
    %dma_start3A_56 = arith.constant 0 : i32
    %dma_start3A_57 = tpu.memref_slice %arg4[%dma_start3A_55, %dma_start3A_56] : memref<100000x64xf32, #tpu.memory_space<hbm>> -> memref<100000x64xf32, #tpu.memory_space<hbm>>
    tpu.enqueue_indirect_dma source(%dma_start3A_57 : memref<100000x64xf32, #tpu.memory_space<hbm>>) target(%dma_start3A_51 : memref<128x64xf32, #tpu.memory_space<vmem>>) offsets(%dma_start3A_54 : memref<128xi32, #tpu.memory_space<vmem>>) semaphore(%arg13 : memref<!tpu.dma_semaphore, #tpu.memory_space<semaphore_mem>>)
    %dma_start3A_58 = arith.constant 2 : i32
    %dma_start3A_59 = arith.constant 256 : i32
    %dma_start3A_60 = arith.constant 0 : i32
    %dma_start3A_61 = tpu.memref_slice %arg11[%dma_start3A_59, %dma_start3A_60] : memref<640x16xf32, #tpu.memory_space<vmem>> -> memref<128x16xf32, #tpu.memory_space<vmem>>
    %dma_start3A_62 = arith.constant 0 : i32
    %dma_start3A_63 = tpu.memref_slice %arg8[%dma_start3A_58, %dma_start3A_62] : memref<8x128xi32, #tpu.memory_space<vmem>> -> memref<1x128xi32, #tpu.memory_space<vmem>>
    %dma_start3A_64 = tpu.memref_squeeze %dma_start3A_63 : memref<1x128xi32, #tpu.memory_space<vmem>> -> memref<128xi32, #tpu.memory_space<vmem>>
    %dma_start3A_65 = arith.constant 0 : i32
    %dma_start3A_66 = arith.constant 0 : i32
    %dma_start3A_67 = tpu.memref_slice %arg5[%dma_start3A_65, %dma_start3A_66] : memref<1024x16xf32, #tpu.memory_space<hbm>> -> memref<1024x16xf32, #tpu.memory_space<hbm>>
    tpu.enqueue_indirect_dma source(%dma_start3A_67 : memref<1024x16xf32, #tpu.memory_space<hbm>>) target(%dma_start3A_61 : memref<128x16xf32, #tpu.memory_space<vmem>>) offsets(%dma_start3A_64 : memref<128xi32, #tpu.memory_space<vmem>>) semaphore(%arg13 : memref<!tpu.dma_semaphore, #tpu.memory_space<semaphore_mem>>)
    %dma_start3A_68 = arith.constant 3 : i32
    %dma_start3A_69 = arith.constant 384 : i32
    %dma_start3A_70 = arith.constant 0 : i32
    %dma_start3A_71 = tpu.memref_slice %arg9[%dma_start3A_69, %dma_start3A_70] : memref<640x64xf32, #tpu.memory_space<vmem>> -> memref<128x64xf32, #tpu.memory_space<vmem>>
    %dma_start3A_72 = arith.constant 0 : i32
    %dma_start3A_73 = tpu.memref_slice %arg7[%dma_start3A_68, %dma_start3A_72] : memref<8x128xi32, #tpu.memory_space<vmem>> -> memref<1x128xi32, #tpu.memory_space<vmem>>
    %dma_start3A_74 = tpu.memref_squeeze %dma_start3A_73 : memref<1x128xi32, #tpu.memory_space<vmem>> -> memref<128xi32, #tpu.memory_space<vmem>>
    %dma_start3A_75 = arith.constant 0 : i32
    %dma_start3A_76 = arith.constant 0 : i32
    %dma_start3A_77 = tpu.memref_slice %arg4[%dma_start3A_75, %dma_start3A_76] : memref<100000x64xf32, #tpu.memory_space<hbm>> -> memref<100000x64xf32, #tpu.memory_space<hbm>>
    tpu.enqueue_indirect_dma source(%dma_start3A_77 : memref<100000x64xf32, #tpu.memory_space<hbm>>) target(%dma_start3A_71 : memref<128x64xf32, #tpu.memory_space<vmem>>) offsets(%dma_start3A_74 : memref<128xi32, #tpu.memory_space<vmem>>) semaphore(%arg13 : memref<!tpu.dma_semaphore, #tpu.memory_space<semaphore_mem>>)
    %dma_start3A_78 = arith.constant 3 : i32
    %dma_start3A_79 = arith.constant 384 : i32
    %dma_start3A_80 = arith.constant 0 : i32
    %dma_start3A_81 = tpu.memref_slice %arg11[%dma_start3A_79, %dma_start3A_80] : memref<640x16xf32, #tpu.memory_space<vmem>> -> memref<128x16xf32, #tpu.memory_space<vmem>>
    %dma_start3A_82 = arith.constant 0 : i32
    %dma_start3A_83 = tpu.memref_slice %arg8[%dma_start3A_78, %dma_start3A_82] : memref<8x128xi32, #tpu.memory_space<vmem>> -> memref<1x128xi32, #tpu.memory_space<vmem>>
    %dma_start3A_84 = tpu.memref_squeeze %dma_start3A_83 : memref<1x128xi32, #tpu.memory_space<vmem>> -> memref<128xi32, #tpu.memory_space<vmem>>
    %dma_start3A_85 = arith.constant 0 : i32
    %dma_start3A_86 = arith.constant 0 : i32
    %dma_start3A_87 = tpu.memref_slice %arg5[%dma_start3A_85, %dma_start3A_86] : memref<1024x16xf32, #tpu.memory_space<hbm>> -> memref<1024x16xf32, #tpu.memory_space<hbm>>
    tpu.enqueue_indirect_dma source(%dma_start3A_87 : memref<1024x16xf32, #tpu.memory_space<hbm>>) target(%dma_start3A_81 : memref<128x16xf32, #tpu.memory_space<vmem>>) offsets(%dma_start3A_84 : memref<128xi32, #tpu.memory_space<vmem>>) semaphore(%arg13 : memref<!tpu.dma_semaphore, #tpu.memory_space<semaphore_mem>>)
    %dma_start3A_88 = arith.constant 4 : i32
    %dma_start3A_89 = arith.constant 512 : i32
    %dma_start3A_90 = arith.constant 0 : i32
    %dma_start3A_91 = tpu.memref_slice %arg9[%dma_start3A_89, %dma_start3A_90] : memref<640x64xf32, #tpu.memory_space<vmem>> -> memref<128x64xf32, #tpu.memory_space<vmem>>
    %dma_start3A_92 = arith.constant 0 : i32
    %dma_start3A_93 = tpu.memref_slice %arg7[%dma_start3A_88, %dma_start3A_92] : memref<8x128xi32, #tpu.memory_space<vmem>> -> memref<1x128xi32, #tpu.memory_space<vmem>>
    %dma_start3A_94 = tpu.memref_squeeze %dma_start3A_93 : memref<1x128xi32, #tpu.memory_space<vmem>> -> memref<128xi32, #tpu.memory_space<vmem>>
    %dma_start3A_95 = arith.constant 0 : i32
    %dma_start3A_96 = arith.constant 0 : i32
    %dma_start3A_97 = tpu.memref_slice %arg4[%dma_start3A_95, %dma_start3A_96] : memref<100000x64xf32, #tpu.memory_space<hbm>> -> memref<100000x64xf32, #tpu.memory_space<hbm>>
    tpu.enqueue_indirect_dma source(%dma_start3A_97 : memref<100000x64xf32, #tpu.memory_space<hbm>>) target(%dma_start3A_91 : memref<128x64xf32, #tpu.memory_space<vmem>>) offsets(%dma_start3A_94 : memref<128xi32, #tpu.memory_space<vmem>>) semaphore(%arg13 : memref<!tpu.dma_semaphore, #tpu.memory_space<semaphore_mem>>)
    %dma_start3A_98 = arith.constant 4 : i32
    %dma_start3A_99 = arith.constant 512 : i32
    %dma_start3A_100 = arith.constant 0 : i32
    %dma_start3A_101 = tpu.memref_slice %arg11[%dma_start3A_99, %dma_start3A_100] : memref<640x16xf32, #tpu.memory_space<vmem>> -> memref<128x16xf32, #tpu.memory_space<vmem>>
    %dma_start3A_102 = arith.constant 0 : i32
    %dma_start3A_103 = tpu.memref_slice %arg8[%dma_start3A_98, %dma_start3A_102] : memref<8x128xi32, #tpu.memory_space<vmem>> -> memref<1x128xi32, #tpu.memory_space<vmem>>
    %dma_start3A_104 = tpu.memref_squeeze %dma_start3A_103 : memref<1x128xi32, #tpu.memory_space<vmem>> -> memref<128xi32, #tpu.memory_space<vmem>>
    %dma_start3A_105 = arith.constant 0 : i32
    %dma_start3A_106 = arith.constant 0 : i32
    %dma_start3A_107 = tpu.memref_slice %arg5[%dma_start3A_105, %dma_start3A_106] : memref<1024x16xf32, #tpu.memory_space<hbm>> -> memref<1024x16xf32, #tpu.memory_space<hbm>>
    tpu.enqueue_indirect_dma source(%dma_start3A_107 : memref<1024x16xf32, #tpu.memory_space<hbm>>) target(%dma_start3A_101 : memref<128x16xf32, #tpu.memory_space<vmem>>) offsets(%dma_start3A_104 : memref<128xi32, #tpu.memory_space<vmem>>) semaphore(%arg13 : memref<!tpu.dma_semaphore, #tpu.memory_space<semaphore_mem>>)
    %dma_start3A_108 = arith.constant 5 : i32
    %dma_start3A_109 = arith.constant 0 : i32
    %dma_start3A_110 = arith.constant 0 : i32
    %dma_start3A_111 = tpu.memref_slice %arg10[%dma_start3A_109, %dma_start3A_110] : memref<640x64xf32, #tpu.memory_space<vmem>> -> memref<128x64xf32, #tpu.memory_space<vmem>>
    %dma_start3A_112 = arith.constant 0 : i32
    %dma_start3A_113 = tpu.memref_slice %arg7[%dma_start3A_108, %dma_start3A_112] : memref<8x128xi32, #tpu.memory_space<vmem>> -> memref<1x128xi32, #tpu.memory_space<vmem>>
    %dma_start3A_114 = tpu.memref_squeeze %dma_start3A_113 : memref<1x128xi32, #tpu.memory_space<vmem>> -> memref<128xi32, #tpu.memory_space<vmem>>
    %dma_start3A_115 = arith.constant 0 : i32
    %dma_start3A_116 = arith.constant 0 : i32
    %dma_start3A_117 = tpu.memref_slice %arg4[%dma_start3A_115, %dma_start3A_116] : memref<100000x64xf32, #tpu.memory_space<hbm>> -> memref<100000x64xf32, #tpu.memory_space<hbm>>
    tpu.enqueue_indirect_dma source(%dma_start3A_117 : memref<100000x64xf32, #tpu.memory_space<hbm>>) target(%dma_start3A_111 : memref<128x64xf32, #tpu.memory_space<vmem>>) offsets(%dma_start3A_114 : memref<128xi32, #tpu.memory_space<vmem>>) semaphore(%arg14 : memref<!tpu.dma_semaphore, #tpu.memory_space<semaphore_mem>>)
    %dma_start3A_118 = arith.constant 5 : i32
    %dma_start3A_119 = arith.constant 0 : i32
    %dma_start3A_120 = arith.constant 0 : i32
    %dma_start3A_121 = tpu.memref_slice %arg12[%dma_start3A_119, %dma_start3A_120] : memref<640x16xf32, #tpu.memory_space<vmem>> -> memref<128x16xf32, #tpu.memory_space<vmem>>
    %dma_start3A_122 = arith.constant 0 : i32
    %dma_start3A_123 = tpu.memref_slice %arg8[%dma_start3A_118, %dma_start3A_122] : memref<8x128xi32, #tpu.memory_space<vmem>> -> memref<1x128xi32, #tpu.memory_space<vmem>>
    %dma_start3A_124 = tpu.memref_squeeze %dma_start3A_123 : memref<1x128xi32, #tpu.memory_space<vmem>> -> memref<128xi32, #tpu.memory_space<vmem>>
    %dma_start3A_125 = arith.constant 0 : i32
    %dma_start3A_126 = arith.constant 0 : i32
    %dma_start3A_127 = tpu.memref_slice %arg5[%dma_start3A_125, %dma_start3A_126] : memref<1024x16xf32, #tpu.memory_space<hbm>> -> memref<1024x16xf32, #tpu.memory_space<hbm>>
    tpu.enqueue_indirect_dma source(%dma_start3A_127 : memref<1024x16xf32, #tpu.memory_space<hbm>>) target(%dma_start3A_121 : memref<128x16xf32, #tpu.memory_space<vmem>>) offsets(%dma_start3A_124 : memref<128xi32, #tpu.memory_space<vmem>>) semaphore(%arg14 : memref<!tpu.dma_semaphore, #tpu.memory_space<semaphore_mem>>)
    %dma_start3A_128 = arith.constant 6 : i32
    %dma_start3A_129 = arith.constant 128 : i32
    %dma_start3A_130 = arith.constant 0 : i32
    %dma_start3A_131 = tpu.memref_slice %arg10[%dma_start3A_129, %dma_start3A_130] : memref<640x64xf32, #tpu.memory_space<vmem>> -> memref<128x64xf32, #tpu.memory_space<vmem>>
    %dma_start3A_132 = arith.constant 0 : i32
    %dma_start3A_133 = tpu.memref_slice %arg7[%dma_start3A_128, %dma_start3A_132] : memref<8x128xi32, #tpu.memory_space<vmem>> -> memref<1x128xi32, #tpu.memory_space<vmem>>
    %dma_start3A_134 = tpu.memref_squeeze %dma_start3A_133 : memref<1x128xi32, #tpu.memory_space<vmem>> -> memref<128xi32, #tpu.memory_space<vmem>>
    %dma_start3A_135 = arith.constant 0 : i32
    %dma_start3A_136 = arith.constant 0 : i32
    %dma_start3A_137 = tpu.memref_slice %arg4[%dma_start3A_135, %dma_start3A_136] : memref<100000x64xf32, #tpu.memory_space<hbm>> -> memref<100000x64xf32, #tpu.memory_space<hbm>>
    tpu.enqueue_indirect_dma source(%dma_start3A_137 : memref<100000x64xf32, #tpu.memory_space<hbm>>) target(%dma_start3A_131 : memref<128x64xf32, #tpu.memory_space<vmem>>) offsets(%dma_start3A_134 : memref<128xi32, #tpu.memory_space<vmem>>) semaphore(%arg14 : memref<!tpu.dma_semaphore, #tpu.memory_space<semaphore_mem>>)
    %dma_start3A_138 = arith.constant 6 : i32
    %dma_start3A_139 = arith.constant 128 : i32
    %dma_start3A_140 = arith.constant 0 : i32
    %dma_start3A_141 = tpu.memref_slice %arg12[%dma_start3A_139, %dma_start3A_140] : memref<640x16xf32, #tpu.memory_space<vmem>> -> memref<128x16xf32, #tpu.memory_space<vmem>>
    %dma_start3A_142 = arith.constant 0 : i32
    %dma_start3A_143 = tpu.memref_slice %arg8[%dma_start3A_138, %dma_start3A_142] : memref<8x128xi32, #tpu.memory_space<vmem>> -> memref<1x128xi32, #tpu.memory_space<vmem>>
    %dma_start3A_144 = tpu.memref_squeeze %dma_start3A_143 : memref<1x128xi32, #tpu.memory_space<vmem>> -> memref<128xi32, #tpu.memory_space<vmem>>
    %dma_start3A_145 = arith.constant 0 : i32
    %dma_start3A_146 = arith.constant 0 : i32
    %dma_start3A_147 = tpu.memref_slice %arg5[%dma_start3A_145, %dma_start3A_146] : memref<1024x16xf32, #tpu.memory_space<hbm>> -> memref<1024x16xf32, #tpu.memory_space<hbm>>
    tpu.enqueue_indirect_dma source(%dma_start3A_147 : memref<1024x16xf32, #tpu.memory_space<hbm>>) target(%dma_start3A_141 : memref<128x16xf32, #tpu.memory_space<vmem>>) offsets(%dma_start3A_144 : memref<128xi32, #tpu.memory_space<vmem>>) semaphore(%arg14 : memref<!tpu.dma_semaphore, #tpu.memory_space<semaphore_mem>>)
    %dma_start3A_148 = arith.constant 7 : i32
    %dma_start3A_149 = arith.constant 256 : i32
    %dma_start3A_150 = arith.constant 0 : i32
    %dma_start3A_151 = tpu.memref_slice %arg10[%dma_start3A_149, %dma_start3A_150] : memref<640x64xf32, #tpu.memory_space<vmem>> -> memref<128x64xf32, #tpu.memory_space<vmem>>
    %dma_start3A_152 = arith.constant 0 : i32
    %dma_start3A_153 = tpu.memref_slice %arg7[%dma_start3A_148, %dma_start3A_152] : memref<8x128xi32, #tpu.memory_space<vmem>> -> memref<1x128xi32, #tpu.memory_space<vmem>>
    %dma_start3A_154 = tpu.memref_squeeze %dma_start3A_153 : memref<1x128xi32, #tpu.memory_space<vmem>> -> memref<128xi32, #tpu.memory_space<vmem>>
    %dma_start3A_155 = arith.constant 0 : i32
    %dma_start3A_156 = arith.constant 0 : i32
    %dma_start3A_157 = tpu.memref_slice %arg4[%dma_start3A_155, %dma_start3A_156] : memref<100000x64xf32, #tpu.memory_space<hbm>> -> memref<100000x64xf32, #tpu.memory_space<hbm>>
    tpu.enqueue_indirect_dma source(%dma_start3A_157 : memref<100000x64xf32, #tpu.memory_space<hbm>>) target(%dma_start3A_151 : memref<128x64xf32, #tpu.memory_space<vmem>>) offsets(%dma_start3A_154 : memref<128xi32, #tpu.memory_space<vmem>>) semaphore(%arg14 : memref<!tpu.dma_semaphore, #tpu.memory_space<semaphore_mem>>)
    %dma_start3A_158 = arith.constant 7 : i32
    %dma_start3A_159 = arith.constant 256 : i32
    %dma_start3A_160 = arith.constant 0 : i32
    %dma_start3A_161 = tpu.memref_slice %arg12[%dma_start3A_159, %dma_start3A_160] : memref<640x16xf32, #tpu.memory_space<vmem>> -> memref<128x16xf32, #tpu.memory_space<vmem>>
    %dma_start3A_162 = arith.constant 0 : i32
    %dma_start3A_163 = tpu.memref_slice %arg8[%dma_start3A_158, %dma_start3A_162] : memref<8x128xi32, #tpu.memory_space<vmem>> -> memref<1x128xi32, #tpu.memory_space<vmem>>
    %dma_start3A_164 = tpu.memref_squeeze %dma_start3A_163 : memref<1x128xi32, #tpu.memory_space<vmem>> -> memref<128xi32, #tpu.memory_space<vmem>>
    %dma_start3A_165 = arith.constant 0 : i32
    %dma_start3A_166 = arith.constant 0 : i32
    %dma_start3A_167 = tpu.memref_slice %arg5[%dma_start3A_165, %dma_start3A_166] : memref<1024x16xf32, #tpu.memory_space<hbm>> -> memref<1024x16xf32, #tpu.memory_space<hbm>>
    tpu.enqueue_indirect_dma source(%dma_start3A_167 : memref<1024x16xf32, #tpu.memory_space<hbm>>) target(%dma_start3A_161 : memref<128x16xf32, #tpu.memory_space<vmem>>) offsets(%dma_start3A_164 : memref<128xi32, #tpu.memory_space<vmem>>) semaphore(%arg14 : memref<!tpu.dma_semaphore, #tpu.memory_space<semaphore_mem>>)
    %dma_wait3A = arith.constant 0 : i32
    %dma_wait3A_168 = arith.constant 0 : i32
    %dma_wait3A_169 = arith.constant 0 : i32
    %dma_wait3A_170 = tpu.memref_slice %arg9[%dma_wait3A_168, %dma_wait3A_169] : memref<640x64xf32, #tpu.memory_space<vmem>> -> memref<128x64xf32, #tpu.memory_space<vmem>>
    %dma_wait3A_171 = arith.constant 0 : i32
    %dma_wait3A_172 = tpu.memref_slice %arg7[%dma_wait3A, %dma_wait3A_171] : memref<8x128xi32, #tpu.memory_space<vmem>> -> memref<1x128xi32, #tpu.memory_space<vmem>>
    %dma_wait3A_173 = tpu.memref_squeeze %dma_wait3A_172 : memref<1x128xi32, #tpu.memory_space<vmem>> -> memref<128xi32, #tpu.memory_space<vmem>>
    %dma_wait3A_174 = arith.constant 0 : i32
    %dma_wait3A_175 = arith.constant 0 : i32
    %dma_wait3A_176 = tpu.memref_slice %arg4[%dma_wait3A_174, %dma_wait3A_175] : memref<100000x64xf32, #tpu.memory_space<hbm>> -> memref<100000x64xf32, #tpu.memory_space<hbm>>
    tpu.wait_indirect_dma semaphore(%arg13 : memref<!tpu.dma_semaphore, #tpu.memory_space<semaphore_mem>>) src(%dma_wait3A_176 : memref<100000x64xf32, #tpu.memory_space<hbm>>) dst(%dma_wait3A_170 : memref<128x64xf32, #tpu.memory_space<vmem>>)
    %dma_wait3A_177 = arith.constant 0 : i32
    %dma_wait3A_178 = arith.constant 0 : i32
    %dma_wait3A_179 = arith.constant 0 : i32
    %dma_wait3A_180 = tpu.memref_slice %arg11[%dma_wait3A_178, %dma_wait3A_179] : memref<640x16xf32, #tpu.memory_space<vmem>> -> memref<128x16xf32, #tpu.memory_space<vmem>>
    %dma_wait3A_181 = arith.constant 0 : i32
    %dma_wait3A_182 = tpu.memref_slice %arg8[%dma_wait3A_177, %dma_wait3A_181] : memref<8x128xi32, #tpu.memory_space<vmem>> -> memref<1x128xi32, #tpu.memory_space<vmem>>
    %dma_wait3A_183 = tpu.memref_squeeze %dma_wait3A_182 : memref<1x128xi32, #tpu.memory_space<vmem>> -> memref<128xi32, #tpu.memory_space<vmem>>
    %dma_wait3A_184 = arith.constant 0 : i32
    %dma_wait3A_185 = arith.constant 0 : i32
    %dma_wait3A_186 = tpu.memref_slice %arg5[%dma_wait3A_184, %dma_wait3A_185] : memref<1024x16xf32, #tpu.memory_space<hbm>> -> memref<1024x16xf32, #tpu.memory_space<hbm>>
    tpu.wait_indirect_dma semaphore(%arg13 : memref<!tpu.dma_semaphore, #tpu.memory_space<semaphore_mem>>) src(%dma_wait3A_186 : memref<1024x16xf32, #tpu.memory_space<hbm>>) dst(%dma_wait3A_180 : memref<128x16xf32, #tpu.memory_space<vmem>>)
    %dma_wait3A_187 = arith.constant 1 : i32
    %dma_wait3A_188 = arith.constant 128 : i32
    %dma_wait3A_189 = arith.constant 0 : i32
    %dma_wait3A_190 = tpu.memref_slice %arg9[%dma_wait3A_188, %dma_wait3A_189] : memref<640x64xf32, #tpu.memory_space<vmem>> -> memref<128x64xf32, #tpu.memory_space<vmem>>
    %dma_wait3A_191 = arith.constant 0 : i32
    %dma_wait3A_192 = tpu.memref_slice %arg7[%dma_wait3A_187, %dma_wait3A_191] : memref<8x128xi32, #tpu.memory_space<vmem>> -> memref<1x128xi32, #tpu.memory_space<vmem>>
    %dma_wait3A_193 = tpu.memref_squeeze %dma_wait3A_192 : memref<1x128xi32, #tpu.memory_space<vmem>> -> memref<128xi32, #tpu.memory_space<vmem>>
    %dma_wait3A_194 = arith.constant 0 : i32
    %dma_wait3A_195 = arith.constant 0 : i32
    %dma_wait3A_196 = tpu.memref_slice %arg4[%dma_wait3A_194, %dma_wait3A_195] : memref<100000x64xf32, #tpu.memory_space<hbm>> -> memref<100000x64xf32, #tpu.memory_space<hbm>>
    tpu.wait_indirect_dma semaphore(%arg13 : memref<!tpu.dma_semaphore, #tpu.memory_space<semaphore_mem>>) src(%dma_wait3A_196 : memref<100000x64xf32, #tpu.memory_space<hbm>>) dst(%dma_wait3A_190 : memref<128x64xf32, #tpu.memory_space<vmem>>)
    %dma_wait3A_197 = arith.constant 1 : i32
    %dma_wait3A_198 = arith.constant 128 : i32
    %dma_wait3A_199 = arith.constant 0 : i32
    %dma_wait3A_200 = tpu.memref_slice %arg11[%dma_wait3A_198, %dma_wait3A_199] : memref<640x16xf32, #tpu.memory_space<vmem>> -> memref<128x16xf32, #tpu.memory_space<vmem>>
    %dma_wait3A_201 = arith.constant 0 : i32
    %dma_wait3A_202 = tpu.memref_slice %arg8[%dma_wait3A_197, %dma_wait3A_201] : memref<8x128xi32, #tpu.memory_space<vmem>> -> memref<1x128xi32, #tpu.memory_space<vmem>>
    %dma_wait3A_203 = tpu.memref_squeeze %dma_wait3A_202 : memref<1x128xi32, #tpu.memory_space<vmem>> -> memref<128xi32, #tpu.memory_space<vmem>>
    %dma_wait3A_204 = arith.constant 0 : i32
    %dma_wait3A_205 = arith.constant 0 : i32
    %dma_wait3A_206 = tpu.memref_slice %arg5[%dma_wait3A_204, %dma_wait3A_205] : memref<1024x16xf32, #tpu.memory_space<hbm>> -> memref<1024x16xf32, #tpu.memory_space<hbm>>
    tpu.wait_indirect_dma semaphore(%arg13 : memref<!tpu.dma_semaphore, #tpu.memory_space<semaphore_mem>>) src(%dma_wait3A_206 : memref<1024x16xf32, #tpu.memory_space<hbm>>) dst(%dma_wait3A_200 : memref<128x16xf32, #tpu.memory_space<vmem>>)
    %dma_wait3A_207 = arith.constant 2 : i32
    %dma_wait3A_208 = arith.constant 256 : i32
    %dma_wait3A_209 = arith.constant 0 : i32
    %dma_wait3A_210 = tpu.memref_slice %arg9[%dma_wait3A_208, %dma_wait3A_209] : memref<640x64xf32, #tpu.memory_space<vmem>> -> memref<128x64xf32, #tpu.memory_space<vmem>>
    %dma_wait3A_211 = arith.constant 0 : i32
    %dma_wait3A_212 = tpu.memref_slice %arg7[%dma_wait3A_207, %dma_wait3A_211] : memref<8x128xi32, #tpu.memory_space<vmem>> -> memref<1x128xi32, #tpu.memory_space<vmem>>
    %dma_wait3A_213 = tpu.memref_squeeze %dma_wait3A_212 : memref<1x128xi32, #tpu.memory_space<vmem>> -> memref<128xi32, #tpu.memory_space<vmem>>
    %dma_wait3A_214 = arith.constant 0 : i32
    %dma_wait3A_215 = arith.constant 0 : i32
    %dma_wait3A_216 = tpu.memref_slice %arg4[%dma_wait3A_214, %dma_wait3A_215] : memref<100000x64xf32, #tpu.memory_space<hbm>> -> memref<100000x64xf32, #tpu.memory_space<hbm>>
    tpu.wait_indirect_dma semaphore(%arg13 : memref<!tpu.dma_semaphore, #tpu.memory_space<semaphore_mem>>) src(%dma_wait3A_216 : memref<100000x64xf32, #tpu.memory_space<hbm>>) dst(%dma_wait3A_210 : memref<128x64xf32, #tpu.memory_space<vmem>>)
    %dma_wait3A_217 = arith.constant 2 : i32
    %dma_wait3A_218 = arith.constant 256 : i32
    %dma_wait3A_219 = arith.constant 0 : i32
    %dma_wait3A_220 = tpu.memref_slice %arg11[%dma_wait3A_218, %dma_wait3A_219] : memref<640x16xf32, #tpu.memory_space<vmem>> -> memref<128x16xf32, #tpu.memory_space<vmem>>
    %dma_wait3A_221 = arith.constant 0 : i32
    %dma_wait3A_222 = tpu.memref_slice %arg8[%dma_wait3A_217, %dma_wait3A_221] : memref<8x128xi32, #tpu.memory_space<vmem>> -> memref<1x128xi32, #tpu.memory_space<vmem>>
    %dma_wait3A_223 = tpu.memref_squeeze %dma_wait3A_222 : memref<1x128xi32, #tpu.memory_space<vmem>> -> memref<128xi32, #tpu.memory_space<vmem>>
    %dma_wait3A_224 = arith.constant 0 : i32
    %dma_wait3A_225 = arith.constant 0 : i32
    %dma_wait3A_226 = tpu.memref_slice %arg5[%dma_wait3A_224, %dma_wait3A_225] : memref<1024x16xf32, #tpu.memory_space<hbm>> -> memref<1024x16xf32, #tpu.memory_space<hbm>>
    tpu.wait_indirect_dma semaphore(%arg13 : memref<!tpu.dma_semaphore, #tpu.memory_space<semaphore_mem>>) src(%dma_wait3A_226 : memref<1024x16xf32, #tpu.memory_space<hbm>>) dst(%dma_wait3A_220 : memref<128x16xf32, #tpu.memory_space<vmem>>)
    %dma_wait3A_227 = arith.constant 3 : i32
    %dma_wait3A_228 = arith.constant 384 : i32
    %dma_wait3A_229 = arith.constant 0 : i32
    %dma_wait3A_230 = tpu.memref_slice %arg9[%dma_wait3A_228, %dma_wait3A_229] : memref<640x64xf32, #tpu.memory_space<vmem>> -> memref<128x64xf32, #tpu.memory_space<vmem>>
    %dma_wait3A_231 = arith.constant 0 : i32
    %dma_wait3A_232 = tpu.memref_slice %arg7[%dma_wait3A_227, %dma_wait3A_231] : memref<8x128xi32, #tpu.memory_space<vmem>> -> memref<1x128xi32, #tpu.memory_space<vmem>>
    %dma_wait3A_233 = tpu.memref_squeeze %dma_wait3A_232 : memref<1x128xi32, #tpu.memory_space<vmem>> -> memref<128xi32, #tpu.memory_space<vmem>>
    %dma_wait3A_234 = arith.constant 0 : i32
    %dma_wait3A_235 = arith.constant 0 : i32
    %dma_wait3A_236 = tpu.memref_slice %arg4[%dma_wait3A_234, %dma_wait3A_235] : memref<100000x64xf32, #tpu.memory_space<hbm>> -> memref<100000x64xf32, #tpu.memory_space<hbm>>
    tpu.wait_indirect_dma semaphore(%arg13 : memref<!tpu.dma_semaphore, #tpu.memory_space<semaphore_mem>>) src(%dma_wait3A_236 : memref<100000x64xf32, #tpu.memory_space<hbm>>) dst(%dma_wait3A_230 : memref<128x64xf32, #tpu.memory_space<vmem>>)
    %dma_wait3A_237 = arith.constant 3 : i32
    %dma_wait3A_238 = arith.constant 384 : i32
    %dma_wait3A_239 = arith.constant 0 : i32
    %dma_wait3A_240 = tpu.memref_slice %arg11[%dma_wait3A_238, %dma_wait3A_239] : memref<640x16xf32, #tpu.memory_space<vmem>> -> memref<128x16xf32, #tpu.memory_space<vmem>>
    %dma_wait3A_241 = arith.constant 0 : i32
    %dma_wait3A_242 = tpu.memref_slice %arg8[%dma_wait3A_237, %dma_wait3A_241] : memref<8x128xi32, #tpu.memory_space<vmem>> -> memref<1x128xi32, #tpu.memory_space<vmem>>
    %dma_wait3A_243 = tpu.memref_squeeze %dma_wait3A_242 : memref<1x128xi32, #tpu.memory_space<vmem>> -> memref<128xi32, #tpu.memory_space<vmem>>
    %dma_wait3A_244 = arith.constant 0 : i32
    %dma_wait3A_245 = arith.constant 0 : i32
    %dma_wait3A_246 = tpu.memref_slice %arg5[%dma_wait3A_244, %dma_wait3A_245] : memref<1024x16xf32, #tpu.memory_space<hbm>> -> memref<1024x16xf32, #tpu.memory_space<hbm>>
    tpu.wait_indirect_dma semaphore(%arg13 : memref<!tpu.dma_semaphore, #tpu.memory_space<semaphore_mem>>) src(%dma_wait3A_246 : memref<1024x16xf32, #tpu.memory_space<hbm>>) dst(%dma_wait3A_240 : memref<128x16xf32, #tpu.memory_space<vmem>>)
    %dma_wait3A_247 = arith.constant 4 : i32
    %dma_wait3A_248 = arith.constant 512 : i32
    %dma_wait3A_249 = arith.constant 0 : i32
    %dma_wait3A_250 = tpu.memref_slice %arg9[%dma_wait3A_248, %dma_wait3A_249] : memref<640x64xf32, #tpu.memory_space<vmem>> -> memref<128x64xf32, #tpu.memory_space<vmem>>
    %dma_wait3A_251 = arith.constant 0 : i32
    %dma_wait3A_252 = tpu.memref_slice %arg7[%dma_wait3A_247, %dma_wait3A_251] : memref<8x128xi32, #tpu.memory_space<vmem>> -> memref<1x128xi32, #tpu.memory_space<vmem>>
    %dma_wait3A_253 = tpu.memref_squeeze %dma_wait3A_252 : memref<1x128xi32, #tpu.memory_space<vmem>> -> memref<128xi32, #tpu.memory_space<vmem>>
    %dma_wait3A_254 = arith.constant 0 : i32
    %dma_wait3A_255 = arith.constant 0 : i32
    %dma_wait3A_256 = tpu.memref_slice %arg4[%dma_wait3A_254, %dma_wait3A_255] : memref<100000x64xf32, #tpu.memory_space<hbm>> -> memref<100000x64xf32, #tpu.memory_space<hbm>>
    tpu.wait_indirect_dma semaphore(%arg13 : memref<!tpu.dma_semaphore, #tpu.memory_space<semaphore_mem>>) src(%dma_wait3A_256 : memref<100000x64xf32, #tpu.memory_space<hbm>>) dst(%dma_wait3A_250 : memref<128x64xf32, #tpu.memory_space<vmem>>)
    %dma_wait3A_257 = arith.constant 4 : i32
    %dma_wait3A_258 = arith.constant 512 : i32
    %dma_wait3A_259 = arith.constant 0 : i32
    %dma_wait3A_260 = tpu.memref_slice %arg11[%dma_wait3A_258, %dma_wait3A_259] : memref<640x16xf32, #tpu.memory_space<vmem>> -> memref<128x16xf32, #tpu.memory_space<vmem>>
    %dma_wait3A_261 = arith.constant 0 : i32
    %dma_wait3A_262 = tpu.memref_slice %arg8[%dma_wait3A_257, %dma_wait3A_261] : memref<8x128xi32, #tpu.memory_space<vmem>> -> memref<1x128xi32, #tpu.memory_space<vmem>>
    %dma_wait3A_263 = tpu.memref_squeeze %dma_wait3A_262 : memref<1x128xi32, #tpu.memory_space<vmem>> -> memref<128xi32, #tpu.memory_space<vmem>>
    %dma_wait3A_264 = arith.constant 0 : i32
    %dma_wait3A_265 = arith.constant 0 : i32
    %dma_wait3A_266 = tpu.memref_slice %arg5[%dma_wait3A_264, %dma_wait3A_265] : memref<1024x16xf32, #tpu.memory_space<hbm>> -> memref<1024x16xf32, #tpu.memory_space<hbm>>
    tpu.wait_indirect_dma semaphore(%arg13 : memref<!tpu.dma_semaphore, #tpu.memory_space<semaphore_mem>>) src(%dma_wait3A_266 : memref<1024x16xf32, #tpu.memory_space<hbm>>) dst(%dma_wait3A_260 : memref<128x16xf32, #tpu.memory_space<vmem>>)
    %add3A_267 = arith.constant 0 : i32
    %add3A_268 = arith.addi %mul3A_8, %add3A_267 : i32
    %dma_start3A_269 = arith.constant 0 : i32
    %dma_start3A_270 = arith.constant 0 : i32
    %dma_start3A_271 = tpu.memref_slice %arg9[%dma_start3A_269, %dma_start3A_270] : memref<640x64xf32, #tpu.memory_space<vmem>> -> memref<640x64xf32, #tpu.memory_space<vmem>>
    %dma_start3A_272 = arith.constant 0 : i32
    %dma_start3A_273 = tpu.memref_slice %arg6[%add3A_268, %dma_start3A_272] : memref<32768x128xf32, #tpu.memory_space<hbm>> -> memref<640x64xf32, #tpu.memory_space<hbm>>
    %dma_start3A_274 = arith.constant 0 : i32
    %dma_start3A_275 = tpu.memref_slice %arg6[%add3A_268, %dma_start3A_274] : memref<32768x128xf32, #tpu.memory_space<hbm>> -> memref<640x64xf32, #tpu.memory_space<hbm>>
    %dma_start3A_276 = arith.constant 0 : i32
    %dma_start3A_277 = arith.constant 0 : i32
    %dma_start3A_278 = tpu.memref_slice %arg9[%dma_start3A_276, %dma_start3A_277] : memref<640x64xf32, #tpu.memory_space<vmem>> -> memref<640x64xf32, #tpu.memory_space<vmem>>
    tpu.enqueue_dma source(%dma_start3A_278 : memref<640x64xf32, #tpu.memory_space<vmem>>) target(%dma_start3A_275 : memref<640x64xf32, #tpu.memory_space<hbm>>) target_semaphore(%arg15 : memref<!tpu.dma_semaphore, #tpu.memory_space<semaphore_mem>>)
    %dma_start3A_279 = arith.constant 0 : i32
    %dma_start3A_280 = arith.constant 0 : i32
    %dma_start3A_281 = tpu.memref_slice %arg11[%dma_start3A_279, %dma_start3A_280] : memref<640x16xf32, #tpu.memory_space<vmem>> -> memref<640x16xf32, #tpu.memory_space<vmem>>
    %dma_start3A_282 = arith.constant 64 : i32
    %dma_start3A_283 = tpu.memref_slice %arg6[%add3A_268, %dma_start3A_282] : memref<32768x128xf32, #tpu.memory_space<hbm>> -> memref<640x16xf32, #tpu.memory_space<hbm>>
    %dma_start3A_284 = arith.constant 64 : i32
    %dma_start3A_285 = tpu.memref_slice %arg6[%add3A_268, %dma_start3A_284] : memref<32768x128xf32, #tpu.memory_space<hbm>> -> memref<640x16xf32, #tpu.memory_space<hbm>>
    %dma_start3A_286 = arith.constant 0 : i32
    %dma_start3A_287 = arith.constant 0 : i32
    %dma_start3A_288 = tpu.memref_slice %arg11[%dma_start3A_286, %dma_start3A_287] : memref<640x16xf32, #tpu.memory_space<vmem>> -> memref<640x16xf32, #tpu.memory_space<vmem>>
    tpu.enqueue_dma source(%dma_start3A_288 : memref<640x16xf32, #tpu.memory_space<vmem>>) target(%dma_start3A_285 : memref<640x16xf32, #tpu.memory_space<hbm>>) target_semaphore(%arg15 : memref<!tpu.dma_semaphore, #tpu.memory_space<semaphore_mem>>)
    %dma_wait3A_289 = arith.constant 0 : i32
    %dma_wait3A_290 = arith.constant 0 : i32
    %dma_wait3A_291 = tpu.memref_slice %arg9[%dma_wait3A_289, %dma_wait3A_290] : memref<640x64xf32, #tpu.memory_space<vmem>> -> memref<640x64xf32, #tpu.memory_space<vmem>>
    %dma_wait3A_292 = arith.constant 0 : i32
    %dma_wait3A_293 = tpu.memref_slice %arg6[%add3A_268, %dma_wait3A_292] : memref<32768x128xf32, #tpu.memory_space<hbm>> -> memref<640x64xf32, #tpu.memory_space<hbm>>
    %dma_wait3A_294 = arith.constant 0 : i32
    %dma_wait3A_295 = tpu.memref_slice %arg6[%add3A_268, %dma_wait3A_294] : memref<32768x128xf32, #tpu.memory_space<hbm>> -> memref<640x64xf32, #tpu.memory_space<hbm>>
    %dma_wait3A_296 = arith.constant 0 : i32
    %dma_wait3A_297 = arith.constant 0 : i32
    %dma_wait3A_298 = tpu.memref_slice %arg9[%dma_wait3A_296, %dma_wait3A_297] : memref<640x64xf32, #tpu.memory_space<vmem>> -> memref<640x64xf32, #tpu.memory_space<vmem>>
    tpu.wait_dma2 semaphore(%arg15 : memref<!tpu.dma_semaphore, #tpu.memory_space<semaphore_mem>>) src(%dma_wait3A_298 : memref<640x64xf32, #tpu.memory_space<vmem>>) dst(%dma_wait3A_295 : memref<640x64xf32, #tpu.memory_space<hbm>>)
    %dma_wait3A_299 = arith.constant 0 : i32
    %dma_wait3A_300 = arith.constant 0 : i32
    %dma_wait3A_301 = tpu.memref_slice %arg11[%dma_wait3A_299, %dma_wait3A_300] : memref<640x16xf32, #tpu.memory_space<vmem>> -> memref<640x16xf32, #tpu.memory_space<vmem>>
    %dma_wait3A_302 = arith.constant 64 : i32
    %dma_wait3A_303 = tpu.memref_slice %arg6[%add3A_268, %dma_wait3A_302] : memref<32768x128xf32, #tpu.memory_space<hbm>> -> memref<640x16xf32, #tpu.memory_space<hbm>>
    %dma_wait3A_304 = arith.constant 64 : i32
    %dma_wait3A_305 = tpu.memref_slice %arg6[%add3A_268, %dma_wait3A_304] : memref<32768x128xf32, #tpu.memory_space<hbm>> -> memref<640x16xf32, #tpu.memory_space<hbm>>
    %dma_wait3A_306 = arith.constant 0 : i32
    %dma_wait3A_307 = arith.constant 0 : i32
    %dma_wait3A_308 = tpu.memref_slice %arg11[%dma_wait3A_306, %dma_wait3A_307] : memref<640x16xf32, #tpu.memory_space<vmem>> -> memref<640x16xf32, #tpu.memory_space<vmem>>
    tpu.wait_dma2 semaphore(%arg15 : memref<!tpu.dma_semaphore, #tpu.memory_space<semaphore_mem>>) src(%dma_wait3A_308 : memref<640x16xf32, #tpu.memory_space<vmem>>) dst(%dma_wait3A_305 : memref<640x16xf32, #tpu.memory_space<hbm>>)
    %dma_wait3A_309 = arith.constant 5 : i32
    %dma_wait3A_310 = arith.constant 0 : i32
    %dma_wait3A_311 = arith.constant 0 : i32
    %dma_wait3A_312 = tpu.memref_slice %arg10[%dma_wait3A_310, %dma_wait3A_311] : memref<640x64xf32, #tpu.memory_space<vmem>> -> memref<128x64xf32, #tpu.memory_space<vmem>>
    %dma_wait3A_313 = arith.constant 0 : i32
    %dma_wait3A_314 = tpu.memref_slice %arg7[%dma_wait3A_309, %dma_wait3A_313] : memref<8x128xi32, #tpu.memory_space<vmem>> -> memref<1x128xi32, #tpu.memory_space<vmem>>
    %dma_wait3A_315 = tpu.memref_squeeze %dma_wait3A_314 : memref<1x128xi32, #tpu.memory_space<vmem>> -> memref<128xi32, #tpu.memory_space<vmem>>
    %dma_wait3A_316 = arith.constant 0 : i32
    %dma_wait3A_317 = arith.constant 0 : i32
    %dma_wait3A_318 = tpu.memref_slice %arg4[%dma_wait3A_316, %dma_wait3A_317] : memref<100000x64xf32, #tpu.memory_space<hbm>> -> memref<100000x64xf32, #tpu.memory_space<hbm>>
    tpu.wait_indirect_dma semaphore(%arg14 : memref<!tpu.dma_semaphore, #tpu.memory_space<semaphore_mem>>) src(%dma_wait3A_318 : memref<100000x64xf32, #tpu.memory_space<hbm>>) dst(%dma_wait3A_312 : memref<128x64xf32, #tpu.memory_space<vmem>>)
    %dma_wait3A_319 = arith.constant 5 : i32
    %dma_wait3A_320 = arith.constant 0 : i32
    %dma_wait3A_321 = arith.constant 0 : i32
    %dma_wait3A_322 = tpu.memref_slice %arg12[%dma_wait3A_320, %dma_wait3A_321] : memref<640x16xf32, #tpu.memory_space<vmem>> -> memref<128x16xf32, #tpu.memory_space<vmem>>
    %dma_wait3A_323 = arith.constant 0 : i32
    %dma_wait3A_324 = tpu.memref_slice %arg8[%dma_wait3A_319, %dma_wait3A_323] : memref<8x128xi32, #tpu.memory_space<vmem>> -> memref<1x128xi32, #tpu.memory_space<vmem>>
    %dma_wait3A_325 = tpu.memref_squeeze %dma_wait3A_324 : memref<1x128xi32, #tpu.memory_space<vmem>> -> memref<128xi32, #tpu.memory_space<vmem>>
    %dma_wait3A_326 = arith.constant 0 : i32
    %dma_wait3A_327 = arith.constant 0 : i32
    %dma_wait3A_328 = tpu.memref_slice %arg5[%dma_wait3A_326, %dma_wait3A_327] : memref<1024x16xf32, #tpu.memory_space<hbm>> -> memref<1024x16xf32, #tpu.memory_space<hbm>>
    tpu.wait_indirect_dma semaphore(%arg14 : memref<!tpu.dma_semaphore, #tpu.memory_space<semaphore_mem>>) src(%dma_wait3A_328 : memref<1024x16xf32, #tpu.memory_space<hbm>>) dst(%dma_wait3A_322 : memref<128x16xf32, #tpu.memory_space<vmem>>)
    %dma_wait3A_329 = arith.constant 6 : i32
    %dma_wait3A_330 = arith.constant 128 : i32
    %dma_wait3A_331 = arith.constant 0 : i32
    %dma_wait3A_332 = tpu.memref_slice %arg10[%dma_wait3A_330, %dma_wait3A_331] : memref<640x64xf32, #tpu.memory_space<vmem>> -> memref<128x64xf32, #tpu.memory_space<vmem>>
    %dma_wait3A_333 = arith.constant 0 : i32
    %dma_wait3A_334 = tpu.memref_slice %arg7[%dma_wait3A_329, %dma_wait3A_333] : memref<8x128xi32, #tpu.memory_space<vmem>> -> memref<1x128xi32, #tpu.memory_space<vmem>>
    %dma_wait3A_335 = tpu.memref_squeeze %dma_wait3A_334 : memref<1x128xi32, #tpu.memory_space<vmem>> -> memref<128xi32, #tpu.memory_space<vmem>>
    %dma_wait3A_336 = arith.constant 0 : i32
    %dma_wait3A_337 = arith.constant 0 : i32
    %dma_wait3A_338 = tpu.memref_slice %arg4[%dma_wait3A_336, %dma_wait3A_337] : memref<100000x64xf32, #tpu.memory_space<hbm>> -> memref<100000x64xf32, #tpu.memory_space<hbm>>
    tpu.wait_indirect_dma semaphore(%arg14 : memref<!tpu.dma_semaphore, #tpu.memory_space<semaphore_mem>>) src(%dma_wait3A_338 : memref<100000x64xf32, #tpu.memory_space<hbm>>) dst(%dma_wait3A_332 : memref<128x64xf32, #tpu.memory_space<vmem>>)
    %dma_wait3A_339 = arith.constant 6 : i32
    %dma_wait3A_340 = arith.constant 128 : i32
    %dma_wait3A_341 = arith.constant 0 : i32
    %dma_wait3A_342 = tpu.memref_slice %arg12[%dma_wait3A_340, %dma_wait3A_341] : memref<640x16xf32, #tpu.memory_space<vmem>> -> memref<128x16xf32, #tpu.memory_space<vmem>>
    %dma_wait3A_343 = arith.constant 0 : i32
    %dma_wait3A_344 = tpu.memref_slice %arg8[%dma_wait3A_339, %dma_wait3A_343] : memref<8x128xi32, #tpu.memory_space<vmem>> -> memref<1x128xi32, #tpu.memory_space<vmem>>
    %dma_wait3A_345 = tpu.memref_squeeze %dma_wait3A_344 : memref<1x128xi32, #tpu.memory_space<vmem>> -> memref<128xi32, #tpu.memory_space<vmem>>
    %dma_wait3A_346 = arith.constant 0 : i32
    %dma_wait3A_347 = arith.constant 0 : i32
    %dma_wait3A_348 = tpu.memref_slice %arg5[%dma_wait3A_346, %dma_wait3A_347] : memref<1024x16xf32, #tpu.memory_space<hbm>> -> memref<1024x16xf32, #tpu.memory_space<hbm>>
    tpu.wait_indirect_dma semaphore(%arg14 : memref<!tpu.dma_semaphore, #tpu.memory_space<semaphore_mem>>) src(%dma_wait3A_348 : memref<1024x16xf32, #tpu.memory_space<hbm>>) dst(%dma_wait3A_342 : memref<128x16xf32, #tpu.memory_space<vmem>>)
    %dma_wait3A_349 = arith.constant 7 : i32
    %dma_wait3A_350 = arith.constant 256 : i32
    %dma_wait3A_351 = arith.constant 0 : i32
    %dma_wait3A_352 = tpu.memref_slice %arg10[%dma_wait3A_350, %dma_wait3A_351] : memref<640x64xf32, #tpu.memory_space<vmem>> -> memref<128x64xf32, #tpu.memory_space<vmem>>
    %dma_wait3A_353 = arith.constant 0 : i32
    %dma_wait3A_354 = tpu.memref_slice %arg7[%dma_wait3A_349, %dma_wait3A_353] : memref<8x128xi32, #tpu.memory_space<vmem>> -> memref<1x128xi32, #tpu.memory_space<vmem>>
    %dma_wait3A_355 = tpu.memref_squeeze %dma_wait3A_354 : memref<1x128xi32, #tpu.memory_space<vmem>> -> memref<128xi32, #tpu.memory_space<vmem>>
    %dma_wait3A_356 = arith.constant 0 : i32
    %dma_wait3A_357 = arith.constant 0 : i32
    %dma_wait3A_358 = tpu.memref_slice %arg4[%dma_wait3A_356, %dma_wait3A_357] : memref<100000x64xf32, #tpu.memory_space<hbm>> -> memref<100000x64xf32, #tpu.memory_space<hbm>>
    tpu.wait_indirect_dma semaphore(%arg14 : memref<!tpu.dma_semaphore, #tpu.memory_space<semaphore_mem>>) src(%dma_wait3A_358 : memref<100000x64xf32, #tpu.memory_space<hbm>>) dst(%dma_wait3A_352 : memref<128x64xf32, #tpu.memory_space<vmem>>)
    %dma_wait3A_359 = arith.constant 7 : i32
    %dma_wait3A_360 = arith.constant 256 : i32
    %dma_wait3A_361 = arith.constant 0 : i32
    %dma_wait3A_362 = tpu.memref_slice %arg12[%dma_wait3A_360, %dma_wait3A_361] : memref<640x16xf32, #tpu.memory_space<vmem>> -> memref<128x16xf32, #tpu.memory_space<vmem>>
    %dma_wait3A_363 = arith.constant 0 : i32
    %dma_wait3A_364 = tpu.memref_slice %arg8[%dma_wait3A_359, %dma_wait3A_363] : memref<8x128xi32, #tpu.memory_space<vmem>> -> memref<1x128xi32, #tpu.memory_space<vmem>>
    %dma_wait3A_365 = tpu.memref_squeeze %dma_wait3A_364 : memref<1x128xi32, #tpu.memory_space<vmem>> -> memref<128xi32, #tpu.memory_space<vmem>>
    %dma_wait3A_366 = arith.constant 0 : i32
    %dma_wait3A_367 = arith.constant 0 : i32
    %dma_wait3A_368 = tpu.memref_slice %arg5[%dma_wait3A_366, %dma_wait3A_367] : memref<1024x16xf32, #tpu.memory_space<hbm>> -> memref<1024x16xf32, #tpu.memory_space<hbm>>
    tpu.wait_indirect_dma semaphore(%arg14 : memref<!tpu.dma_semaphore, #tpu.memory_space<semaphore_mem>>) src(%dma_wait3A_368 : memref<1024x16xf32, #tpu.memory_space<hbm>>) dst(%dma_wait3A_362 : memref<128x16xf32, #tpu.memory_space<vmem>>)
    %add3A_369 = arith.constant 640 : i32
    %add3A_370 = arith.addi %mul3A_8, %add3A_369 : i32
    %dma_start3A_371 = arith.constant 0 : i32
    %dma_start3A_372 = arith.constant 0 : i32
    %dma_start3A_373 = tpu.memref_slice %arg10[%dma_start3A_371, %dma_start3A_372] : memref<640x64xf32, #tpu.memory_space<vmem>> -> memref<384x64xf32, #tpu.memory_space<vmem>>
    %dma_start3A_374 = arith.constant 0 : i32
    %dma_start3A_375 = tpu.memref_slice %arg6[%add3A_370, %dma_start3A_374] : memref<32768x128xf32, #tpu.memory_space<hbm>> -> memref<384x64xf32, #tpu.memory_space<hbm>>
    %dma_start3A_376 = arith.constant 0 : i32
    %dma_start3A_377 = tpu.memref_slice %arg6[%add3A_370, %dma_start3A_376] : memref<32768x128xf32, #tpu.memory_space<hbm>> -> memref<384x64xf32, #tpu.memory_space<hbm>>
    %dma_start3A_378 = arith.constant 0 : i32
    %dma_start3A_379 = arith.constant 0 : i32
    %dma_start3A_380 = tpu.memref_slice %arg10[%dma_start3A_378, %dma_start3A_379] : memref<640x64xf32, #tpu.memory_space<vmem>> -> memref<384x64xf32, #tpu.memory_space<vmem>>
    tpu.enqueue_dma source(%dma_start3A_380 : memref<384x64xf32, #tpu.memory_space<vmem>>) target(%dma_start3A_377 : memref<384x64xf32, #tpu.memory_space<hbm>>) target_semaphore(%arg16 : memref<!tpu.dma_semaphore, #tpu.memory_space<semaphore_mem>>)
    %dma_start3A_381 = arith.constant 0 : i32
    %dma_start3A_382 = arith.constant 0 : i32
    %dma_start3A_383 = tpu.memref_slice %arg12[%dma_start3A_381, %dma_start3A_382] : memref<640x16xf32, #tpu.memory_space<vmem>> -> memref<384x16xf32, #tpu.memory_space<vmem>>
    %dma_start3A_384 = arith.constant 64 : i32
    %dma_start3A_385 = tpu.memref_slice %arg6[%add3A_370, %dma_start3A_384] : memref<32768x128xf32, #tpu.memory_space<hbm>> -> memref<384x16xf32, #tpu.memory_space<hbm>>
    %dma_start3A_386 = arith.constant 64 : i32
    %dma_start3A_387 = tpu.memref_slice %arg6[%add3A_370, %dma_start3A_386] : memref<32768x128xf32, #tpu.memory_space<hbm>> -> memref<384x16xf32, #tpu.memory_space<hbm>>
    %dma_start3A_388 = arith.constant 0 : i32
    %dma_start3A_389 = arith.constant 0 : i32
    %dma_start3A_390 = tpu.memref_slice %arg12[%dma_start3A_388, %dma_start3A_389] : memref<640x16xf32, #tpu.memory_space<vmem>> -> memref<384x16xf32, #tpu.memory_space<vmem>>
    tpu.enqueue_dma source(%dma_start3A_390 : memref<384x16xf32, #tpu.memory_space<vmem>>) target(%dma_start3A_387 : memref<384x16xf32, #tpu.memory_space<hbm>>) target_semaphore(%arg16 : memref<!tpu.dma_semaphore, #tpu.memory_space<semaphore_mem>>)
    %dma_wait3A_391 = arith.constant 0 : i32
    %dma_wait3A_392 = arith.constant 0 : i32
    %dma_wait3A_393 = tpu.memref_slice %arg10[%dma_wait3A_391, %dma_wait3A_392] : memref<640x64xf32, #tpu.memory_space<vmem>> -> memref<384x64xf32, #tpu.memory_space<vmem>>
    %dma_wait3A_394 = arith.constant 0 : i32
    %dma_wait3A_395 = tpu.memref_slice %arg6[%add3A_370, %dma_wait3A_394] : memref<32768x128xf32, #tpu.memory_space<hbm>> -> memref<384x64xf32, #tpu.memory_space<hbm>>
    %dma_wait3A_396 = arith.constant 0 : i32
    %dma_wait3A_397 = tpu.memref_slice %arg6[%add3A_370, %dma_wait3A_396] : memref<32768x128xf32, #tpu.memory_space<hbm>> -> memref<384x64xf32, #tpu.memory_space<hbm>>
    %dma_wait3A_398 = arith.constant 0 : i32
    %dma_wait3A_399 = arith.constant 0 : i32
    %dma_wait3A_400 = tpu.memref_slice %arg10[%dma_wait3A_398, %dma_wait3A_399] : memref<640x64xf32, #tpu.memory_space<vmem>> -> memref<384x64xf32, #tpu.memory_space<vmem>>
    tpu.wait_dma2 semaphore(%arg16 : memref<!tpu.dma_semaphore, #tpu.memory_space<semaphore_mem>>) src(%dma_wait3A_400 : memref<384x64xf32, #tpu.memory_space<vmem>>) dst(%dma_wait3A_397 : memref<384x64xf32, #tpu.memory_space<hbm>>)
    %dma_wait3A_401 = arith.constant 0 : i32
    %dma_wait3A_402 = arith.constant 0 : i32
    %dma_wait3A_403 = tpu.memref_slice %arg12[%dma_wait3A_401, %dma_wait3A_402] : memref<640x16xf32, #tpu.memory_space<vmem>> -> memref<384x16xf32, #tpu.memory_space<vmem>>
    %dma_wait3A_404 = arith.constant 64 : i32
    %dma_wait3A_405 = tpu.memref_slice %arg6[%add3A_370, %dma_wait3A_404] : memref<32768x128xf32, #tpu.memory_space<hbm>> -> memref<384x16xf32, #tpu.memory_space<hbm>>
    %dma_wait3A_406 = arith.constant 64 : i32
    %dma_wait3A_407 = tpu.memref_slice %arg6[%add3A_370, %dma_wait3A_406] : memref<32768x128xf32, #tpu.memory_space<hbm>> -> memref<384x16xf32, #tpu.memory_space<hbm>>
    %dma_wait3A_408 = arith.constant 0 : i32
    %dma_wait3A_409 = arith.constant 0 : i32
    %dma_wait3A_410 = tpu.memref_slice %arg12[%dma_wait3A_408, %dma_wait3A_409] : memref<640x16xf32, #tpu.memory_space<vmem>> -> memref<384x16xf32, #tpu.memory_space<vmem>>
    tpu.wait_dma2 semaphore(%arg16 : memref<!tpu.dma_semaphore, #tpu.memory_space<semaphore_mem>>) src(%dma_wait3A_410 : memref<384x16xf32, #tpu.memory_space<vmem>>) dst(%dma_wait3A_407 : memref<384x16xf32, #tpu.memory_space<hbm>>)
    return
  }
}

#map = affine_map<(d0, d1) -> (0, 0)>
module attributes {stable_mosaic.version = 14 : i64} {
  func.func @body(%arg0: i32, %arg1: i32, %arg2: memref<800x128xi32, #tpu.memory_space<hbm>>, %arg3: memref<800x128xi32, #tpu.memory_space<hbm>>, %arg4: memref<100000x64xf32, #tpu.memory_space<hbm>>, %arg5: memref<1024x16xf32, #tpu.memory_space<hbm>>, %arg6: memref<36864x128xf32, #tpu.memory_space<hbm>>, %arg7: memref<9x128xi32, #tpu.memory_space<vmem>>, %arg8: memref<9x128xi32, #tpu.memory_space<vmem>>, %arg9: memref<640x64xf32, #tpu.memory_space<vmem>>, %arg10: memref<640x64xf32, #tpu.memory_space<vmem>>, %arg11: memref<640x16xf32, #tpu.memory_space<vmem>>, %arg12: memref<640x16xf32, #tpu.memory_space<vmem>>, %arg13: memref<!tpu.dma_semaphore, #tpu.memory_space<semaphore_mem>>, %arg14: memref<!tpu.dma_semaphore, #tpu.memory_space<semaphore_mem>>, %arg15: memref<!tpu.dma_semaphore, #tpu.memory_space<semaphore_mem>>, %arg16: memref<!tpu.dma_semaphore, #tpu.memory_space<semaphore_mem>>) attributes {dimension_semantics = [#tpu.dimension_semantics<core_parallel>, #tpu.dimension_semantics<subcore_parallel>], iteration_bounds = array<i64: 2, 16>, scalar_prefetch = 0 : i64, scratch_operands = 10 : i64, tpu.core_type = #tpu.core_type<sc_vector_subcore>, window_params = [{transform_indices = #map}, {transform_indices = #map}, {transform_indices = #map}, {transform_indices = #map}, {transform_indices = #map}]} {
    %mul3A = arith.constant 16 : i32
    %mul3A_0 = arith.muli %arg0, %mul3A : i32
    %add3A = arith.addi %mul3A_0, %arg1 : i32
    %mul3A_1 = arith.constant 9 : i32
    %mul3A_2 = arith.muli %add3A, %mul3A_1 : i32
    %add3A_3 = arith.constant 0 : i32
    %add3A_4 = arith.addi %add3A_3, %mul3A_2 : i32
    %mul3A_5 = arith.constant 9 : i32
    %mul3A_6 = arith.muli %add3A, %mul3A_5 : i32
    %mul3A_7 = arith.constant 128 : i32
    %mul3A_8 = arith.muli %mul3A_6, %mul3A_7 : i32
    "tpu.region"() ({
      %run_scoped3A = tpu.sem_alloc : memref<!tpu.dma_semaphore, #tpu.memory_space<semaphore_mem>>
      %dma_start3A_451 = arith.constant 0 : i32
      %dma_start3A_452 = tpu.memref_slice %arg2[%add3A_4, %dma_start3A_451] : memref<800x128xi32, #tpu.memory_space<hbm>> -> memref<9x128xi32, #tpu.memory_space<hbm>>
      %dma_start3A_453 = arith.constant 0 : i32
      %dma_start3A_454 = tpu.memref_slice %arg2[%add3A_4, %dma_start3A_453] : memref<800x128xi32, #tpu.memory_space<hbm>> -> memref<9x128xi32, #tpu.memory_space<hbm>>
      tpu.enqueue_dma source(%dma_start3A_454 : memref<9x128xi32, #tpu.memory_space<hbm>>) target(%arg7 : memref<9x128xi32, #tpu.memory_space<vmem>>) target_semaphore(%run_scoped3A : memref<!tpu.dma_semaphore, #tpu.memory_space<semaphore_mem>>)
      %dma_wait3A_455 = arith.constant 0 : i32
      %dma_wait3A_456 = tpu.memref_slice %arg2[%add3A_4, %dma_wait3A_455] : memref<800x128xi32, #tpu.memory_space<hbm>> -> memref<9x128xi32, #tpu.memory_space<hbm>>
      %dma_wait3A_457 = arith.constant 0 : i32
      %dma_wait3A_458 = tpu.memref_slice %arg2[%add3A_4, %dma_wait3A_457] : memref<800x128xi32, #tpu.memory_space<hbm>> -> memref<9x128xi32, #tpu.memory_space<hbm>>
      tpu.wait_dma2 semaphore(%run_scoped3A : memref<!tpu.dma_semaphore, #tpu.memory_space<semaphore_mem>>) src(%dma_wait3A_458 : memref<9x128xi32, #tpu.memory_space<hbm>>) dst(%arg7 : memref<9x128xi32, #tpu.memory_space<vmem>>)
      tpu.yield
    }) : () -> ()
    "tpu.region"() ({
      %run_scoped3A = tpu.sem_alloc : memref<!tpu.dma_semaphore, #tpu.memory_space<semaphore_mem>>
      %dma_start3A_451 = arith.constant 0 : i32
      %dma_start3A_452 = tpu.memref_slice %arg3[%add3A_4, %dma_start3A_451] : memref<800x128xi32, #tpu.memory_space<hbm>> -> memref<9x128xi32, #tpu.memory_space<hbm>>
      %dma_start3A_453 = arith.constant 0 : i32
      %dma_start3A_454 = tpu.memref_slice %arg3[%add3A_4, %dma_start3A_453] : memref<800x128xi32, #tpu.memory_space<hbm>> -> memref<9x128xi32, #tpu.memory_space<hbm>>
      tpu.enqueue_dma source(%dma_start3A_454 : memref<9x128xi32, #tpu.memory_space<hbm>>) target(%arg8 : memref<9x128xi32, #tpu.memory_space<vmem>>) target_semaphore(%run_scoped3A : memref<!tpu.dma_semaphore, #tpu.memory_space<semaphore_mem>>)
      %dma_wait3A_455 = arith.constant 0 : i32
      %dma_wait3A_456 = tpu.memref_slice %arg3[%add3A_4, %dma_wait3A_455] : memref<800x128xi32, #tpu.memory_space<hbm>> -> memref<9x128xi32, #tpu.memory_space<hbm>>
      %dma_wait3A_457 = arith.constant 0 : i32
      %dma_wait3A_458 = tpu.memref_slice %arg3[%add3A_4, %dma_wait3A_457] : memref<800x128xi32, #tpu.memory_space<hbm>> -> memref<9x128xi32, #tpu.memory_space<hbm>>
      tpu.wait_dma2 semaphore(%run_scoped3A : memref<!tpu.dma_semaphore, #tpu.memory_space<semaphore_mem>>) src(%dma_wait3A_458 : memref<9x128xi32, #tpu.memory_space<hbm>>) dst(%arg8 : memref<9x128xi32, #tpu.memory_space<vmem>>)
      tpu.yield
    }) : () -> ()
    %dma_start3A = arith.constant 0 : i32
    %dma_start3A_9 = arith.constant 0 : i32
    %dma_start3A_10 = arith.constant 0 : i32
    %dma_start3A_11 = tpu.memref_slice %arg9[%dma_start3A_9, %dma_start3A_10] : memref<640x64xf32, #tpu.memory_space<vmem>> -> memref<128x64xf32, #tpu.memory_space<vmem>>
    %dma_start3A_12 = arith.constant 0 : i32
    %dma_start3A_13 = tpu.memref_slice %arg7[%dma_start3A, %dma_start3A_12] : memref<9x128xi32, #tpu.memory_space<vmem>> -> memref<1x128xi32, #tpu.memory_space<vmem>>
    %dma_start3A_14 = tpu.memref_squeeze %dma_start3A_13 : memref<1x128xi32, #tpu.memory_space<vmem>> -> memref<128xi32, #tpu.memory_space<vmem>>
    %dma_start3A_15 = arith.constant 0 : i32
    %dma_start3A_16 = arith.constant 0 : i32
    %dma_start3A_17 = tpu.memref_slice %arg4[%dma_start3A_15, %dma_start3A_16] : memref<100000x64xf32, #tpu.memory_space<hbm>> -> memref<100000x64xf32, #tpu.memory_space<hbm>>
    tpu.enqueue_indirect_dma source(%dma_start3A_17 : memref<100000x64xf32, #tpu.memory_space<hbm>>) target(%dma_start3A_11 : memref<128x64xf32, #tpu.memory_space<vmem>>) offsets(%dma_start3A_14 : memref<128xi32, #tpu.memory_space<vmem>>) semaphore(%arg13 : memref<!tpu.dma_semaphore, #tpu.memory_space<semaphore_mem>>)
    %dma_start3A_18 = arith.constant 0 : i32
    %dma_start3A_19 = arith.constant 0 : i32
    %dma_start3A_20 = arith.constant 0 : i32
    %dma_start3A_21 = tpu.memref_slice %arg11[%dma_start3A_19, %dma_start3A_20] : memref<640x16xf32, #tpu.memory_space<vmem>> -> memref<128x16xf32, #tpu.memory_space<vmem>>
    %dma_start3A_22 = arith.constant 0 : i32
    %dma_start3A_23 = tpu.memref_slice %arg8[%dma_start3A_18, %dma_start3A_22] : memref<9x128xi32, #tpu.memory_space<vmem>> -> memref<1x128xi32, #tpu.memory_space<vmem>>
    %dma_start3A_24 = tpu.memref_squeeze %dma_start3A_23 : memref<1x128xi32, #tpu.memory_space<vmem>> -> memref<128xi32, #tpu.memory_space<vmem>>
    %dma_start3A_25 = arith.constant 0 : i32
    %dma_start3A_26 = arith.constant 0 : i32
    %dma_start3A_27 = tpu.memref_slice %arg5[%dma_start3A_25, %dma_start3A_26] : memref<1024x16xf32, #tpu.memory_space<hbm>> -> memref<1024x16xf32, #tpu.memory_space<hbm>>
    tpu.enqueue_indirect_dma source(%dma_start3A_27 : memref<1024x16xf32, #tpu.memory_space<hbm>>) target(%dma_start3A_21 : memref<128x16xf32, #tpu.memory_space<vmem>>) offsets(%dma_start3A_24 : memref<128xi32, #tpu.memory_space<vmem>>) semaphore(%arg13 : memref<!tpu.dma_semaphore, #tpu.memory_space<semaphore_mem>>)
    %dma_start3A_28 = arith.constant 1 : i32
    %dma_start3A_29 = arith.constant 128 : i32
    %dma_start3A_30 = arith.constant 0 : i32
    %dma_start3A_31 = tpu.memref_slice %arg9[%dma_start3A_29, %dma_start3A_30] : memref<640x64xf32, #tpu.memory_space<vmem>> -> memref<128x64xf32, #tpu.memory_space<vmem>>
    %dma_start3A_32 = arith.constant 0 : i32
    %dma_start3A_33 = tpu.memref_slice %arg7[%dma_start3A_28, %dma_start3A_32] : memref<9x128xi32, #tpu.memory_space<vmem>> -> memref<1x128xi32, #tpu.memory_space<vmem>>
    %dma_start3A_34 = tpu.memref_squeeze %dma_start3A_33 : memref<1x128xi32, #tpu.memory_space<vmem>> -> memref<128xi32, #tpu.memory_space<vmem>>
    %dma_start3A_35 = arith.constant 0 : i32
    %dma_start3A_36 = arith.constant 0 : i32
    %dma_start3A_37 = tpu.memref_slice %arg4[%dma_start3A_35, %dma_start3A_36] : memref<100000x64xf32, #tpu.memory_space<hbm>> -> memref<100000x64xf32, #tpu.memory_space<hbm>>
    tpu.enqueue_indirect_dma source(%dma_start3A_37 : memref<100000x64xf32, #tpu.memory_space<hbm>>) target(%dma_start3A_31 : memref<128x64xf32, #tpu.memory_space<vmem>>) offsets(%dma_start3A_34 : memref<128xi32, #tpu.memory_space<vmem>>) semaphore(%arg13 : memref<!tpu.dma_semaphore, #tpu.memory_space<semaphore_mem>>)
    %dma_start3A_38 = arith.constant 1 : i32
    %dma_start3A_39 = arith.constant 128 : i32
    %dma_start3A_40 = arith.constant 0 : i32
    %dma_start3A_41 = tpu.memref_slice %arg11[%dma_start3A_39, %dma_start3A_40] : memref<640x16xf32, #tpu.memory_space<vmem>> -> memref<128x16xf32, #tpu.memory_space<vmem>>
    %dma_start3A_42 = arith.constant 0 : i32
    %dma_start3A_43 = tpu.memref_slice %arg8[%dma_start3A_38, %dma_start3A_42] : memref<9x128xi32, #tpu.memory_space<vmem>> -> memref<1x128xi32, #tpu.memory_space<vmem>>
    %dma_start3A_44 = tpu.memref_squeeze %dma_start3A_43 : memref<1x128xi32, #tpu.memory_space<vmem>> -> memref<128xi32, #tpu.memory_space<vmem>>
    %dma_start3A_45 = arith.constant 0 : i32
    %dma_start3A_46 = arith.constant 0 : i32
    %dma_start3A_47 = tpu.memref_slice %arg5[%dma_start3A_45, %dma_start3A_46] : memref<1024x16xf32, #tpu.memory_space<hbm>> -> memref<1024x16xf32, #tpu.memory_space<hbm>>
    tpu.enqueue_indirect_dma source(%dma_start3A_47 : memref<1024x16xf32, #tpu.memory_space<hbm>>) target(%dma_start3A_41 : memref<128x16xf32, #tpu.memory_space<vmem>>) offsets(%dma_start3A_44 : memref<128xi32, #tpu.memory_space<vmem>>) semaphore(%arg13 : memref<!tpu.dma_semaphore, #tpu.memory_space<semaphore_mem>>)
    %dma_start3A_48 = arith.constant 2 : i32
    %dma_start3A_49 = arith.constant 256 : i32
    %dma_start3A_50 = arith.constant 0 : i32
    %dma_start3A_51 = tpu.memref_slice %arg9[%dma_start3A_49, %dma_start3A_50] : memref<640x64xf32, #tpu.memory_space<vmem>> -> memref<128x64xf32, #tpu.memory_space<vmem>>
    %dma_start3A_52 = arith.constant 0 : i32
    %dma_start3A_53 = tpu.memref_slice %arg7[%dma_start3A_48, %dma_start3A_52] : memref<9x128xi32, #tpu.memory_space<vmem>> -> memref<1x128xi32, #tpu.memory_space<vmem>>
    %dma_start3A_54 = tpu.memref_squeeze %dma_start3A_53 : memref<1x128xi32, #tpu.memory_space<vmem>> -> memref<128xi32, #tpu.memory_space<vmem>>
    %dma_start3A_55 = arith.constant 0 : i32
    %dma_start3A_56 = arith.constant 0 : i32
    %dma_start3A_57 = tpu.memref_slice %arg4[%dma_start3A_55, %dma_start3A_56] : memref<100000x64xf32, #tpu.memory_space<hbm>> -> memref<100000x64xf32, #tpu.memory_space<hbm>>
    tpu.enqueue_indirect_dma source(%dma_start3A_57 : memref<100000x64xf32, #tpu.memory_space<hbm>>) target(%dma_start3A_51 : memref<128x64xf32, #tpu.memory_space<vmem>>) offsets(%dma_start3A_54 : memref<128xi32, #tpu.memory_space<vmem>>) semaphore(%arg13 : memref<!tpu.dma_semaphore, #tpu.memory_space<semaphore_mem>>)
    %dma_start3A_58 = arith.constant 2 : i32
    %dma_start3A_59 = arith.constant 256 : i32
    %dma_start3A_60 = arith.constant 0 : i32
    %dma_start3A_61 = tpu.memref_slice %arg11[%dma_start3A_59, %dma_start3A_60] : memref<640x16xf32, #tpu.memory_space<vmem>> -> memref<128x16xf32, #tpu.memory_space<vmem>>
    %dma_start3A_62 = arith.constant 0 : i32
    %dma_start3A_63 = tpu.memref_slice %arg8[%dma_start3A_58, %dma_start3A_62] : memref<9x128xi32, #tpu.memory_space<vmem>> -> memref<1x128xi32, #tpu.memory_space<vmem>>
    %dma_start3A_64 = tpu.memref_squeeze %dma_start3A_63 : memref<1x128xi32, #tpu.memory_space<vmem>> -> memref<128xi32, #tpu.memory_space<vmem>>
    %dma_start3A_65 = arith.constant 0 : i32
    %dma_start3A_66 = arith.constant 0 : i32
    %dma_start3A_67 = tpu.memref_slice %arg5[%dma_start3A_65, %dma_start3A_66] : memref<1024x16xf32, #tpu.memory_space<hbm>> -> memref<1024x16xf32, #tpu.memory_space<hbm>>
    tpu.enqueue_indirect_dma source(%dma_start3A_67 : memref<1024x16xf32, #tpu.memory_space<hbm>>) target(%dma_start3A_61 : memref<128x16xf32, #tpu.memory_space<vmem>>) offsets(%dma_start3A_64 : memref<128xi32, #tpu.memory_space<vmem>>) semaphore(%arg13 : memref<!tpu.dma_semaphore, #tpu.memory_space<semaphore_mem>>)
    %dma_start3A_68 = arith.constant 3 : i32
    %dma_start3A_69 = arith.constant 384 : i32
    %dma_start3A_70 = arith.constant 0 : i32
    %dma_start3A_71 = tpu.memref_slice %arg9[%dma_start3A_69, %dma_start3A_70] : memref<640x64xf32, #tpu.memory_space<vmem>> -> memref<128x64xf32, #tpu.memory_space<vmem>>
    %dma_start3A_72 = arith.constant 0 : i32
    %dma_start3A_73 = tpu.memref_slice %arg7[%dma_start3A_68, %dma_start3A_72] : memref<9x128xi32, #tpu.memory_space<vmem>> -> memref<1x128xi32, #tpu.memory_space<vmem>>
    %dma_start3A_74 = tpu.memref_squeeze %dma_start3A_73 : memref<1x128xi32, #tpu.memory_space<vmem>> -> memref<128xi32, #tpu.memory_space<vmem>>
    %dma_start3A_75 = arith.constant 0 : i32
    %dma_start3A_76 = arith.constant 0 : i32
    %dma_start3A_77 = tpu.memref_slice %arg4[%dma_start3A_75, %dma_start3A_76] : memref<100000x64xf32, #tpu.memory_space<hbm>> -> memref<100000x64xf32, #tpu.memory_space<hbm>>
    tpu.enqueue_indirect_dma source(%dma_start3A_77 : memref<100000x64xf32, #tpu.memory_space<hbm>>) target(%dma_start3A_71 : memref<128x64xf32, #tpu.memory_space<vmem>>) offsets(%dma_start3A_74 : memref<128xi32, #tpu.memory_space<vmem>>) semaphore(%arg13 : memref<!tpu.dma_semaphore, #tpu.memory_space<semaphore_mem>>)
    %dma_start3A_78 = arith.constant 3 : i32
    %dma_start3A_79 = arith.constant 384 : i32
    %dma_start3A_80 = arith.constant 0 : i32
    %dma_start3A_81 = tpu.memref_slice %arg11[%dma_start3A_79, %dma_start3A_80] : memref<640x16xf32, #tpu.memory_space<vmem>> -> memref<128x16xf32, #tpu.memory_space<vmem>>
    %dma_start3A_82 = arith.constant 0 : i32
    %dma_start3A_83 = tpu.memref_slice %arg8[%dma_start3A_78, %dma_start3A_82] : memref<9x128xi32, #tpu.memory_space<vmem>> -> memref<1x128xi32, #tpu.memory_space<vmem>>
    %dma_start3A_84 = tpu.memref_squeeze %dma_start3A_83 : memref<1x128xi32, #tpu.memory_space<vmem>> -> memref<128xi32, #tpu.memory_space<vmem>>
    %dma_start3A_85 = arith.constant 0 : i32
    %dma_start3A_86 = arith.constant 0 : i32
    %dma_start3A_87 = tpu.memref_slice %arg5[%dma_start3A_85, %dma_start3A_86] : memref<1024x16xf32, #tpu.memory_space<hbm>> -> memref<1024x16xf32, #tpu.memory_space<hbm>>
    tpu.enqueue_indirect_dma source(%dma_start3A_87 : memref<1024x16xf32, #tpu.memory_space<hbm>>) target(%dma_start3A_81 : memref<128x16xf32, #tpu.memory_space<vmem>>) offsets(%dma_start3A_84 : memref<128xi32, #tpu.memory_space<vmem>>) semaphore(%arg13 : memref<!tpu.dma_semaphore, #tpu.memory_space<semaphore_mem>>)
    %dma_start3A_88 = arith.constant 4 : i32
    %dma_start3A_89 = arith.constant 512 : i32
    %dma_start3A_90 = arith.constant 0 : i32
    %dma_start3A_91 = tpu.memref_slice %arg9[%dma_start3A_89, %dma_start3A_90] : memref<640x64xf32, #tpu.memory_space<vmem>> -> memref<128x64xf32, #tpu.memory_space<vmem>>
    %dma_start3A_92 = arith.constant 0 : i32
    %dma_start3A_93 = tpu.memref_slice %arg7[%dma_start3A_88, %dma_start3A_92] : memref<9x128xi32, #tpu.memory_space<vmem>> -> memref<1x128xi32, #tpu.memory_space<vmem>>
    %dma_start3A_94 = tpu.memref_squeeze %dma_start3A_93 : memref<1x128xi32, #tpu.memory_space<vmem>> -> memref<128xi32, #tpu.memory_space<vmem>>
    %dma_start3A_95 = arith.constant 0 : i32
    %dma_start3A_96 = arith.constant 0 : i32
    %dma_start3A_97 = tpu.memref_slice %arg4[%dma_start3A_95, %dma_start3A_96] : memref<100000x64xf32, #tpu.memory_space<hbm>> -> memref<100000x64xf32, #tpu.memory_space<hbm>>
    tpu.enqueue_indirect_dma source(%dma_start3A_97 : memref<100000x64xf32, #tpu.memory_space<hbm>>) target(%dma_start3A_91 : memref<128x64xf32, #tpu.memory_space<vmem>>) offsets(%dma_start3A_94 : memref<128xi32, #tpu.memory_space<vmem>>) semaphore(%arg13 : memref<!tpu.dma_semaphore, #tpu.memory_space<semaphore_mem>>)
    %dma_start3A_98 = arith.constant 4 : i32
    %dma_start3A_99 = arith.constant 512 : i32
    %dma_start3A_100 = arith.constant 0 : i32
    %dma_start3A_101 = tpu.memref_slice %arg11[%dma_start3A_99, %dma_start3A_100] : memref<640x16xf32, #tpu.memory_space<vmem>> -> memref<128x16xf32, #tpu.memory_space<vmem>>
    %dma_start3A_102 = arith.constant 0 : i32
    %dma_start3A_103 = tpu.memref_slice %arg8[%dma_start3A_98, %dma_start3A_102] : memref<9x128xi32, #tpu.memory_space<vmem>> -> memref<1x128xi32, #tpu.memory_space<vmem>>
    %dma_start3A_104 = tpu.memref_squeeze %dma_start3A_103 : memref<1x128xi32, #tpu.memory_space<vmem>> -> memref<128xi32, #tpu.memory_space<vmem>>
    %dma_start3A_105 = arith.constant 0 : i32
    %dma_start3A_106 = arith.constant 0 : i32
    %dma_start3A_107 = tpu.memref_slice %arg5[%dma_start3A_105, %dma_start3A_106] : memref<1024x16xf32, #tpu.memory_space<hbm>> -> memref<1024x16xf32, #tpu.memory_space<hbm>>
    tpu.enqueue_indirect_dma source(%dma_start3A_107 : memref<1024x16xf32, #tpu.memory_space<hbm>>) target(%dma_start3A_101 : memref<128x16xf32, #tpu.memory_space<vmem>>) offsets(%dma_start3A_104 : memref<128xi32, #tpu.memory_space<vmem>>) semaphore(%arg13 : memref<!tpu.dma_semaphore, #tpu.memory_space<semaphore_mem>>)
    %dma_start3A_108 = arith.constant 5 : i32
    %dma_start3A_109 = arith.constant 0 : i32
    %dma_start3A_110 = arith.constant 0 : i32
    %dma_start3A_111 = tpu.memref_slice %arg10[%dma_start3A_109, %dma_start3A_110] : memref<640x64xf32, #tpu.memory_space<vmem>> -> memref<128x64xf32, #tpu.memory_space<vmem>>
    %dma_start3A_112 = arith.constant 0 : i32
    %dma_start3A_113 = tpu.memref_slice %arg7[%dma_start3A_108, %dma_start3A_112] : memref<9x128xi32, #tpu.memory_space<vmem>> -> memref<1x128xi32, #tpu.memory_space<vmem>>
    %dma_start3A_114 = tpu.memref_squeeze %dma_start3A_113 : memref<1x128xi32, #tpu.memory_space<vmem>> -> memref<128xi32, #tpu.memory_space<vmem>>
    %dma_start3A_115 = arith.constant 0 : i32
    %dma_start3A_116 = arith.constant 0 : i32
    %dma_start3A_117 = tpu.memref_slice %arg4[%dma_start3A_115, %dma_start3A_116] : memref<100000x64xf32, #tpu.memory_space<hbm>> -> memref<100000x64xf32, #tpu.memory_space<hbm>>
    tpu.enqueue_indirect_dma source(%dma_start3A_117 : memref<100000x64xf32, #tpu.memory_space<hbm>>) target(%dma_start3A_111 : memref<128x64xf32, #tpu.memory_space<vmem>>) offsets(%dma_start3A_114 : memref<128xi32, #tpu.memory_space<vmem>>) semaphore(%arg14 : memref<!tpu.dma_semaphore, #tpu.memory_space<semaphore_mem>>)
    %dma_start3A_118 = arith.constant 5 : i32
    %dma_start3A_119 = arith.constant 0 : i32
    %dma_start3A_120 = arith.constant 0 : i32
    %dma_start3A_121 = tpu.memref_slice %arg12[%dma_start3A_119, %dma_start3A_120] : memref<640x16xf32, #tpu.memory_space<vmem>> -> memref<128x16xf32, #tpu.memory_space<vmem>>
    %dma_start3A_122 = arith.constant 0 : i32
    %dma_start3A_123 = tpu.memref_slice %arg8[%dma_start3A_118, %dma_start3A_122] : memref<9x128xi32, #tpu.memory_space<vmem>> -> memref<1x128xi32, #tpu.memory_space<vmem>>
    %dma_start3A_124 = tpu.memref_squeeze %dma_start3A_123 : memref<1x128xi32, #tpu.memory_space<vmem>> -> memref<128xi32, #tpu.memory_space<vmem>>
    %dma_start3A_125 = arith.constant 0 : i32
    %dma_start3A_126 = arith.constant 0 : i32
    %dma_start3A_127 = tpu.memref_slice %arg5[%dma_start3A_125, %dma_start3A_126] : memref<1024x16xf32, #tpu.memory_space<hbm>> -> memref<1024x16xf32, #tpu.memory_space<hbm>>
    tpu.enqueue_indirect_dma source(%dma_start3A_127 : memref<1024x16xf32, #tpu.memory_space<hbm>>) target(%dma_start3A_121 : memref<128x16xf32, #tpu.memory_space<vmem>>) offsets(%dma_start3A_124 : memref<128xi32, #tpu.memory_space<vmem>>) semaphore(%arg14 : memref<!tpu.dma_semaphore, #tpu.memory_space<semaphore_mem>>)
    %dma_start3A_128 = arith.constant 6 : i32
    %dma_start3A_129 = arith.constant 128 : i32
    %dma_start3A_130 = arith.constant 0 : i32
    %dma_start3A_131 = tpu.memref_slice %arg10[%dma_start3A_129, %dma_start3A_130] : memref<640x64xf32, #tpu.memory_space<vmem>> -> memref<128x64xf32, #tpu.memory_space<vmem>>
    %dma_start3A_132 = arith.constant 0 : i32
    %dma_start3A_133 = tpu.memref_slice %arg7[%dma_start3A_128, %dma_start3A_132] : memref<9x128xi32, #tpu.memory_space<vmem>> -> memref<1x128xi32, #tpu.memory_space<vmem>>
    %dma_start3A_134 = tpu.memref_squeeze %dma_start3A_133 : memref<1x128xi32, #tpu.memory_space<vmem>> -> memref<128xi32, #tpu.memory_space<vmem>>
    %dma_start3A_135 = arith.constant 0 : i32
    %dma_start3A_136 = arith.constant 0 : i32
    %dma_start3A_137 = tpu.memref_slice %arg4[%dma_start3A_135, %dma_start3A_136] : memref<100000x64xf32, #tpu.memory_space<hbm>> -> memref<100000x64xf32, #tpu.memory_space<hbm>>
    tpu.enqueue_indirect_dma source(%dma_start3A_137 : memref<100000x64xf32, #tpu.memory_space<hbm>>) target(%dma_start3A_131 : memref<128x64xf32, #tpu.memory_space<vmem>>) offsets(%dma_start3A_134 : memref<128xi32, #tpu.memory_space<vmem>>) semaphore(%arg14 : memref<!tpu.dma_semaphore, #tpu.memory_space<semaphore_mem>>)
    %dma_start3A_138 = arith.constant 6 : i32
    %dma_start3A_139 = arith.constant 128 : i32
    %dma_start3A_140 = arith.constant 0 : i32
    %dma_start3A_141 = tpu.memref_slice %arg12[%dma_start3A_139, %dma_start3A_140] : memref<640x16xf32, #tpu.memory_space<vmem>> -> memref<128x16xf32, #tpu.memory_space<vmem>>
    %dma_start3A_142 = arith.constant 0 : i32
    %dma_start3A_143 = tpu.memref_slice %arg8[%dma_start3A_138, %dma_start3A_142] : memref<9x128xi32, #tpu.memory_space<vmem>> -> memref<1x128xi32, #tpu.memory_space<vmem>>
    %dma_start3A_144 = tpu.memref_squeeze %dma_start3A_143 : memref<1x128xi32, #tpu.memory_space<vmem>> -> memref<128xi32, #tpu.memory_space<vmem>>
    %dma_start3A_145 = arith.constant 0 : i32
    %dma_start3A_146 = arith.constant 0 : i32
    %dma_start3A_147 = tpu.memref_slice %arg5[%dma_start3A_145, %dma_start3A_146] : memref<1024x16xf32, #tpu.memory_space<hbm>> -> memref<1024x16xf32, #tpu.memory_space<hbm>>
    tpu.enqueue_indirect_dma source(%dma_start3A_147 : memref<1024x16xf32, #tpu.memory_space<hbm>>) target(%dma_start3A_141 : memref<128x16xf32, #tpu.memory_space<vmem>>) offsets(%dma_start3A_144 : memref<128xi32, #tpu.memory_space<vmem>>) semaphore(%arg14 : memref<!tpu.dma_semaphore, #tpu.memory_space<semaphore_mem>>)
    %dma_start3A_148 = arith.constant 7 : i32
    %dma_start3A_149 = arith.constant 256 : i32
    %dma_start3A_150 = arith.constant 0 : i32
    %dma_start3A_151 = tpu.memref_slice %arg10[%dma_start3A_149, %dma_start3A_150] : memref<640x64xf32, #tpu.memory_space<vmem>> -> memref<128x64xf32, #tpu.memory_space<vmem>>
    %dma_start3A_152 = arith.constant 0 : i32
    %dma_start3A_153 = tpu.memref_slice %arg7[%dma_start3A_148, %dma_start3A_152] : memref<9x128xi32, #tpu.memory_space<vmem>> -> memref<1x128xi32, #tpu.memory_space<vmem>>
    %dma_start3A_154 = tpu.memref_squeeze %dma_start3A_153 : memref<1x128xi32, #tpu.memory_space<vmem>> -> memref<128xi32, #tpu.memory_space<vmem>>
    %dma_start3A_155 = arith.constant 0 : i32
    %dma_start3A_156 = arith.constant 0 : i32
    %dma_start3A_157 = tpu.memref_slice %arg4[%dma_start3A_155, %dma_start3A_156] : memref<100000x64xf32, #tpu.memory_space<hbm>> -> memref<100000x64xf32, #tpu.memory_space<hbm>>
    tpu.enqueue_indirect_dma source(%dma_start3A_157 : memref<100000x64xf32, #tpu.memory_space<hbm>>) target(%dma_start3A_151 : memref<128x64xf32, #tpu.memory_space<vmem>>) offsets(%dma_start3A_154 : memref<128xi32, #tpu.memory_space<vmem>>) semaphore(%arg14 : memref<!tpu.dma_semaphore, #tpu.memory_space<semaphore_mem>>)
    %dma_start3A_158 = arith.constant 7 : i32
    %dma_start3A_159 = arith.constant 256 : i32
    %dma_start3A_160 = arith.constant 0 : i32
    %dma_start3A_161 = tpu.memref_slice %arg12[%dma_start3A_159, %dma_start3A_160] : memref<640x16xf32, #tpu.memory_space<vmem>> -> memref<128x16xf32, #tpu.memory_space<vmem>>
    %dma_start3A_162 = arith.constant 0 : i32
    %dma_start3A_163 = tpu.memref_slice %arg8[%dma_start3A_158, %dma_start3A_162] : memref<9x128xi32, #tpu.memory_space<vmem>> -> memref<1x128xi32, #tpu.memory_space<vmem>>
    %dma_start3A_164 = tpu.memref_squeeze %dma_start3A_163 : memref<1x128xi32, #tpu.memory_space<vmem>> -> memref<128xi32, #tpu.memory_space<vmem>>
    %dma_start3A_165 = arith.constant 0 : i32
    %dma_start3A_166 = arith.constant 0 : i32
    %dma_start3A_167 = tpu.memref_slice %arg5[%dma_start3A_165, %dma_start3A_166] : memref<1024x16xf32, #tpu.memory_space<hbm>> -> memref<1024x16xf32, #tpu.memory_space<hbm>>
    tpu.enqueue_indirect_dma source(%dma_start3A_167 : memref<1024x16xf32, #tpu.memory_space<hbm>>) target(%dma_start3A_161 : memref<128x16xf32, #tpu.memory_space<vmem>>) offsets(%dma_start3A_164 : memref<128xi32, #tpu.memory_space<vmem>>) semaphore(%arg14 : memref<!tpu.dma_semaphore, #tpu.memory_space<semaphore_mem>>)
    %dma_start3A_168 = arith.constant 8 : i32
    %dma_start3A_169 = arith.constant 384 : i32
    %dma_start3A_170 = arith.constant 0 : i32
    %dma_start3A_171 = tpu.memref_slice %arg10[%dma_start3A_169, %dma_start3A_170] : memref<640x64xf32, #tpu.memory_space<vmem>> -> memref<128x64xf32, #tpu.memory_space<vmem>>
    %dma_start3A_172 = arith.constant 0 : i32
    %dma_start3A_173 = tpu.memref_slice %arg7[%dma_start3A_168, %dma_start3A_172] : memref<9x128xi32, #tpu.memory_space<vmem>> -> memref<1x128xi32, #tpu.memory_space<vmem>>
    %dma_start3A_174 = tpu.memref_squeeze %dma_start3A_173 : memref<1x128xi32, #tpu.memory_space<vmem>> -> memref<128xi32, #tpu.memory_space<vmem>>
    %dma_start3A_175 = arith.constant 0 : i32
    %dma_start3A_176 = arith.constant 0 : i32
    %dma_start3A_177 = tpu.memref_slice %arg4[%dma_start3A_175, %dma_start3A_176] : memref<100000x64xf32, #tpu.memory_space<hbm>> -> memref<100000x64xf32, #tpu.memory_space<hbm>>
    tpu.enqueue_indirect_dma source(%dma_start3A_177 : memref<100000x64xf32, #tpu.memory_space<hbm>>) target(%dma_start3A_171 : memref<128x64xf32, #tpu.memory_space<vmem>>) offsets(%dma_start3A_174 : memref<128xi32, #tpu.memory_space<vmem>>) semaphore(%arg14 : memref<!tpu.dma_semaphore, #tpu.memory_space<semaphore_mem>>)
    %dma_start3A_178 = arith.constant 8 : i32
    %dma_start3A_179 = arith.constant 384 : i32
    %dma_start3A_180 = arith.constant 0 : i32
    %dma_start3A_181 = tpu.memref_slice %arg12[%dma_start3A_179, %dma_start3A_180] : memref<640x16xf32, #tpu.memory_space<vmem>> -> memref<128x16xf32, #tpu.memory_space<vmem>>
    %dma_start3A_182 = arith.constant 0 : i32
    %dma_start3A_183 = tpu.memref_slice %arg8[%dma_start3A_178, %dma_start3A_182] : memref<9x128xi32, #tpu.memory_space<vmem>> -> memref<1x128xi32, #tpu.memory_space<vmem>>
    %dma_start3A_184 = tpu.memref_squeeze %dma_start3A_183 : memref<1x128xi32, #tpu.memory_space<vmem>> -> memref<128xi32, #tpu.memory_space<vmem>>
    %dma_start3A_185 = arith.constant 0 : i32
    %dma_start3A_186 = arith.constant 0 : i32
    %dma_start3A_187 = tpu.memref_slice %arg5[%dma_start3A_185, %dma_start3A_186] : memref<1024x16xf32, #tpu.memory_space<hbm>> -> memref<1024x16xf32, #tpu.memory_space<hbm>>
    tpu.enqueue_indirect_dma source(%dma_start3A_187 : memref<1024x16xf32, #tpu.memory_space<hbm>>) target(%dma_start3A_181 : memref<128x16xf32, #tpu.memory_space<vmem>>) offsets(%dma_start3A_184 : memref<128xi32, #tpu.memory_space<vmem>>) semaphore(%arg14 : memref<!tpu.dma_semaphore, #tpu.memory_space<semaphore_mem>>)
    %dma_wait3A = arith.constant 0 : i32
    %dma_wait3A_188 = arith.constant 0 : i32
    %dma_wait3A_189 = arith.constant 0 : i32
    %dma_wait3A_190 = tpu.memref_slice %arg9[%dma_wait3A_188, %dma_wait3A_189] : memref<640x64xf32, #tpu.memory_space<vmem>> -> memref<128x64xf32, #tpu.memory_space<vmem>>
    %dma_wait3A_191 = arith.constant 0 : i32
    %dma_wait3A_192 = tpu.memref_slice %arg7[%dma_wait3A, %dma_wait3A_191] : memref<9x128xi32, #tpu.memory_space<vmem>> -> memref<1x128xi32, #tpu.memory_space<vmem>>
    %dma_wait3A_193 = tpu.memref_squeeze %dma_wait3A_192 : memref<1x128xi32, #tpu.memory_space<vmem>> -> memref<128xi32, #tpu.memory_space<vmem>>
    %dma_wait3A_194 = arith.constant 0 : i32
    %dma_wait3A_195 = arith.constant 0 : i32
    %dma_wait3A_196 = tpu.memref_slice %arg4[%dma_wait3A_194, %dma_wait3A_195] : memref<100000x64xf32, #tpu.memory_space<hbm>> -> memref<100000x64xf32, #tpu.memory_space<hbm>>
    tpu.wait_indirect_dma semaphore(%arg13 : memref<!tpu.dma_semaphore, #tpu.memory_space<semaphore_mem>>) src(%dma_wait3A_196 : memref<100000x64xf32, #tpu.memory_space<hbm>>) dst(%dma_wait3A_190 : memref<128x64xf32, #tpu.memory_space<vmem>>)
    %dma_wait3A_197 = arith.constant 0 : i32
    %dma_wait3A_198 = arith.constant 0 : i32
    %dma_wait3A_199 = arith.constant 0 : i32
    %dma_wait3A_200 = tpu.memref_slice %arg11[%dma_wait3A_198, %dma_wait3A_199] : memref<640x16xf32, #tpu.memory_space<vmem>> -> memref<128x16xf32, #tpu.memory_space<vmem>>
    %dma_wait3A_201 = arith.constant 0 : i32
    %dma_wait3A_202 = tpu.memref_slice %arg8[%dma_wait3A_197, %dma_wait3A_201] : memref<9x128xi32, #tpu.memory_space<vmem>> -> memref<1x128xi32, #tpu.memory_space<vmem>>
    %dma_wait3A_203 = tpu.memref_squeeze %dma_wait3A_202 : memref<1x128xi32, #tpu.memory_space<vmem>> -> memref<128xi32, #tpu.memory_space<vmem>>
    %dma_wait3A_204 = arith.constant 0 : i32
    %dma_wait3A_205 = arith.constant 0 : i32
    %dma_wait3A_206 = tpu.memref_slice %arg5[%dma_wait3A_204, %dma_wait3A_205] : memref<1024x16xf32, #tpu.memory_space<hbm>> -> memref<1024x16xf32, #tpu.memory_space<hbm>>
    tpu.wait_indirect_dma semaphore(%arg13 : memref<!tpu.dma_semaphore, #tpu.memory_space<semaphore_mem>>) src(%dma_wait3A_206 : memref<1024x16xf32, #tpu.memory_space<hbm>>) dst(%dma_wait3A_200 : memref<128x16xf32, #tpu.memory_space<vmem>>)
    %dma_wait3A_207 = arith.constant 1 : i32
    %dma_wait3A_208 = arith.constant 128 : i32
    %dma_wait3A_209 = arith.constant 0 : i32
    %dma_wait3A_210 = tpu.memref_slice %arg9[%dma_wait3A_208, %dma_wait3A_209] : memref<640x64xf32, #tpu.memory_space<vmem>> -> memref<128x64xf32, #tpu.memory_space<vmem>>
    %dma_wait3A_211 = arith.constant 0 : i32
    %dma_wait3A_212 = tpu.memref_slice %arg7[%dma_wait3A_207, %dma_wait3A_211] : memref<9x128xi32, #tpu.memory_space<vmem>> -> memref<1x128xi32, #tpu.memory_space<vmem>>
    %dma_wait3A_213 = tpu.memref_squeeze %dma_wait3A_212 : memref<1x128xi32, #tpu.memory_space<vmem>> -> memref<128xi32, #tpu.memory_space<vmem>>
    %dma_wait3A_214 = arith.constant 0 : i32
    %dma_wait3A_215 = arith.constant 0 : i32
    %dma_wait3A_216 = tpu.memref_slice %arg4[%dma_wait3A_214, %dma_wait3A_215] : memref<100000x64xf32, #tpu.memory_space<hbm>> -> memref<100000x64xf32, #tpu.memory_space<hbm>>
    tpu.wait_indirect_dma semaphore(%arg13 : memref<!tpu.dma_semaphore, #tpu.memory_space<semaphore_mem>>) src(%dma_wait3A_216 : memref<100000x64xf32, #tpu.memory_space<hbm>>) dst(%dma_wait3A_210 : memref<128x64xf32, #tpu.memory_space<vmem>>)
    %dma_wait3A_217 = arith.constant 1 : i32
    %dma_wait3A_218 = arith.constant 128 : i32
    %dma_wait3A_219 = arith.constant 0 : i32
    %dma_wait3A_220 = tpu.memref_slice %arg11[%dma_wait3A_218, %dma_wait3A_219] : memref<640x16xf32, #tpu.memory_space<vmem>> -> memref<128x16xf32, #tpu.memory_space<vmem>>
    %dma_wait3A_221 = arith.constant 0 : i32
    %dma_wait3A_222 = tpu.memref_slice %arg8[%dma_wait3A_217, %dma_wait3A_221] : memref<9x128xi32, #tpu.memory_space<vmem>> -> memref<1x128xi32, #tpu.memory_space<vmem>>
    %dma_wait3A_223 = tpu.memref_squeeze %dma_wait3A_222 : memref<1x128xi32, #tpu.memory_space<vmem>> -> memref<128xi32, #tpu.memory_space<vmem>>
    %dma_wait3A_224 = arith.constant 0 : i32
    %dma_wait3A_225 = arith.constant 0 : i32
    %dma_wait3A_226 = tpu.memref_slice %arg5[%dma_wait3A_224, %dma_wait3A_225] : memref<1024x16xf32, #tpu.memory_space<hbm>> -> memref<1024x16xf32, #tpu.memory_space<hbm>>
    tpu.wait_indirect_dma semaphore(%arg13 : memref<!tpu.dma_semaphore, #tpu.memory_space<semaphore_mem>>) src(%dma_wait3A_226 : memref<1024x16xf32, #tpu.memory_space<hbm>>) dst(%dma_wait3A_220 : memref<128x16xf32, #tpu.memory_space<vmem>>)
    %dma_wait3A_227 = arith.constant 2 : i32
    %dma_wait3A_228 = arith.constant 256 : i32
    %dma_wait3A_229 = arith.constant 0 : i32
    %dma_wait3A_230 = tpu.memref_slice %arg9[%dma_wait3A_228, %dma_wait3A_229] : memref<640x64xf32, #tpu.memory_space<vmem>> -> memref<128x64xf32, #tpu.memory_space<vmem>>
    %dma_wait3A_231 = arith.constant 0 : i32
    %dma_wait3A_232 = tpu.memref_slice %arg7[%dma_wait3A_227, %dma_wait3A_231] : memref<9x128xi32, #tpu.memory_space<vmem>> -> memref<1x128xi32, #tpu.memory_space<vmem>>
    %dma_wait3A_233 = tpu.memref_squeeze %dma_wait3A_232 : memref<1x128xi32, #tpu.memory_space<vmem>> -> memref<128xi32, #tpu.memory_space<vmem>>
    %dma_wait3A_234 = arith.constant 0 : i32
    %dma_wait3A_235 = arith.constant 0 : i32
    %dma_wait3A_236 = tpu.memref_slice %arg4[%dma_wait3A_234, %dma_wait3A_235] : memref<100000x64xf32, #tpu.memory_space<hbm>> -> memref<100000x64xf32, #tpu.memory_space<hbm>>
    tpu.wait_indirect_dma semaphore(%arg13 : memref<!tpu.dma_semaphore, #tpu.memory_space<semaphore_mem>>) src(%dma_wait3A_236 : memref<100000x64xf32, #tpu.memory_space<hbm>>) dst(%dma_wait3A_230 : memref<128x64xf32, #tpu.memory_space<vmem>>)
    %dma_wait3A_237 = arith.constant 2 : i32
    %dma_wait3A_238 = arith.constant 256 : i32
    %dma_wait3A_239 = arith.constant 0 : i32
    %dma_wait3A_240 = tpu.memref_slice %arg11[%dma_wait3A_238, %dma_wait3A_239] : memref<640x16xf32, #tpu.memory_space<vmem>> -> memref<128x16xf32, #tpu.memory_space<vmem>>
    %dma_wait3A_241 = arith.constant 0 : i32
    %dma_wait3A_242 = tpu.memref_slice %arg8[%dma_wait3A_237, %dma_wait3A_241] : memref<9x128xi32, #tpu.memory_space<vmem>> -> memref<1x128xi32, #tpu.memory_space<vmem>>
    %dma_wait3A_243 = tpu.memref_squeeze %dma_wait3A_242 : memref<1x128xi32, #tpu.memory_space<vmem>> -> memref<128xi32, #tpu.memory_space<vmem>>
    %dma_wait3A_244 = arith.constant 0 : i32
    %dma_wait3A_245 = arith.constant 0 : i32
    %dma_wait3A_246 = tpu.memref_slice %arg5[%dma_wait3A_244, %dma_wait3A_245] : memref<1024x16xf32, #tpu.memory_space<hbm>> -> memref<1024x16xf32, #tpu.memory_space<hbm>>
    tpu.wait_indirect_dma semaphore(%arg13 : memref<!tpu.dma_semaphore, #tpu.memory_space<semaphore_mem>>) src(%dma_wait3A_246 : memref<1024x16xf32, #tpu.memory_space<hbm>>) dst(%dma_wait3A_240 : memref<128x16xf32, #tpu.memory_space<vmem>>)
    %dma_wait3A_247 = arith.constant 3 : i32
    %dma_wait3A_248 = arith.constant 384 : i32
    %dma_wait3A_249 = arith.constant 0 : i32
    %dma_wait3A_250 = tpu.memref_slice %arg9[%dma_wait3A_248, %dma_wait3A_249] : memref<640x64xf32, #tpu.memory_space<vmem>> -> memref<128x64xf32, #tpu.memory_space<vmem>>
    %dma_wait3A_251 = arith.constant 0 : i32
    %dma_wait3A_252 = tpu.memref_slice %arg7[%dma_wait3A_247, %dma_wait3A_251] : memref<9x128xi32, #tpu.memory_space<vmem>> -> memref<1x128xi32, #tpu.memory_space<vmem>>
    %dma_wait3A_253 = tpu.memref_squeeze %dma_wait3A_252 : memref<1x128xi32, #tpu.memory_space<vmem>> -> memref<128xi32, #tpu.memory_space<vmem>>
    %dma_wait3A_254 = arith.constant 0 : i32
    %dma_wait3A_255 = arith.constant 0 : i32
    %dma_wait3A_256 = tpu.memref_slice %arg4[%dma_wait3A_254, %dma_wait3A_255] : memref<100000x64xf32, #tpu.memory_space<hbm>> -> memref<100000x64xf32, #tpu.memory_space<hbm>>
    tpu.wait_indirect_dma semaphore(%arg13 : memref<!tpu.dma_semaphore, #tpu.memory_space<semaphore_mem>>) src(%dma_wait3A_256 : memref<100000x64xf32, #tpu.memory_space<hbm>>) dst(%dma_wait3A_250 : memref<128x64xf32, #tpu.memory_space<vmem>>)
    %dma_wait3A_257 = arith.constant 3 : i32
    %dma_wait3A_258 = arith.constant 384 : i32
    %dma_wait3A_259 = arith.constant 0 : i32
    %dma_wait3A_260 = tpu.memref_slice %arg11[%dma_wait3A_258, %dma_wait3A_259] : memref<640x16xf32, #tpu.memory_space<vmem>> -> memref<128x16xf32, #tpu.memory_space<vmem>>
    %dma_wait3A_261 = arith.constant 0 : i32
    %dma_wait3A_262 = tpu.memref_slice %arg8[%dma_wait3A_257, %dma_wait3A_261] : memref<9x128xi32, #tpu.memory_space<vmem>> -> memref<1x128xi32, #tpu.memory_space<vmem>>
    %dma_wait3A_263 = tpu.memref_squeeze %dma_wait3A_262 : memref<1x128xi32, #tpu.memory_space<vmem>> -> memref<128xi32, #tpu.memory_space<vmem>>
    %dma_wait3A_264 = arith.constant 0 : i32
    %dma_wait3A_265 = arith.constant 0 : i32
    %dma_wait3A_266 = tpu.memref_slice %arg5[%dma_wait3A_264, %dma_wait3A_265] : memref<1024x16xf32, #tpu.memory_space<hbm>> -> memref<1024x16xf32, #tpu.memory_space<hbm>>
    tpu.wait_indirect_dma semaphore(%arg13 : memref<!tpu.dma_semaphore, #tpu.memory_space<semaphore_mem>>) src(%dma_wait3A_266 : memref<1024x16xf32, #tpu.memory_space<hbm>>) dst(%dma_wait3A_260 : memref<128x16xf32, #tpu.memory_space<vmem>>)
    %dma_wait3A_267 = arith.constant 4 : i32
    %dma_wait3A_268 = arith.constant 512 : i32
    %dma_wait3A_269 = arith.constant 0 : i32
    %dma_wait3A_270 = tpu.memref_slice %arg9[%dma_wait3A_268, %dma_wait3A_269] : memref<640x64xf32, #tpu.memory_space<vmem>> -> memref<128x64xf32, #tpu.memory_space<vmem>>
    %dma_wait3A_271 = arith.constant 0 : i32
    %dma_wait3A_272 = tpu.memref_slice %arg7[%dma_wait3A_267, %dma_wait3A_271] : memref<9x128xi32, #tpu.memory_space<vmem>> -> memref<1x128xi32, #tpu.memory_space<vmem>>
    %dma_wait3A_273 = tpu.memref_squeeze %dma_wait3A_272 : memref<1x128xi32, #tpu.memory_space<vmem>> -> memref<128xi32, #tpu.memory_space<vmem>>
    %dma_wait3A_274 = arith.constant 0 : i32
    %dma_wait3A_275 = arith.constant 0 : i32
    %dma_wait3A_276 = tpu.memref_slice %arg4[%dma_wait3A_274, %dma_wait3A_275] : memref<100000x64xf32, #tpu.memory_space<hbm>> -> memref<100000x64xf32, #tpu.memory_space<hbm>>
    tpu.wait_indirect_dma semaphore(%arg13 : memref<!tpu.dma_semaphore, #tpu.memory_space<semaphore_mem>>) src(%dma_wait3A_276 : memref<100000x64xf32, #tpu.memory_space<hbm>>) dst(%dma_wait3A_270 : memref<128x64xf32, #tpu.memory_space<vmem>>)
    %dma_wait3A_277 = arith.constant 4 : i32
    %dma_wait3A_278 = arith.constant 512 : i32
    %dma_wait3A_279 = arith.constant 0 : i32
    %dma_wait3A_280 = tpu.memref_slice %arg11[%dma_wait3A_278, %dma_wait3A_279] : memref<640x16xf32, #tpu.memory_space<vmem>> -> memref<128x16xf32, #tpu.memory_space<vmem>>
    %dma_wait3A_281 = arith.constant 0 : i32
    %dma_wait3A_282 = tpu.memref_slice %arg8[%dma_wait3A_277, %dma_wait3A_281] : memref<9x128xi32, #tpu.memory_space<vmem>> -> memref<1x128xi32, #tpu.memory_space<vmem>>
    %dma_wait3A_283 = tpu.memref_squeeze %dma_wait3A_282 : memref<1x128xi32, #tpu.memory_space<vmem>> -> memref<128xi32, #tpu.memory_space<vmem>>
    %dma_wait3A_284 = arith.constant 0 : i32
    %dma_wait3A_285 = arith.constant 0 : i32
    %dma_wait3A_286 = tpu.memref_slice %arg5[%dma_wait3A_284, %dma_wait3A_285] : memref<1024x16xf32, #tpu.memory_space<hbm>> -> memref<1024x16xf32, #tpu.memory_space<hbm>>
    tpu.wait_indirect_dma semaphore(%arg13 : memref<!tpu.dma_semaphore, #tpu.memory_space<semaphore_mem>>) src(%dma_wait3A_286 : memref<1024x16xf32, #tpu.memory_space<hbm>>) dst(%dma_wait3A_280 : memref<128x16xf32, #tpu.memory_space<vmem>>)
    %add3A_287 = arith.constant 0 : i32
    %add3A_288 = arith.addi %mul3A_8, %add3A_287 : i32
    %dma_start3A_289 = arith.constant 0 : i32
    %dma_start3A_290 = arith.constant 0 : i32
    %dma_start3A_291 = tpu.memref_slice %arg9[%dma_start3A_289, %dma_start3A_290] : memref<640x64xf32, #tpu.memory_space<vmem>> -> memref<640x64xf32, #tpu.memory_space<vmem>>
    %dma_start3A_292 = arith.constant 0 : i32
    %dma_start3A_293 = tpu.memref_slice %arg6[%add3A_288, %dma_start3A_292] : memref<36864x128xf32, #tpu.memory_space<hbm>> -> memref<640x64xf32, #tpu.memory_space<hbm>>
    %dma_start3A_294 = arith.constant 0 : i32
    %dma_start3A_295 = tpu.memref_slice %arg6[%add3A_288, %dma_start3A_294] : memref<36864x128xf32, #tpu.memory_space<hbm>> -> memref<640x64xf32, #tpu.memory_space<hbm>>
    %dma_start3A_296 = arith.constant 0 : i32
    %dma_start3A_297 = arith.constant 0 : i32
    %dma_start3A_298 = tpu.memref_slice %arg9[%dma_start3A_296, %dma_start3A_297] : memref<640x64xf32, #tpu.memory_space<vmem>> -> memref<640x64xf32, #tpu.memory_space<vmem>>
    tpu.enqueue_dma source(%dma_start3A_298 : memref<640x64xf32, #tpu.memory_space<vmem>>) target(%dma_start3A_295 : memref<640x64xf32, #tpu.memory_space<hbm>>) target_semaphore(%arg15 : memref<!tpu.dma_semaphore, #tpu.memory_space<semaphore_mem>>)
    %dma_start3A_299 = arith.constant 0 : i32
    %dma_start3A_300 = arith.constant 0 : i32
    %dma_start3A_301 = tpu.memref_slice %arg11[%dma_start3A_299, %dma_start3A_300] : memref<640x16xf32, #tpu.memory_space<vmem>> -> memref<640x16xf32, #tpu.memory_space<vmem>>
    %dma_start3A_302 = arith.constant 64 : i32
    %dma_start3A_303 = tpu.memref_slice %arg6[%add3A_288, %dma_start3A_302] : memref<36864x128xf32, #tpu.memory_space<hbm>> -> memref<640x16xf32, #tpu.memory_space<hbm>>
    %dma_start3A_304 = arith.constant 64 : i32
    %dma_start3A_305 = tpu.memref_slice %arg6[%add3A_288, %dma_start3A_304] : memref<36864x128xf32, #tpu.memory_space<hbm>> -> memref<640x16xf32, #tpu.memory_space<hbm>>
    %dma_start3A_306 = arith.constant 0 : i32
    %dma_start3A_307 = arith.constant 0 : i32
    %dma_start3A_308 = tpu.memref_slice %arg11[%dma_start3A_306, %dma_start3A_307] : memref<640x16xf32, #tpu.memory_space<vmem>> -> memref<640x16xf32, #tpu.memory_space<vmem>>
    tpu.enqueue_dma source(%dma_start3A_308 : memref<640x16xf32, #tpu.memory_space<vmem>>) target(%dma_start3A_305 : memref<640x16xf32, #tpu.memory_space<hbm>>) target_semaphore(%arg15 : memref<!tpu.dma_semaphore, #tpu.memory_space<semaphore_mem>>)
    %dma_wait3A_309 = arith.constant 0 : i32
    %dma_wait3A_310 = arith.constant 0 : i32
    %dma_wait3A_311 = tpu.memref_slice %arg9[%dma_wait3A_309, %dma_wait3A_310] : memref<640x64xf32, #tpu.memory_space<vmem>> -> memref<640x64xf32, #tpu.memory_space<vmem>>
    %dma_wait3A_312 = arith.constant 0 : i32
    %dma_wait3A_313 = tpu.memref_slice %arg6[%add3A_288, %dma_wait3A_312] : memref<36864x128xf32, #tpu.memory_space<hbm>> -> memref<640x64xf32, #tpu.memory_space<hbm>>
    %dma_wait3A_314 = arith.constant 0 : i32
    %dma_wait3A_315 = tpu.memref_slice %arg6[%add3A_288, %dma_wait3A_314] : memref<36864x128xf32, #tpu.memory_space<hbm>> -> memref<640x64xf32, #tpu.memory_space<hbm>>
    %dma_wait3A_316 = arith.constant 0 : i32
    %dma_wait3A_317 = arith.constant 0 : i32
    %dma_wait3A_318 = tpu.memref_slice %arg9[%dma_wait3A_316, %dma_wait3A_317] : memref<640x64xf32, #tpu.memory_space<vmem>> -> memref<640x64xf32, #tpu.memory_space<vmem>>
    tpu.wait_dma2 semaphore(%arg15 : memref<!tpu.dma_semaphore, #tpu.memory_space<semaphore_mem>>) src(%dma_wait3A_318 : memref<640x64xf32, #tpu.memory_space<vmem>>) dst(%dma_wait3A_315 : memref<640x64xf32, #tpu.memory_space<hbm>>)
    %dma_wait3A_319 = arith.constant 0 : i32
    %dma_wait3A_320 = arith.constant 0 : i32
    %dma_wait3A_321 = tpu.memref_slice %arg11[%dma_wait3A_319, %dma_wait3A_320] : memref<640x16xf32, #tpu.memory_space<vmem>> -> memref<640x16xf32, #tpu.memory_space<vmem>>
    %dma_wait3A_322 = arith.constant 64 : i32
    %dma_wait3A_323 = tpu.memref_slice %arg6[%add3A_288, %dma_wait3A_322] : memref<36864x128xf32, #tpu.memory_space<hbm>> -> memref<640x16xf32, #tpu.memory_space<hbm>>
    %dma_wait3A_324 = arith.constant 64 : i32
    %dma_wait3A_325 = tpu.memref_slice %arg6[%add3A_288, %dma_wait3A_324] : memref<36864x128xf32, #tpu.memory_space<hbm>> -> memref<640x16xf32, #tpu.memory_space<hbm>>
    %dma_wait3A_326 = arith.constant 0 : i32
    %dma_wait3A_327 = arith.constant 0 : i32
    %dma_wait3A_328 = tpu.memref_slice %arg11[%dma_wait3A_326, %dma_wait3A_327] : memref<640x16xf32, #tpu.memory_space<vmem>> -> memref<640x16xf32, #tpu.memory_space<vmem>>
    tpu.wait_dma2 semaphore(%arg15 : memref<!tpu.dma_semaphore, #tpu.memory_space<semaphore_mem>>) src(%dma_wait3A_328 : memref<640x16xf32, #tpu.memory_space<vmem>>) dst(%dma_wait3A_325 : memref<640x16xf32, #tpu.memory_space<hbm>>)
    %dma_wait3A_329 = arith.constant 5 : i32
    %dma_wait3A_330 = arith.constant 0 : i32
    %dma_wait3A_331 = arith.constant 0 : i32
    %dma_wait3A_332 = tpu.memref_slice %arg10[%dma_wait3A_330, %dma_wait3A_331] : memref<640x64xf32, #tpu.memory_space<vmem>> -> memref<128x64xf32, #tpu.memory_space<vmem>>
    %dma_wait3A_333 = arith.constant 0 : i32
    %dma_wait3A_334 = tpu.memref_slice %arg7[%dma_wait3A_329, %dma_wait3A_333] : memref<9x128xi32, #tpu.memory_space<vmem>> -> memref<1x128xi32, #tpu.memory_space<vmem>>
    %dma_wait3A_335 = tpu.memref_squeeze %dma_wait3A_334 : memref<1x128xi32, #tpu.memory_space<vmem>> -> memref<128xi32, #tpu.memory_space<vmem>>
    %dma_wait3A_336 = arith.constant 0 : i32
    %dma_wait3A_337 = arith.constant 0 : i32
    %dma_wait3A_338 = tpu.memref_slice %arg4[%dma_wait3A_336, %dma_wait3A_337] : memref<100000x64xf32, #tpu.memory_space<hbm>> -> memref<100000x64xf32, #tpu.memory_space<hbm>>
    tpu.wait_indirect_dma semaphore(%arg14 : memref<!tpu.dma_semaphore, #tpu.memory_space<semaphore_mem>>) src(%dma_wait3A_338 : memref<100000x64xf32, #tpu.memory_space<hbm>>) dst(%dma_wait3A_332 : memref<128x64xf32, #tpu.memory_space<vmem>>)
    %dma_wait3A_339 = arith.constant 5 : i32
    %dma_wait3A_340 = arith.constant 0 : i32
    %dma_wait3A_341 = arith.constant 0 : i32
    %dma_wait3A_342 = tpu.memref_slice %arg12[%dma_wait3A_340, %dma_wait3A_341] : memref<640x16xf32, #tpu.memory_space<vmem>> -> memref<128x16xf32, #tpu.memory_space<vmem>>
    %dma_wait3A_343 = arith.constant 0 : i32
    %dma_wait3A_344 = tpu.memref_slice %arg8[%dma_wait3A_339, %dma_wait3A_343] : memref<9x128xi32, #tpu.memory_space<vmem>> -> memref<1x128xi32, #tpu.memory_space<vmem>>
    %dma_wait3A_345 = tpu.memref_squeeze %dma_wait3A_344 : memref<1x128xi32, #tpu.memory_space<vmem>> -> memref<128xi32, #tpu.memory_space<vmem>>
    %dma_wait3A_346 = arith.constant 0 : i32
    %dma_wait3A_347 = arith.constant 0 : i32
    %dma_wait3A_348 = tpu.memref_slice %arg5[%dma_wait3A_346, %dma_wait3A_347] : memref<1024x16xf32, #tpu.memory_space<hbm>> -> memref<1024x16xf32, #tpu.memory_space<hbm>>
    tpu.wait_indirect_dma semaphore(%arg14 : memref<!tpu.dma_semaphore, #tpu.memory_space<semaphore_mem>>) src(%dma_wait3A_348 : memref<1024x16xf32, #tpu.memory_space<hbm>>) dst(%dma_wait3A_342 : memref<128x16xf32, #tpu.memory_space<vmem>>)
    %dma_wait3A_349 = arith.constant 6 : i32
    %dma_wait3A_350 = arith.constant 128 : i32
    %dma_wait3A_351 = arith.constant 0 : i32
    %dma_wait3A_352 = tpu.memref_slice %arg10[%dma_wait3A_350, %dma_wait3A_351] : memref<640x64xf32, #tpu.memory_space<vmem>> -> memref<128x64xf32, #tpu.memory_space<vmem>>
    %dma_wait3A_353 = arith.constant 0 : i32
    %dma_wait3A_354 = tpu.memref_slice %arg7[%dma_wait3A_349, %dma_wait3A_353] : memref<9x128xi32, #tpu.memory_space<vmem>> -> memref<1x128xi32, #tpu.memory_space<vmem>>
    %dma_wait3A_355 = tpu.memref_squeeze %dma_wait3A_354 : memref<1x128xi32, #tpu.memory_space<vmem>> -> memref<128xi32, #tpu.memory_space<vmem>>
    %dma_wait3A_356 = arith.constant 0 : i32
    %dma_wait3A_357 = arith.constant 0 : i32
    %dma_wait3A_358 = tpu.memref_slice %arg4[%dma_wait3A_356, %dma_wait3A_357] : memref<100000x64xf32, #tpu.memory_space<hbm>> -> memref<100000x64xf32, #tpu.memory_space<hbm>>
    tpu.wait_indirect_dma semaphore(%arg14 : memref<!tpu.dma_semaphore, #tpu.memory_space<semaphore_mem>>) src(%dma_wait3A_358 : memref<100000x64xf32, #tpu.memory_space<hbm>>) dst(%dma_wait3A_352 : memref<128x64xf32, #tpu.memory_space<vmem>>)
    %dma_wait3A_359 = arith.constant 6 : i32
    %dma_wait3A_360 = arith.constant 128 : i32
    %dma_wait3A_361 = arith.constant 0 : i32
    %dma_wait3A_362 = tpu.memref_slice %arg12[%dma_wait3A_360, %dma_wait3A_361] : memref<640x16xf32, #tpu.memory_space<vmem>> -> memref<128x16xf32, #tpu.memory_space<vmem>>
    %dma_wait3A_363 = arith.constant 0 : i32
    %dma_wait3A_364 = tpu.memref_slice %arg8[%dma_wait3A_359, %dma_wait3A_363] : memref<9x128xi32, #tpu.memory_space<vmem>> -> memref<1x128xi32, #tpu.memory_space<vmem>>
    %dma_wait3A_365 = tpu.memref_squeeze %dma_wait3A_364 : memref<1x128xi32, #tpu.memory_space<vmem>> -> memref<128xi32, #tpu.memory_space<vmem>>
    %dma_wait3A_366 = arith.constant 0 : i32
    %dma_wait3A_367 = arith.constant 0 : i32
    %dma_wait3A_368 = tpu.memref_slice %arg5[%dma_wait3A_366, %dma_wait3A_367] : memref<1024x16xf32, #tpu.memory_space<hbm>> -> memref<1024x16xf32, #tpu.memory_space<hbm>>
    tpu.wait_indirect_dma semaphore(%arg14 : memref<!tpu.dma_semaphore, #tpu.memory_space<semaphore_mem>>) src(%dma_wait3A_368 : memref<1024x16xf32, #tpu.memory_space<hbm>>) dst(%dma_wait3A_362 : memref<128x16xf32, #tpu.memory_space<vmem>>)
    %dma_wait3A_369 = arith.constant 7 : i32
    %dma_wait3A_370 = arith.constant 256 : i32
    %dma_wait3A_371 = arith.constant 0 : i32
    %dma_wait3A_372 = tpu.memref_slice %arg10[%dma_wait3A_370, %dma_wait3A_371] : memref<640x64xf32, #tpu.memory_space<vmem>> -> memref<128x64xf32, #tpu.memory_space<vmem>>
    %dma_wait3A_373 = arith.constant 0 : i32
    %dma_wait3A_374 = tpu.memref_slice %arg7[%dma_wait3A_369, %dma_wait3A_373] : memref<9x128xi32, #tpu.memory_space<vmem>> -> memref<1x128xi32, #tpu.memory_space<vmem>>
    %dma_wait3A_375 = tpu.memref_squeeze %dma_wait3A_374 : memref<1x128xi32, #tpu.memory_space<vmem>> -> memref<128xi32, #tpu.memory_space<vmem>>
    %dma_wait3A_376 = arith.constant 0 : i32
    %dma_wait3A_377 = arith.constant 0 : i32
    %dma_wait3A_378 = tpu.memref_slice %arg4[%dma_wait3A_376, %dma_wait3A_377] : memref<100000x64xf32, #tpu.memory_space<hbm>> -> memref<100000x64xf32, #tpu.memory_space<hbm>>
    tpu.wait_indirect_dma semaphore(%arg14 : memref<!tpu.dma_semaphore, #tpu.memory_space<semaphore_mem>>) src(%dma_wait3A_378 : memref<100000x64xf32, #tpu.memory_space<hbm>>) dst(%dma_wait3A_372 : memref<128x64xf32, #tpu.memory_space<vmem>>)
    %dma_wait3A_379 = arith.constant 7 : i32
    %dma_wait3A_380 = arith.constant 256 : i32
    %dma_wait3A_381 = arith.constant 0 : i32
    %dma_wait3A_382 = tpu.memref_slice %arg12[%dma_wait3A_380, %dma_wait3A_381] : memref<640x16xf32, #tpu.memory_space<vmem>> -> memref<128x16xf32, #tpu.memory_space<vmem>>
    %dma_wait3A_383 = arith.constant 0 : i32
    %dma_wait3A_384 = tpu.memref_slice %arg8[%dma_wait3A_379, %dma_wait3A_383] : memref<9x128xi32, #tpu.memory_space<vmem>> -> memref<1x128xi32, #tpu.memory_space<vmem>>
    %dma_wait3A_385 = tpu.memref_squeeze %dma_wait3A_384 : memref<1x128xi32, #tpu.memory_space<vmem>> -> memref<128xi32, #tpu.memory_space<vmem>>
    %dma_wait3A_386 = arith.constant 0 : i32
    %dma_wait3A_387 = arith.constant 0 : i32
    %dma_wait3A_388 = tpu.memref_slice %arg5[%dma_wait3A_386, %dma_wait3A_387] : memref<1024x16xf32, #tpu.memory_space<hbm>> -> memref<1024x16xf32, #tpu.memory_space<hbm>>
    tpu.wait_indirect_dma semaphore(%arg14 : memref<!tpu.dma_semaphore, #tpu.memory_space<semaphore_mem>>) src(%dma_wait3A_388 : memref<1024x16xf32, #tpu.memory_space<hbm>>) dst(%dma_wait3A_382 : memref<128x16xf32, #tpu.memory_space<vmem>>)
    %dma_wait3A_389 = arith.constant 8 : i32
    %dma_wait3A_390 = arith.constant 384 : i32
    %dma_wait3A_391 = arith.constant 0 : i32
    %dma_wait3A_392 = tpu.memref_slice %arg10[%dma_wait3A_390, %dma_wait3A_391] : memref<640x64xf32, #tpu.memory_space<vmem>> -> memref<128x64xf32, #tpu.memory_space<vmem>>
    %dma_wait3A_393 = arith.constant 0 : i32
    %dma_wait3A_394 = tpu.memref_slice %arg7[%dma_wait3A_389, %dma_wait3A_393] : memref<9x128xi32, #tpu.memory_space<vmem>> -> memref<1x128xi32, #tpu.memory_space<vmem>>
    %dma_wait3A_395 = tpu.memref_squeeze %dma_wait3A_394 : memref<1x128xi32, #tpu.memory_space<vmem>> -> memref<128xi32, #tpu.memory_space<vmem>>
    %dma_wait3A_396 = arith.constant 0 : i32
    %dma_wait3A_397 = arith.constant 0 : i32
    %dma_wait3A_398 = tpu.memref_slice %arg4[%dma_wait3A_396, %dma_wait3A_397] : memref<100000x64xf32, #tpu.memory_space<hbm>> -> memref<100000x64xf32, #tpu.memory_space<hbm>>
    tpu.wait_indirect_dma semaphore(%arg14 : memref<!tpu.dma_semaphore, #tpu.memory_space<semaphore_mem>>) src(%dma_wait3A_398 : memref<100000x64xf32, #tpu.memory_space<hbm>>) dst(%dma_wait3A_392 : memref<128x64xf32, #tpu.memory_space<vmem>>)
    %dma_wait3A_399 = arith.constant 8 : i32
    %dma_wait3A_400 = arith.constant 384 : i32
    %dma_wait3A_401 = arith.constant 0 : i32
    %dma_wait3A_402 = tpu.memref_slice %arg12[%dma_wait3A_400, %dma_wait3A_401] : memref<640x16xf32, #tpu.memory_space<vmem>> -> memref<128x16xf32, #tpu.memory_space<vmem>>
    %dma_wait3A_403 = arith.constant 0 : i32
    %dma_wait3A_404 = tpu.memref_slice %arg8[%dma_wait3A_399, %dma_wait3A_403] : memref<9x128xi32, #tpu.memory_space<vmem>> -> memref<1x128xi32, #tpu.memory_space<vmem>>
    %dma_wait3A_405 = tpu.memref_squeeze %dma_wait3A_404 : memref<1x128xi32, #tpu.memory_space<vmem>> -> memref<128xi32, #tpu.memory_space<vmem>>
    %dma_wait3A_406 = arith.constant 0 : i32
    %dma_wait3A_407 = arith.constant 0 : i32
    %dma_wait3A_408 = tpu.memref_slice %arg5[%dma_wait3A_406, %dma_wait3A_407] : memref<1024x16xf32, #tpu.memory_space<hbm>> -> memref<1024x16xf32, #tpu.memory_space<hbm>>
    tpu.wait_indirect_dma semaphore(%arg14 : memref<!tpu.dma_semaphore, #tpu.memory_space<semaphore_mem>>) src(%dma_wait3A_408 : memref<1024x16xf32, #tpu.memory_space<hbm>>) dst(%dma_wait3A_402 : memref<128x16xf32, #tpu.memory_space<vmem>>)
    %add3A_409 = arith.constant 640 : i32
    %add3A_410 = arith.addi %mul3A_8, %add3A_409 : i32
    %dma_start3A_411 = arith.constant 0 : i32
    %dma_start3A_412 = arith.constant 0 : i32
    %dma_start3A_413 = tpu.memref_slice %arg10[%dma_start3A_411, %dma_start3A_412] : memref<640x64xf32, #tpu.memory_space<vmem>> -> memref<512x64xf32, #tpu.memory_space<vmem>>
    %dma_start3A_414 = arith.constant 0 : i32
    %dma_start3A_415 = tpu.memref_slice %arg6[%add3A_410, %dma_start3A_414] : memref<36864x128xf32, #tpu.memory_space<hbm>> -> memref<512x64xf32, #tpu.memory_space<hbm>>
    %dma_start3A_416 = arith.constant 0 : i32
    %dma_start3A_417 = tpu.memref_slice %arg6[%add3A_410, %dma_start3A_416] : memref<36864x128xf32, #tpu.memory_space<hbm>> -> memref<512x64xf32, #tpu.memory_space<hbm>>
    %dma_start3A_418 = arith.constant 0 : i32
    %dma_start3A_419 = arith.constant 0 : i32
    %dma_start3A_420 = tpu.memref_slice %arg10[%dma_start3A_418, %dma_start3A_419] : memref<640x64xf32, #tpu.memory_space<vmem>> -> memref<512x64xf32, #tpu.memory_space<vmem>>
    tpu.enqueue_dma source(%dma_start3A_420 : memref<512x64xf32, #tpu.memory_space<vmem>>) target(%dma_start3A_417 : memref<512x64xf32, #tpu.memory_space<hbm>>) target_semaphore(%arg16 : memref<!tpu.dma_semaphore, #tpu.memory_space<semaphore_mem>>)
    %dma_start3A_421 = arith.constant 0 : i32
    %dma_start3A_422 = arith.constant 0 : i32
    %dma_start3A_423 = tpu.memref_slice %arg12[%dma_start3A_421, %dma_start3A_422] : memref<640x16xf32, #tpu.memory_space<vmem>> -> memref<512x16xf32, #tpu.memory_space<vmem>>
    %dma_start3A_424 = arith.constant 64 : i32
    %dma_start3A_425 = tpu.memref_slice %arg6[%add3A_410, %dma_start3A_424] : memref<36864x128xf32, #tpu.memory_space<hbm>> -> memref<512x16xf32, #tpu.memory_space<hbm>>
    %dma_start3A_426 = arith.constant 64 : i32
    %dma_start3A_427 = tpu.memref_slice %arg6[%add3A_410, %dma_start3A_426] : memref<36864x128xf32, #tpu.memory_space<hbm>> -> memref<512x16xf32, #tpu.memory_space<hbm>>
    %dma_start3A_428 = arith.constant 0 : i32
    %dma_start3A_429 = arith.constant 0 : i32
    %dma_start3A_430 = tpu.memref_slice %arg12[%dma_start3A_428, %dma_start3A_429] : memref<640x16xf32, #tpu.memory_space<vmem>> -> memref<512x16xf32, #tpu.memory_space<vmem>>
    tpu.enqueue_dma source(%dma_start3A_430 : memref<512x16xf32, #tpu.memory_space<vmem>>) target(%dma_start3A_427 : memref<512x16xf32, #tpu.memory_space<hbm>>) target_semaphore(%arg16 : memref<!tpu.dma_semaphore, #tpu.memory_space<semaphore_mem>>)
    %dma_wait3A_431 = arith.constant 0 : i32
    %dma_wait3A_432 = arith.constant 0 : i32
    %dma_wait3A_433 = tpu.memref_slice %arg10[%dma_wait3A_431, %dma_wait3A_432] : memref<640x64xf32, #tpu.memory_space<vmem>> -> memref<512x64xf32, #tpu.memory_space<vmem>>
    %dma_wait3A_434 = arith.constant 0 : i32
    %dma_wait3A_435 = tpu.memref_slice %arg6[%add3A_410, %dma_wait3A_434] : memref<36864x128xf32, #tpu.memory_space<hbm>> -> memref<512x64xf32, #tpu.memory_space<hbm>>
    %dma_wait3A_436 = arith.constant 0 : i32
    %dma_wait3A_437 = tpu.memref_slice %arg6[%add3A_410, %dma_wait3A_436] : memref<36864x128xf32, #tpu.memory_space<hbm>> -> memref<512x64xf32, #tpu.memory_space<hbm>>
    %dma_wait3A_438 = arith.constant 0 : i32
    %dma_wait3A_439 = arith.constant 0 : i32
    %dma_wait3A_440 = tpu.memref_slice %arg10[%dma_wait3A_438, %dma_wait3A_439] : memref<640x64xf32, #tpu.memory_space<vmem>> -> memref<512x64xf32, #tpu.memory_space<vmem>>
    tpu.wait_dma2 semaphore(%arg16 : memref<!tpu.dma_semaphore, #tpu.memory_space<semaphore_mem>>) src(%dma_wait3A_440 : memref<512x64xf32, #tpu.memory_space<vmem>>) dst(%dma_wait3A_437 : memref<512x64xf32, #tpu.memory_space<hbm>>)
    %dma_wait3A_441 = arith.constant 0 : i32
    %dma_wait3A_442 = arith.constant 0 : i32
    %dma_wait3A_443 = tpu.memref_slice %arg12[%dma_wait3A_441, %dma_wait3A_442] : memref<640x16xf32, #tpu.memory_space<vmem>> -> memref<512x16xf32, #tpu.memory_space<vmem>>
    %dma_wait3A_444 = arith.constant 64 : i32
    %dma_wait3A_445 = tpu.memref_slice %arg6[%add3A_410, %dma_wait3A_444] : memref<36864x128xf32, #tpu.memory_space<hbm>> -> memref<512x16xf32, #tpu.memory_space<hbm>>
    %dma_wait3A_446 = arith.constant 64 : i32
    %dma_wait3A_447 = tpu.memref_slice %arg6[%add3A_410, %dma_wait3A_446] : memref<36864x128xf32, #tpu.memory_space<hbm>> -> memref<512x16xf32, #tpu.memory_space<hbm>>
    %dma_wait3A_448 = arith.constant 0 : i32
    %dma_wait3A_449 = arith.constant 0 : i32
    %dma_wait3A_450 = tpu.memref_slice %arg12[%dma_wait3A_448, %dma_wait3A_449] : memref<640x16xf32, #tpu.memory_space<vmem>> -> memref<512x16xf32, #tpu.memory_space<vmem>>
    tpu.wait_dma2 semaphore(%arg16 : memref<!tpu.dma_semaphore, #tpu.memory_space<semaphore_mem>>) src(%dma_wait3A_450 : memref<512x16xf32, #tpu.memory_space<vmem>>) dst(%dma_wait3A_447 : memref<512x16xf32, #tpu.memory_space<hbm>>)
    return
  }
}

#map = affine_map<(d0, d1) -> (0, 0)>
module attributes {stable_mosaic.version = 14 : i64} {
  func.func @body(%arg0: i32, %arg1: i32, %arg2: memref<800x128xi32, #tpu.memory_space<hbm>>, %arg3: memref<800x128xi32, #tpu.memory_space<hbm>>, %arg4: memref<100000x64xf32, #tpu.memory_space<hbm>>, %arg5: memref<1024x16xf32, #tpu.memory_space<hbm>>, %arg6: memref<32768x128xf32, #tpu.memory_space<hbm>>, %arg7: memref<8x128xi32, #tpu.memory_space<vmem>>, %arg8: memref<8x128xi32, #tpu.memory_space<vmem>>, %arg9: memref<640x64xf32, #tpu.memory_space<vmem>>, %arg10: memref<640x64xf32, #tpu.memory_space<vmem>>, %arg11: memref<640x16xf32, #tpu.memory_space<vmem>>, %arg12: memref<640x16xf32, #tpu.memory_space<vmem>>, %arg13: memref<!tpu.dma_semaphore, #tpu.memory_space<semaphore_mem>>, %arg14: memref<!tpu.dma_semaphore, #tpu.memory_space<semaphore_mem>>, %arg15: memref<!tpu.dma_semaphore, #tpu.memory_space<semaphore_mem>>, %arg16: memref<!tpu.dma_semaphore, #tpu.memory_space<semaphore_mem>>) attributes {dimension_semantics = [#tpu.dimension_semantics<core_parallel>, #tpu.dimension_semantics<subcore_parallel>], iteration_bounds = array<i64: 2, 16>, scalar_prefetch = 0 : i64, scratch_operands = 10 : i64, tpu.core_type = #tpu.core_type<sc_vector_subcore>, window_params = [{transform_indices = #map}, {transform_indices = #map}, {transform_indices = #map}, {transform_indices = #map}, {transform_indices = #map}]} {
    %mul3A = arith.constant 16 : i32
    %mul3A_0 = arith.muli %arg0, %mul3A : i32
    %add3A = arith.addi %mul3A_0, %arg1 : i32
    %mul3A_1 = arith.constant 8 : i32
    %mul3A_2 = arith.muli %add3A, %mul3A_1 : i32
    %add3A_3 = arith.constant 544 : i32
    %add3A_4 = arith.addi %add3A_3, %mul3A_2 : i32
    %mul3A_5 = arith.constant 8 : i32
    %mul3A_6 = arith.muli %add3A, %mul3A_5 : i32
    %mul3A_7 = arith.constant 128 : i32
    %mul3A_8 = arith.muli %mul3A_6, %mul3A_7 : i32
    "tpu.region"() ({
      %run_scoped3A = tpu.sem_alloc : memref<!tpu.dma_semaphore, #tpu.memory_space<semaphore_mem>>
      %dma_start3A_411 = arith.constant 0 : i32
      %dma_start3A_412 = tpu.memref_slice %arg2[%add3A_4, %dma_start3A_411] : memref<800x128xi32, #tpu.memory_space<hbm>> -> memref<8x128xi32, #tpu.memory_space<hbm>>
      %dma_start3A_413 = arith.constant 0 : i32
      %dma_start3A_414 = tpu.memref_slice %arg2[%add3A_4, %dma_start3A_413] : memref<800x128xi32, #tpu.memory_space<hbm>> -> memref<8x128xi32, #tpu.memory_space<hbm>>
      tpu.enqueue_dma source(%dma_start3A_414 : memref<8x128xi32, #tpu.memory_space<hbm>>) target(%arg7 : memref<8x128xi32, #tpu.memory_space<vmem>>) target_semaphore(%run_scoped3A : memref<!tpu.dma_semaphore, #tpu.memory_space<semaphore_mem>>)
      %dma_wait3A_415 = arith.constant 0 : i32
      %dma_wait3A_416 = tpu.memref_slice %arg2[%add3A_4, %dma_wait3A_415] : memref<800x128xi32, #tpu.memory_space<hbm>> -> memref<8x128xi32, #tpu.memory_space<hbm>>
      %dma_wait3A_417 = arith.constant 0 : i32
      %dma_wait3A_418 = tpu.memref_slice %arg2[%add3A_4, %dma_wait3A_417] : memref<800x128xi32, #tpu.memory_space<hbm>> -> memref<8x128xi32, #tpu.memory_space<hbm>>
      tpu.wait_dma2 semaphore(%run_scoped3A : memref<!tpu.dma_semaphore, #tpu.memory_space<semaphore_mem>>) src(%dma_wait3A_418 : memref<8x128xi32, #tpu.memory_space<hbm>>) dst(%arg7 : memref<8x128xi32, #tpu.memory_space<vmem>>)
      tpu.yield
    }) : () -> ()
    "tpu.region"() ({
      %run_scoped3A = tpu.sem_alloc : memref<!tpu.dma_semaphore, #tpu.memory_space<semaphore_mem>>
      %dma_start3A_411 = arith.constant 0 : i32
      %dma_start3A_412 = tpu.memref_slice %arg3[%add3A_4, %dma_start3A_411] : memref<800x128xi32, #tpu.memory_space<hbm>> -> memref<8x128xi32, #tpu.memory_space<hbm>>
      %dma_start3A_413 = arith.constant 0 : i32
      %dma_start3A_414 = tpu.memref_slice %arg3[%add3A_4, %dma_start3A_413] : memref<800x128xi32, #tpu.memory_space<hbm>> -> memref<8x128xi32, #tpu.memory_space<hbm>>
      tpu.enqueue_dma source(%dma_start3A_414 : memref<8x128xi32, #tpu.memory_space<hbm>>) target(%arg8 : memref<8x128xi32, #tpu.memory_space<vmem>>) target_semaphore(%run_scoped3A : memref<!tpu.dma_semaphore, #tpu.memory_space<semaphore_mem>>)
      %dma_wait3A_415 = arith.constant 0 : i32
      %dma_wait3A_416 = tpu.memref_slice %arg3[%add3A_4, %dma_wait3A_415] : memref<800x128xi32, #tpu.memory_space<hbm>> -> memref<8x128xi32, #tpu.memory_space<hbm>>
      %dma_wait3A_417 = arith.constant 0 : i32
      %dma_wait3A_418 = tpu.memref_slice %arg3[%add3A_4, %dma_wait3A_417] : memref<800x128xi32, #tpu.memory_space<hbm>> -> memref<8x128xi32, #tpu.memory_space<hbm>>
      tpu.wait_dma2 semaphore(%run_scoped3A : memref<!tpu.dma_semaphore, #tpu.memory_space<semaphore_mem>>) src(%dma_wait3A_418 : memref<8x128xi32, #tpu.memory_space<hbm>>) dst(%arg8 : memref<8x128xi32, #tpu.memory_space<vmem>>)
      tpu.yield
    }) : () -> ()
    %dma_start3A = arith.constant 0 : i32
    %dma_start3A_9 = arith.constant 0 : i32
    %dma_start3A_10 = arith.constant 0 : i32
    %dma_start3A_11 = tpu.memref_slice %arg9[%dma_start3A_9, %dma_start3A_10] : memref<640x64xf32, #tpu.memory_space<vmem>> -> memref<128x64xf32, #tpu.memory_space<vmem>>
    %dma_start3A_12 = arith.constant 0 : i32
    %dma_start3A_13 = tpu.memref_slice %arg7[%dma_start3A, %dma_start3A_12] : memref<8x128xi32, #tpu.memory_space<vmem>> -> memref<1x128xi32, #tpu.memory_space<vmem>>
    %dma_start3A_14 = tpu.memref_squeeze %dma_start3A_13 : memref<1x128xi32, #tpu.memory_space<vmem>> -> memref<128xi32, #tpu.memory_space<vmem>>
    %dma_start3A_15 = arith.constant 0 : i32
    %dma_start3A_16 = arith.constant 0 : i32
    %dma_start3A_17 = tpu.memref_slice %arg4[%dma_start3A_15, %dma_start3A_16] : memref<100000x64xf32, #tpu.memory_space<hbm>> -> memref<100000x64xf32, #tpu.memory_space<hbm>>
    tpu.enqueue_indirect_dma source(%dma_start3A_17 : memref<100000x64xf32, #tpu.memory_space<hbm>>) target(%dma_start3A_11 : memref<128x64xf32, #tpu.memory_space<vmem>>) offsets(%dma_start3A_14 : memref<128xi32, #tpu.memory_space<vmem>>) semaphore(%arg13 : memref<!tpu.dma_semaphore, #tpu.memory_space<semaphore_mem>>)
    %dma_start3A_18 = arith.constant 0 : i32
    %dma_start3A_19 = arith.constant 0 : i32
    %dma_start3A_20 = arith.constant 0 : i32
    %dma_start3A_21 = tpu.memref_slice %arg11[%dma_start3A_19, %dma_start3A_20] : memref<640x16xf32, #tpu.memory_space<vmem>> -> memref<128x16xf32, #tpu.memory_space<vmem>>
    %dma_start3A_22 = arith.constant 0 : i32
    %dma_start3A_23 = tpu.memref_slice %arg8[%dma_start3A_18, %dma_start3A_22] : memref<8x128xi32, #tpu.memory_space<vmem>> -> memref<1x128xi32, #tpu.memory_space<vmem>>
    %dma_start3A_24 = tpu.memref_squeeze %dma_start3A_23 : memref<1x128xi32, #tpu.memory_space<vmem>> -> memref<128xi32, #tpu.memory_space<vmem>>
    %dma_start3A_25 = arith.constant 0 : i32
    %dma_start3A_26 = arith.constant 0 : i32
    %dma_start3A_27 = tpu.memref_slice %arg5[%dma_start3A_25, %dma_start3A_26] : memref<1024x16xf32, #tpu.memory_space<hbm>> -> memref<1024x16xf32, #tpu.memory_space<hbm>>
    tpu.enqueue_indirect_dma source(%dma_start3A_27 : memref<1024x16xf32, #tpu.memory_space<hbm>>) target(%dma_start3A_21 : memref<128x16xf32, #tpu.memory_space<vmem>>) offsets(%dma_start3A_24 : memref<128xi32, #tpu.memory_space<vmem>>) semaphore(%arg13 : memref<!tpu.dma_semaphore, #tpu.memory_space<semaphore_mem>>)
    %dma_start3A_28 = arith.constant 1 : i32
    %dma_start3A_29 = arith.constant 128 : i32
    %dma_start3A_30 = arith.constant 0 : i32
    %dma_start3A_31 = tpu.memref_slice %arg9[%dma_start3A_29, %dma_start3A_30] : memref<640x64xf32, #tpu.memory_space<vmem>> -> memref<128x64xf32, #tpu.memory_space<vmem>>
    %dma_start3A_32 = arith.constant 0 : i32
    %dma_start3A_33 = tpu.memref_slice %arg7[%dma_start3A_28, %dma_start3A_32] : memref<8x128xi32, #tpu.memory_space<vmem>> -> memref<1x128xi32, #tpu.memory_space<vmem>>
    %dma_start3A_34 = tpu.memref_squeeze %dma_start3A_33 : memref<1x128xi32, #tpu.memory_space<vmem>> -> memref<128xi32, #tpu.memory_space<vmem>>
    %dma_start3A_35 = arith.constant 0 : i32
    %dma_start3A_36 = arith.constant 0 : i32
    %dma_start3A_37 = tpu.memref_slice %arg4[%dma_start3A_35, %dma_start3A_36] : memref<100000x64xf32, #tpu.memory_space<hbm>> -> memref<100000x64xf32, #tpu.memory_space<hbm>>
    tpu.enqueue_indirect_dma source(%dma_start3A_37 : memref<100000x64xf32, #tpu.memory_space<hbm>>) target(%dma_start3A_31 : memref<128x64xf32, #tpu.memory_space<vmem>>) offsets(%dma_start3A_34 : memref<128xi32, #tpu.memory_space<vmem>>) semaphore(%arg13 : memref<!tpu.dma_semaphore, #tpu.memory_space<semaphore_mem>>)
    %dma_start3A_38 = arith.constant 1 : i32
    %dma_start3A_39 = arith.constant 128 : i32
    %dma_start3A_40 = arith.constant 0 : i32
    %dma_start3A_41 = tpu.memref_slice %arg11[%dma_start3A_39, %dma_start3A_40] : memref<640x16xf32, #tpu.memory_space<vmem>> -> memref<128x16xf32, #tpu.memory_space<vmem>>
    %dma_start3A_42 = arith.constant 0 : i32
    %dma_start3A_43 = tpu.memref_slice %arg8[%dma_start3A_38, %dma_start3A_42] : memref<8x128xi32, #tpu.memory_space<vmem>> -> memref<1x128xi32, #tpu.memory_space<vmem>>
    %dma_start3A_44 = tpu.memref_squeeze %dma_start3A_43 : memref<1x128xi32, #tpu.memory_space<vmem>> -> memref<128xi32, #tpu.memory_space<vmem>>
    %dma_start3A_45 = arith.constant 0 : i32
    %dma_start3A_46 = arith.constant 0 : i32
    %dma_start3A_47 = tpu.memref_slice %arg5[%dma_start3A_45, %dma_start3A_46] : memref<1024x16xf32, #tpu.memory_space<hbm>> -> memref<1024x16xf32, #tpu.memory_space<hbm>>
    tpu.enqueue_indirect_dma source(%dma_start3A_47 : memref<1024x16xf32, #tpu.memory_space<hbm>>) target(%dma_start3A_41 : memref<128x16xf32, #tpu.memory_space<vmem>>) offsets(%dma_start3A_44 : memref<128xi32, #tpu.memory_space<vmem>>) semaphore(%arg13 : memref<!tpu.dma_semaphore, #tpu.memory_space<semaphore_mem>>)
    %dma_start3A_48 = arith.constant 2 : i32
    %dma_start3A_49 = arith.constant 256 : i32
    %dma_start3A_50 = arith.constant 0 : i32
    %dma_start3A_51 = tpu.memref_slice %arg9[%dma_start3A_49, %dma_start3A_50] : memref<640x64xf32, #tpu.memory_space<vmem>> -> memref<128x64xf32, #tpu.memory_space<vmem>>
    %dma_start3A_52 = arith.constant 0 : i32
    %dma_start3A_53 = tpu.memref_slice %arg7[%dma_start3A_48, %dma_start3A_52] : memref<8x128xi32, #tpu.memory_space<vmem>> -> memref<1x128xi32, #tpu.memory_space<vmem>>
    %dma_start3A_54 = tpu.memref_squeeze %dma_start3A_53 : memref<1x128xi32, #tpu.memory_space<vmem>> -> memref<128xi32, #tpu.memory_space<vmem>>
    %dma_start3A_55 = arith.constant 0 : i32
    %dma_start3A_56 = arith.constant 0 : i32
    %dma_start3A_57 = tpu.memref_slice %arg4[%dma_start3A_55, %dma_start3A_56] : memref<100000x64xf32, #tpu.memory_space<hbm>> -> memref<100000x64xf32, #tpu.memory_space<hbm>>
    tpu.enqueue_indirect_dma source(%dma_start3A_57 : memref<100000x64xf32, #tpu.memory_space<hbm>>) target(%dma_start3A_51 : memref<128x64xf32, #tpu.memory_space<vmem>>) offsets(%dma_start3A_54 : memref<128xi32, #tpu.memory_space<vmem>>) semaphore(%arg13 : memref<!tpu.dma_semaphore, #tpu.memory_space<semaphore_mem>>)
    %dma_start3A_58 = arith.constant 2 : i32
    %dma_start3A_59 = arith.constant 256 : i32
    %dma_start3A_60 = arith.constant 0 : i32
    %dma_start3A_61 = tpu.memref_slice %arg11[%dma_start3A_59, %dma_start3A_60] : memref<640x16xf32, #tpu.memory_space<vmem>> -> memref<128x16xf32, #tpu.memory_space<vmem>>
    %dma_start3A_62 = arith.constant 0 : i32
    %dma_start3A_63 = tpu.memref_slice %arg8[%dma_start3A_58, %dma_start3A_62] : memref<8x128xi32, #tpu.memory_space<vmem>> -> memref<1x128xi32, #tpu.memory_space<vmem>>
    %dma_start3A_64 = tpu.memref_squeeze %dma_start3A_63 : memref<1x128xi32, #tpu.memory_space<vmem>> -> memref<128xi32, #tpu.memory_space<vmem>>
    %dma_start3A_65 = arith.constant 0 : i32
    %dma_start3A_66 = arith.constant 0 : i32
    %dma_start3A_67 = tpu.memref_slice %arg5[%dma_start3A_65, %dma_start3A_66] : memref<1024x16xf32, #tpu.memory_space<hbm>> -> memref<1024x16xf32, #tpu.memory_space<hbm>>
    tpu.enqueue_indirect_dma source(%dma_start3A_67 : memref<1024x16xf32, #tpu.memory_space<hbm>>) target(%dma_start3A_61 : memref<128x16xf32, #tpu.memory_space<vmem>>) offsets(%dma_start3A_64 : memref<128xi32, #tpu.memory_space<vmem>>) semaphore(%arg13 : memref<!tpu.dma_semaphore, #tpu.memory_space<semaphore_mem>>)
    %dma_start3A_68 = arith.constant 3 : i32
    %dma_start3A_69 = arith.constant 384 : i32
    %dma_start3A_70 = arith.constant 0 : i32
    %dma_start3A_71 = tpu.memref_slice %arg9[%dma_start3A_69, %dma_start3A_70] : memref<640x64xf32, #tpu.memory_space<vmem>> -> memref<128x64xf32, #tpu.memory_space<vmem>>
    %dma_start3A_72 = arith.constant 0 : i32
    %dma_start3A_73 = tpu.memref_slice %arg7[%dma_start3A_68, %dma_start3A_72] : memref<8x128xi32, #tpu.memory_space<vmem>> -> memref<1x128xi32, #tpu.memory_space<vmem>>
    %dma_start3A_74 = tpu.memref_squeeze %dma_start3A_73 : memref<1x128xi32, #tpu.memory_space<vmem>> -> memref<128xi32, #tpu.memory_space<vmem>>
    %dma_start3A_75 = arith.constant 0 : i32
    %dma_start3A_76 = arith.constant 0 : i32
    %dma_start3A_77 = tpu.memref_slice %arg4[%dma_start3A_75, %dma_start3A_76] : memref<100000x64xf32, #tpu.memory_space<hbm>> -> memref<100000x64xf32, #tpu.memory_space<hbm>>
    tpu.enqueue_indirect_dma source(%dma_start3A_77 : memref<100000x64xf32, #tpu.memory_space<hbm>>) target(%dma_start3A_71 : memref<128x64xf32, #tpu.memory_space<vmem>>) offsets(%dma_start3A_74 : memref<128xi32, #tpu.memory_space<vmem>>) semaphore(%arg13 : memref<!tpu.dma_semaphore, #tpu.memory_space<semaphore_mem>>)
    %dma_start3A_78 = arith.constant 3 : i32
    %dma_start3A_79 = arith.constant 384 : i32
    %dma_start3A_80 = arith.constant 0 : i32
    %dma_start3A_81 = tpu.memref_slice %arg11[%dma_start3A_79, %dma_start3A_80] : memref<640x16xf32, #tpu.memory_space<vmem>> -> memref<128x16xf32, #tpu.memory_space<vmem>>
    %dma_start3A_82 = arith.constant 0 : i32
    %dma_start3A_83 = tpu.memref_slice %arg8[%dma_start3A_78, %dma_start3A_82] : memref<8x128xi32, #tpu.memory_space<vmem>> -> memref<1x128xi32, #tpu.memory_space<vmem>>
    %dma_start3A_84 = tpu.memref_squeeze %dma_start3A_83 : memref<1x128xi32, #tpu.memory_space<vmem>> -> memref<128xi32, #tpu.memory_space<vmem>>
    %dma_start3A_85 = arith.constant 0 : i32
    %dma_start3A_86 = arith.constant 0 : i32
    %dma_start3A_87 = tpu.memref_slice %arg5[%dma_start3A_85, %dma_start3A_86] : memref<1024x16xf32, #tpu.memory_space<hbm>> -> memref<1024x16xf32, #tpu.memory_space<hbm>>
    tpu.enqueue_indirect_dma source(%dma_start3A_87 : memref<1024x16xf32, #tpu.memory_space<hbm>>) target(%dma_start3A_81 : memref<128x16xf32, #tpu.memory_space<vmem>>) offsets(%dma_start3A_84 : memref<128xi32, #tpu.memory_space<vmem>>) semaphore(%arg13 : memref<!tpu.dma_semaphore, #tpu.memory_space<semaphore_mem>>)
    %dma_start3A_88 = arith.constant 4 : i32
    %dma_start3A_89 = arith.constant 512 : i32
    %dma_start3A_90 = arith.constant 0 : i32
    %dma_start3A_91 = tpu.memref_slice %arg9[%dma_start3A_89, %dma_start3A_90] : memref<640x64xf32, #tpu.memory_space<vmem>> -> memref<128x64xf32, #tpu.memory_space<vmem>>
    %dma_start3A_92 = arith.constant 0 : i32
    %dma_start3A_93 = tpu.memref_slice %arg7[%dma_start3A_88, %dma_start3A_92] : memref<8x128xi32, #tpu.memory_space<vmem>> -> memref<1x128xi32, #tpu.memory_space<vmem>>
    %dma_start3A_94 = tpu.memref_squeeze %dma_start3A_93 : memref<1x128xi32, #tpu.memory_space<vmem>> -> memref<128xi32, #tpu.memory_space<vmem>>
    %dma_start3A_95 = arith.constant 0 : i32
    %dma_start3A_96 = arith.constant 0 : i32
    %dma_start3A_97 = tpu.memref_slice %arg4[%dma_start3A_95, %dma_start3A_96] : memref<100000x64xf32, #tpu.memory_space<hbm>> -> memref<100000x64xf32, #tpu.memory_space<hbm>>
    tpu.enqueue_indirect_dma source(%dma_start3A_97 : memref<100000x64xf32, #tpu.memory_space<hbm>>) target(%dma_start3A_91 : memref<128x64xf32, #tpu.memory_space<vmem>>) offsets(%dma_start3A_94 : memref<128xi32, #tpu.memory_space<vmem>>) semaphore(%arg13 : memref<!tpu.dma_semaphore, #tpu.memory_space<semaphore_mem>>)
    %dma_start3A_98 = arith.constant 4 : i32
    %dma_start3A_99 = arith.constant 512 : i32
    %dma_start3A_100 = arith.constant 0 : i32
    %dma_start3A_101 = tpu.memref_slice %arg11[%dma_start3A_99, %dma_start3A_100] : memref<640x16xf32, #tpu.memory_space<vmem>> -> memref<128x16xf32, #tpu.memory_space<vmem>>
    %dma_start3A_102 = arith.constant 0 : i32
    %dma_start3A_103 = tpu.memref_slice %arg8[%dma_start3A_98, %dma_start3A_102] : memref<8x128xi32, #tpu.memory_space<vmem>> -> memref<1x128xi32, #tpu.memory_space<vmem>>
    %dma_start3A_104 = tpu.memref_squeeze %dma_start3A_103 : memref<1x128xi32, #tpu.memory_space<vmem>> -> memref<128xi32, #tpu.memory_space<vmem>>
    %dma_start3A_105 = arith.constant 0 : i32
    %dma_start3A_106 = arith.constant 0 : i32
    %dma_start3A_107 = tpu.memref_slice %arg5[%dma_start3A_105, %dma_start3A_106] : memref<1024x16xf32, #tpu.memory_space<hbm>> -> memref<1024x16xf32, #tpu.memory_space<hbm>>
    tpu.enqueue_indirect_dma source(%dma_start3A_107 : memref<1024x16xf32, #tpu.memory_space<hbm>>) target(%dma_start3A_101 : memref<128x16xf32, #tpu.memory_space<vmem>>) offsets(%dma_start3A_104 : memref<128xi32, #tpu.memory_space<vmem>>) semaphore(%arg13 : memref<!tpu.dma_semaphore, #tpu.memory_space<semaphore_mem>>)
    %dma_start3A_108 = arith.constant 5 : i32
    %dma_start3A_109 = arith.constant 0 : i32
    %dma_start3A_110 = arith.constant 0 : i32
    %dma_start3A_111 = tpu.memref_slice %arg10[%dma_start3A_109, %dma_start3A_110] : memref<640x64xf32, #tpu.memory_space<vmem>> -> memref<128x64xf32, #tpu.memory_space<vmem>>
    %dma_start3A_112 = arith.constant 0 : i32
    %dma_start3A_113 = tpu.memref_slice %arg7[%dma_start3A_108, %dma_start3A_112] : memref<8x128xi32, #tpu.memory_space<vmem>> -> memref<1x128xi32, #tpu.memory_space<vmem>>
    %dma_start3A_114 = tpu.memref_squeeze %dma_start3A_113 : memref<1x128xi32, #tpu.memory_space<vmem>> -> memref<128xi32, #tpu.memory_space<vmem>>
    %dma_start3A_115 = arith.constant 0 : i32
    %dma_start3A_116 = arith.constant 0 : i32
    %dma_start3A_117 = tpu.memref_slice %arg4[%dma_start3A_115, %dma_start3A_116] : memref<100000x64xf32, #tpu.memory_space<hbm>> -> memref<100000x64xf32, #tpu.memory_space<hbm>>
    tpu.enqueue_indirect_dma source(%dma_start3A_117 : memref<100000x64xf32, #tpu.memory_space<hbm>>) target(%dma_start3A_111 : memref<128x64xf32, #tpu.memory_space<vmem>>) offsets(%dma_start3A_114 : memref<128xi32, #tpu.memory_space<vmem>>) semaphore(%arg14 : memref<!tpu.dma_semaphore, #tpu.memory_space<semaphore_mem>>)
    %dma_start3A_118 = arith.constant 5 : i32
    %dma_start3A_119 = arith.constant 0 : i32
    %dma_start3A_120 = arith.constant 0 : i32
    %dma_start3A_121 = tpu.memref_slice %arg12[%dma_start3A_119, %dma_start3A_120] : memref<640x16xf32, #tpu.memory_space<vmem>> -> memref<128x16xf32, #tpu.memory_space<vmem>>
    %dma_start3A_122 = arith.constant 0 : i32
    %dma_start3A_123 = tpu.memref_slice %arg8[%dma_start3A_118, %dma_start3A_122] : memref<8x128xi32, #tpu.memory_space<vmem>> -> memref<1x128xi32, #tpu.memory_space<vmem>>
    %dma_start3A_124 = tpu.memref_squeeze %dma_start3A_123 : memref<1x128xi32, #tpu.memory_space<vmem>> -> memref<128xi32, #tpu.memory_space<vmem>>
    %dma_start3A_125 = arith.constant 0 : i32
    %dma_start3A_126 = arith.constant 0 : i32
    %dma_start3A_127 = tpu.memref_slice %arg5[%dma_start3A_125, %dma_start3A_126] : memref<1024x16xf32, #tpu.memory_space<hbm>> -> memref<1024x16xf32, #tpu.memory_space<hbm>>
    tpu.enqueue_indirect_dma source(%dma_start3A_127 : memref<1024x16xf32, #tpu.memory_space<hbm>>) target(%dma_start3A_121 : memref<128x16xf32, #tpu.memory_space<vmem>>) offsets(%dma_start3A_124 : memref<128xi32, #tpu.memory_space<vmem>>) semaphore(%arg14 : memref<!tpu.dma_semaphore, #tpu.memory_space<semaphore_mem>>)
    %dma_start3A_128 = arith.constant 6 : i32
    %dma_start3A_129 = arith.constant 128 : i32
    %dma_start3A_130 = arith.constant 0 : i32
    %dma_start3A_131 = tpu.memref_slice %arg10[%dma_start3A_129, %dma_start3A_130] : memref<640x64xf32, #tpu.memory_space<vmem>> -> memref<128x64xf32, #tpu.memory_space<vmem>>
    %dma_start3A_132 = arith.constant 0 : i32
    %dma_start3A_133 = tpu.memref_slice %arg7[%dma_start3A_128, %dma_start3A_132] : memref<8x128xi32, #tpu.memory_space<vmem>> -> memref<1x128xi32, #tpu.memory_space<vmem>>
    %dma_start3A_134 = tpu.memref_squeeze %dma_start3A_133 : memref<1x128xi32, #tpu.memory_space<vmem>> -> memref<128xi32, #tpu.memory_space<vmem>>
    %dma_start3A_135 = arith.constant 0 : i32
    %dma_start3A_136 = arith.constant 0 : i32
    %dma_start3A_137 = tpu.memref_slice %arg4[%dma_start3A_135, %dma_start3A_136] : memref<100000x64xf32, #tpu.memory_space<hbm>> -> memref<100000x64xf32, #tpu.memory_space<hbm>>
    tpu.enqueue_indirect_dma source(%dma_start3A_137 : memref<100000x64xf32, #tpu.memory_space<hbm>>) target(%dma_start3A_131 : memref<128x64xf32, #tpu.memory_space<vmem>>) offsets(%dma_start3A_134 : memref<128xi32, #tpu.memory_space<vmem>>) semaphore(%arg14 : memref<!tpu.dma_semaphore, #tpu.memory_space<semaphore_mem>>)
    %dma_start3A_138 = arith.constant 6 : i32
    %dma_start3A_139 = arith.constant 128 : i32
    %dma_start3A_140 = arith.constant 0 : i32
    %dma_start3A_141 = tpu.memref_slice %arg12[%dma_start3A_139, %dma_start3A_140] : memref<640x16xf32, #tpu.memory_space<vmem>> -> memref<128x16xf32, #tpu.memory_space<vmem>>
    %dma_start3A_142 = arith.constant 0 : i32
    %dma_start3A_143 = tpu.memref_slice %arg8[%dma_start3A_138, %dma_start3A_142] : memref<8x128xi32, #tpu.memory_space<vmem>> -> memref<1x128xi32, #tpu.memory_space<vmem>>
    %dma_start3A_144 = tpu.memref_squeeze %dma_start3A_143 : memref<1x128xi32, #tpu.memory_space<vmem>> -> memref<128xi32, #tpu.memory_space<vmem>>
    %dma_start3A_145 = arith.constant 0 : i32
    %dma_start3A_146 = arith.constant 0 : i32
    %dma_start3A_147 = tpu.memref_slice %arg5[%dma_start3A_145, %dma_start3A_146] : memref<1024x16xf32, #tpu.memory_space<hbm>> -> memref<1024x16xf32, #tpu.memory_space<hbm>>
    tpu.enqueue_indirect_dma source(%dma_start3A_147 : memref<1024x16xf32, #tpu.memory_space<hbm>>) target(%dma_start3A_141 : memref<128x16xf32, #tpu.memory_space<vmem>>) offsets(%dma_start3A_144 : memref<128xi32, #tpu.memory_space<vmem>>) semaphore(%arg14 : memref<!tpu.dma_semaphore, #tpu.memory_space<semaphore_mem>>)
    %dma_start3A_148 = arith.constant 7 : i32
    %dma_start3A_149 = arith.constant 256 : i32
    %dma_start3A_150 = arith.constant 0 : i32
    %dma_start3A_151 = tpu.memref_slice %arg10[%dma_start3A_149, %dma_start3A_150] : memref<640x64xf32, #tpu.memory_space<vmem>> -> memref<128x64xf32, #tpu.memory_space<vmem>>
    %dma_start3A_152 = arith.constant 0 : i32
    %dma_start3A_153 = tpu.memref_slice %arg7[%dma_start3A_148, %dma_start3A_152] : memref<8x128xi32, #tpu.memory_space<vmem>> -> memref<1x128xi32, #tpu.memory_space<vmem>>
    %dma_start3A_154 = tpu.memref_squeeze %dma_start3A_153 : memref<1x128xi32, #tpu.memory_space<vmem>> -> memref<128xi32, #tpu.memory_space<vmem>>
    %dma_start3A_155 = arith.constant 0 : i32
    %dma_start3A_156 = arith.constant 0 : i32
    %dma_start3A_157 = tpu.memref_slice %arg4[%dma_start3A_155, %dma_start3A_156] : memref<100000x64xf32, #tpu.memory_space<hbm>> -> memref<100000x64xf32, #tpu.memory_space<hbm>>
    tpu.enqueue_indirect_dma source(%dma_start3A_157 : memref<100000x64xf32, #tpu.memory_space<hbm>>) target(%dma_start3A_151 : memref<128x64xf32, #tpu.memory_space<vmem>>) offsets(%dma_start3A_154 : memref<128xi32, #tpu.memory_space<vmem>>) semaphore(%arg14 : memref<!tpu.dma_semaphore, #tpu.memory_space<semaphore_mem>>)
    %dma_start3A_158 = arith.constant 7 : i32
    %dma_start3A_159 = arith.constant 256 : i32
    %dma_start3A_160 = arith.constant 0 : i32
    %dma_start3A_161 = tpu.memref_slice %arg12[%dma_start3A_159, %dma_start3A_160] : memref<640x16xf32, #tpu.memory_space<vmem>> -> memref<128x16xf32, #tpu.memory_space<vmem>>
    %dma_start3A_162 = arith.constant 0 : i32
    %dma_start3A_163 = tpu.memref_slice %arg8[%dma_start3A_158, %dma_start3A_162] : memref<8x128xi32, #tpu.memory_space<vmem>> -> memref<1x128xi32, #tpu.memory_space<vmem>>
    %dma_start3A_164 = tpu.memref_squeeze %dma_start3A_163 : memref<1x128xi32, #tpu.memory_space<vmem>> -> memref<128xi32, #tpu.memory_space<vmem>>
    %dma_start3A_165 = arith.constant 0 : i32
    %dma_start3A_166 = arith.constant 0 : i32
    %dma_start3A_167 = tpu.memref_slice %arg5[%dma_start3A_165, %dma_start3A_166] : memref<1024x16xf32, #tpu.memory_space<hbm>> -> memref<1024x16xf32, #tpu.memory_space<hbm>>
    tpu.enqueue_indirect_dma source(%dma_start3A_167 : memref<1024x16xf32, #tpu.memory_space<hbm>>) target(%dma_start3A_161 : memref<128x16xf32, #tpu.memory_space<vmem>>) offsets(%dma_start3A_164 : memref<128xi32, #tpu.memory_space<vmem>>) semaphore(%arg14 : memref<!tpu.dma_semaphore, #tpu.memory_space<semaphore_mem>>)
    %dma_wait3A = arith.constant 0 : i32
    %dma_wait3A_168 = arith.constant 0 : i32
    %dma_wait3A_169 = arith.constant 0 : i32
    %dma_wait3A_170 = tpu.memref_slice %arg9[%dma_wait3A_168, %dma_wait3A_169] : memref<640x64xf32, #tpu.memory_space<vmem>> -> memref<128x64xf32, #tpu.memory_space<vmem>>
    %dma_wait3A_171 = arith.constant 0 : i32
    %dma_wait3A_172 = tpu.memref_slice %arg7[%dma_wait3A, %dma_wait3A_171] : memref<8x128xi32, #tpu.memory_space<vmem>> -> memref<1x128xi32, #tpu.memory_space<vmem>>
    %dma_wait3A_173 = tpu.memref_squeeze %dma_wait3A_172 : memref<1x128xi32, #tpu.memory_space<vmem>> -> memref<128xi32, #tpu.memory_space<vmem>>
    %dma_wait3A_174 = arith.constant 0 : i32
    %dma_wait3A_175 = arith.constant 0 : i32
    %dma_wait3A_176 = tpu.memref_slice %arg4[%dma_wait3A_174, %dma_wait3A_175] : memref<100000x64xf32, #tpu.memory_space<hbm>> -> memref<100000x64xf32, #tpu.memory_space<hbm>>
    tpu.wait_indirect_dma semaphore(%arg13 : memref<!tpu.dma_semaphore, #tpu.memory_space<semaphore_mem>>) src(%dma_wait3A_176 : memref<100000x64xf32, #tpu.memory_space<hbm>>) dst(%dma_wait3A_170 : memref<128x64xf32, #tpu.memory_space<vmem>>)
    %dma_wait3A_177 = arith.constant 0 : i32
    %dma_wait3A_178 = arith.constant 0 : i32
    %dma_wait3A_179 = arith.constant 0 : i32
    %dma_wait3A_180 = tpu.memref_slice %arg11[%dma_wait3A_178, %dma_wait3A_179] : memref<640x16xf32, #tpu.memory_space<vmem>> -> memref<128x16xf32, #tpu.memory_space<vmem>>
    %dma_wait3A_181 = arith.constant 0 : i32
    %dma_wait3A_182 = tpu.memref_slice %arg8[%dma_wait3A_177, %dma_wait3A_181] : memref<8x128xi32, #tpu.memory_space<vmem>> -> memref<1x128xi32, #tpu.memory_space<vmem>>
    %dma_wait3A_183 = tpu.memref_squeeze %dma_wait3A_182 : memref<1x128xi32, #tpu.memory_space<vmem>> -> memref<128xi32, #tpu.memory_space<vmem>>
    %dma_wait3A_184 = arith.constant 0 : i32
    %dma_wait3A_185 = arith.constant 0 : i32
    %dma_wait3A_186 = tpu.memref_slice %arg5[%dma_wait3A_184, %dma_wait3A_185] : memref<1024x16xf32, #tpu.memory_space<hbm>> -> memref<1024x16xf32, #tpu.memory_space<hbm>>
    tpu.wait_indirect_dma semaphore(%arg13 : memref<!tpu.dma_semaphore, #tpu.memory_space<semaphore_mem>>) src(%dma_wait3A_186 : memref<1024x16xf32, #tpu.memory_space<hbm>>) dst(%dma_wait3A_180 : memref<128x16xf32, #tpu.memory_space<vmem>>)
    %dma_wait3A_187 = arith.constant 1 : i32
    %dma_wait3A_188 = arith.constant 128 : i32
    %dma_wait3A_189 = arith.constant 0 : i32
    %dma_wait3A_190 = tpu.memref_slice %arg9[%dma_wait3A_188, %dma_wait3A_189] : memref<640x64xf32, #tpu.memory_space<vmem>> -> memref<128x64xf32, #tpu.memory_space<vmem>>
    %dma_wait3A_191 = arith.constant 0 : i32
    %dma_wait3A_192 = tpu.memref_slice %arg7[%dma_wait3A_187, %dma_wait3A_191] : memref<8x128xi32, #tpu.memory_space<vmem>> -> memref<1x128xi32, #tpu.memory_space<vmem>>
    %dma_wait3A_193 = tpu.memref_squeeze %dma_wait3A_192 : memref<1x128xi32, #tpu.memory_space<vmem>> -> memref<128xi32, #tpu.memory_space<vmem>>
    %dma_wait3A_194 = arith.constant 0 : i32
    %dma_wait3A_195 = arith.constant 0 : i32
    %dma_wait3A_196 = tpu.memref_slice %arg4[%dma_wait3A_194, %dma_wait3A_195] : memref<100000x64xf32, #tpu.memory_space<hbm>> -> memref<100000x64xf32, #tpu.memory_space<hbm>>
    tpu.wait_indirect_dma semaphore(%arg13 : memref<!tpu.dma_semaphore, #tpu.memory_space<semaphore_mem>>) src(%dma_wait3A_196 : memref<100000x64xf32, #tpu.memory_space<hbm>>) dst(%dma_wait3A_190 : memref<128x64xf32, #tpu.memory_space<vmem>>)
    %dma_wait3A_197 = arith.constant 1 : i32
    %dma_wait3A_198 = arith.constant 128 : i32
    %dma_wait3A_199 = arith.constant 0 : i32
    %dma_wait3A_200 = tpu.memref_slice %arg11[%dma_wait3A_198, %dma_wait3A_199] : memref<640x16xf32, #tpu.memory_space<vmem>> -> memref<128x16xf32, #tpu.memory_space<vmem>>
    %dma_wait3A_201 = arith.constant 0 : i32
    %dma_wait3A_202 = tpu.memref_slice %arg8[%dma_wait3A_197, %dma_wait3A_201] : memref<8x128xi32, #tpu.memory_space<vmem>> -> memref<1x128xi32, #tpu.memory_space<vmem>>
    %dma_wait3A_203 = tpu.memref_squeeze %dma_wait3A_202 : memref<1x128xi32, #tpu.memory_space<vmem>> -> memref<128xi32, #tpu.memory_space<vmem>>
    %dma_wait3A_204 = arith.constant 0 : i32
    %dma_wait3A_205 = arith.constant 0 : i32
    %dma_wait3A_206 = tpu.memref_slice %arg5[%dma_wait3A_204, %dma_wait3A_205] : memref<1024x16xf32, #tpu.memory_space<hbm>> -> memref<1024x16xf32, #tpu.memory_space<hbm>>
    tpu.wait_indirect_dma semaphore(%arg13 : memref<!tpu.dma_semaphore, #tpu.memory_space<semaphore_mem>>) src(%dma_wait3A_206 : memref<1024x16xf32, #tpu.memory_space<hbm>>) dst(%dma_wait3A_200 : memref<128x16xf32, #tpu.memory_space<vmem>>)
    %dma_wait3A_207 = arith.constant 2 : i32
    %dma_wait3A_208 = arith.constant 256 : i32
    %dma_wait3A_209 = arith.constant 0 : i32
    %dma_wait3A_210 = tpu.memref_slice %arg9[%dma_wait3A_208, %dma_wait3A_209] : memref<640x64xf32, #tpu.memory_space<vmem>> -> memref<128x64xf32, #tpu.memory_space<vmem>>
    %dma_wait3A_211 = arith.constant 0 : i32
    %dma_wait3A_212 = tpu.memref_slice %arg7[%dma_wait3A_207, %dma_wait3A_211] : memref<8x128xi32, #tpu.memory_space<vmem>> -> memref<1x128xi32, #tpu.memory_space<vmem>>
    %dma_wait3A_213 = tpu.memref_squeeze %dma_wait3A_212 : memref<1x128xi32, #tpu.memory_space<vmem>> -> memref<128xi32, #tpu.memory_space<vmem>>
    %dma_wait3A_214 = arith.constant 0 : i32
    %dma_wait3A_215 = arith.constant 0 : i32
    %dma_wait3A_216 = tpu.memref_slice %arg4[%dma_wait3A_214, %dma_wait3A_215] : memref<100000x64xf32, #tpu.memory_space<hbm>> -> memref<100000x64xf32, #tpu.memory_space<hbm>>
    tpu.wait_indirect_dma semaphore(%arg13 : memref<!tpu.dma_semaphore, #tpu.memory_space<semaphore_mem>>) src(%dma_wait3A_216 : memref<100000x64xf32, #tpu.memory_space<hbm>>) dst(%dma_wait3A_210 : memref<128x64xf32, #tpu.memory_space<vmem>>)
    %dma_wait3A_217 = arith.constant 2 : i32
    %dma_wait3A_218 = arith.constant 256 : i32
    %dma_wait3A_219 = arith.constant 0 : i32
    %dma_wait3A_220 = tpu.memref_slice %arg11[%dma_wait3A_218, %dma_wait3A_219] : memref<640x16xf32, #tpu.memory_space<vmem>> -> memref<128x16xf32, #tpu.memory_space<vmem>>
    %dma_wait3A_221 = arith.constant 0 : i32
    %dma_wait3A_222 = tpu.memref_slice %arg8[%dma_wait3A_217, %dma_wait3A_221] : memref<8x128xi32, #tpu.memory_space<vmem>> -> memref<1x128xi32, #tpu.memory_space<vmem>>
    %dma_wait3A_223 = tpu.memref_squeeze %dma_wait3A_222 : memref<1x128xi32, #tpu.memory_space<vmem>> -> memref<128xi32, #tpu.memory_space<vmem>>
    %dma_wait3A_224 = arith.constant 0 : i32
    %dma_wait3A_225 = arith.constant 0 : i32
    %dma_wait3A_226 = tpu.memref_slice %arg5[%dma_wait3A_224, %dma_wait3A_225] : memref<1024x16xf32, #tpu.memory_space<hbm>> -> memref<1024x16xf32, #tpu.memory_space<hbm>>
    tpu.wait_indirect_dma semaphore(%arg13 : memref<!tpu.dma_semaphore, #tpu.memory_space<semaphore_mem>>) src(%dma_wait3A_226 : memref<1024x16xf32, #tpu.memory_space<hbm>>) dst(%dma_wait3A_220 : memref<128x16xf32, #tpu.memory_space<vmem>>)
    %dma_wait3A_227 = arith.constant 3 : i32
    %dma_wait3A_228 = arith.constant 384 : i32
    %dma_wait3A_229 = arith.constant 0 : i32
    %dma_wait3A_230 = tpu.memref_slice %arg9[%dma_wait3A_228, %dma_wait3A_229] : memref<640x64xf32, #tpu.memory_space<vmem>> -> memref<128x64xf32, #tpu.memory_space<vmem>>
    %dma_wait3A_231 = arith.constant 0 : i32
    %dma_wait3A_232 = tpu.memref_slice %arg7[%dma_wait3A_227, %dma_wait3A_231] : memref<8x128xi32, #tpu.memory_space<vmem>> -> memref<1x128xi32, #tpu.memory_space<vmem>>
    %dma_wait3A_233 = tpu.memref_squeeze %dma_wait3A_232 : memref<1x128xi32, #tpu.memory_space<vmem>> -> memref<128xi32, #tpu.memory_space<vmem>>
    %dma_wait3A_234 = arith.constant 0 : i32
    %dma_wait3A_235 = arith.constant 0 : i32
    %dma_wait3A_236 = tpu.memref_slice %arg4[%dma_wait3A_234, %dma_wait3A_235] : memref<100000x64xf32, #tpu.memory_space<hbm>> -> memref<100000x64xf32, #tpu.memory_space<hbm>>
    tpu.wait_indirect_dma semaphore(%arg13 : memref<!tpu.dma_semaphore, #tpu.memory_space<semaphore_mem>>) src(%dma_wait3A_236 : memref<100000x64xf32, #tpu.memory_space<hbm>>) dst(%dma_wait3A_230 : memref<128x64xf32, #tpu.memory_space<vmem>>)
    %dma_wait3A_237 = arith.constant 3 : i32
    %dma_wait3A_238 = arith.constant 384 : i32
    %dma_wait3A_239 = arith.constant 0 : i32
    %dma_wait3A_240 = tpu.memref_slice %arg11[%dma_wait3A_238, %dma_wait3A_239] : memref<640x16xf32, #tpu.memory_space<vmem>> -> memref<128x16xf32, #tpu.memory_space<vmem>>
    %dma_wait3A_241 = arith.constant 0 : i32
    %dma_wait3A_242 = tpu.memref_slice %arg8[%dma_wait3A_237, %dma_wait3A_241] : memref<8x128xi32, #tpu.memory_space<vmem>> -> memref<1x128xi32, #tpu.memory_space<vmem>>
    %dma_wait3A_243 = tpu.memref_squeeze %dma_wait3A_242 : memref<1x128xi32, #tpu.memory_space<vmem>> -> memref<128xi32, #tpu.memory_space<vmem>>
    %dma_wait3A_244 = arith.constant 0 : i32
    %dma_wait3A_245 = arith.constant 0 : i32
    %dma_wait3A_246 = tpu.memref_slice %arg5[%dma_wait3A_244, %dma_wait3A_245] : memref<1024x16xf32, #tpu.memory_space<hbm>> -> memref<1024x16xf32, #tpu.memory_space<hbm>>
    tpu.wait_indirect_dma semaphore(%arg13 : memref<!tpu.dma_semaphore, #tpu.memory_space<semaphore_mem>>) src(%dma_wait3A_246 : memref<1024x16xf32, #tpu.memory_space<hbm>>) dst(%dma_wait3A_240 : memref<128x16xf32, #tpu.memory_space<vmem>>)
    %dma_wait3A_247 = arith.constant 4 : i32
    %dma_wait3A_248 = arith.constant 512 : i32
    %dma_wait3A_249 = arith.constant 0 : i32
    %dma_wait3A_250 = tpu.memref_slice %arg9[%dma_wait3A_248, %dma_wait3A_249] : memref<640x64xf32, #tpu.memory_space<vmem>> -> memref<128x64xf32, #tpu.memory_space<vmem>>
    %dma_wait3A_251 = arith.constant 0 : i32
    %dma_wait3A_252 = tpu.memref_slice %arg7[%dma_wait3A_247, %dma_wait3A_251] : memref<8x128xi32, #tpu.memory_space<vmem>> -> memref<1x128xi32, #tpu.memory_space<vmem>>
    %dma_wait3A_253 = tpu.memref_squeeze %dma_wait3A_252 : memref<1x128xi32, #tpu.memory_space<vmem>> -> memref<128xi32, #tpu.memory_space<vmem>>
    %dma_wait3A_254 = arith.constant 0 : i32
    %dma_wait3A_255 = arith.constant 0 : i32
    %dma_wait3A_256 = tpu.memref_slice %arg4[%dma_wait3A_254, %dma_wait3A_255] : memref<100000x64xf32, #tpu.memory_space<hbm>> -> memref<100000x64xf32, #tpu.memory_space<hbm>>
    tpu.wait_indirect_dma semaphore(%arg13 : memref<!tpu.dma_semaphore, #tpu.memory_space<semaphore_mem>>) src(%dma_wait3A_256 : memref<100000x64xf32, #tpu.memory_space<hbm>>) dst(%dma_wait3A_250 : memref<128x64xf32, #tpu.memory_space<vmem>>)
    %dma_wait3A_257 = arith.constant 4 : i32
    %dma_wait3A_258 = arith.constant 512 : i32
    %dma_wait3A_259 = arith.constant 0 : i32
    %dma_wait3A_260 = tpu.memref_slice %arg11[%dma_wait3A_258, %dma_wait3A_259] : memref<640x16xf32, #tpu.memory_space<vmem>> -> memref<128x16xf32, #tpu.memory_space<vmem>>
    %dma_wait3A_261 = arith.constant 0 : i32
    %dma_wait3A_262 = tpu.memref_slice %arg8[%dma_wait3A_257, %dma_wait3A_261] : memref<8x128xi32, #tpu.memory_space<vmem>> -> memref<1x128xi32, #tpu.memory_space<vmem>>
    %dma_wait3A_263 = tpu.memref_squeeze %dma_wait3A_262 : memref<1x128xi32, #tpu.memory_space<vmem>> -> memref<128xi32, #tpu.memory_space<vmem>>
    %dma_wait3A_264 = arith.constant 0 : i32
    %dma_wait3A_265 = arith.constant 0 : i32
    %dma_wait3A_266 = tpu.memref_slice %arg5[%dma_wait3A_264, %dma_wait3A_265] : memref<1024x16xf32, #tpu.memory_space<hbm>> -> memref<1024x16xf32, #tpu.memory_space<hbm>>
    tpu.wait_indirect_dma semaphore(%arg13 : memref<!tpu.dma_semaphore, #tpu.memory_space<semaphore_mem>>) src(%dma_wait3A_266 : memref<1024x16xf32, #tpu.memory_space<hbm>>) dst(%dma_wait3A_260 : memref<128x16xf32, #tpu.memory_space<vmem>>)
    %add3A_267 = arith.constant 0 : i32
    %add3A_268 = arith.addi %mul3A_8, %add3A_267 : i32
    %dma_start3A_269 = arith.constant 0 : i32
    %dma_start3A_270 = arith.constant 0 : i32
    %dma_start3A_271 = tpu.memref_slice %arg9[%dma_start3A_269, %dma_start3A_270] : memref<640x64xf32, #tpu.memory_space<vmem>> -> memref<640x64xf32, #tpu.memory_space<vmem>>
    %dma_start3A_272 = arith.constant 0 : i32
    %dma_start3A_273 = tpu.memref_slice %arg6[%add3A_268, %dma_start3A_272] : memref<32768x128xf32, #tpu.memory_space<hbm>> -> memref<640x64xf32, #tpu.memory_space<hbm>>
    %dma_start3A_274 = arith.constant 0 : i32
    %dma_start3A_275 = tpu.memref_slice %arg6[%add3A_268, %dma_start3A_274] : memref<32768x128xf32, #tpu.memory_space<hbm>> -> memref<640x64xf32, #tpu.memory_space<hbm>>
    %dma_start3A_276 = arith.constant 0 : i32
    %dma_start3A_277 = arith.constant 0 : i32
    %dma_start3A_278 = tpu.memref_slice %arg9[%dma_start3A_276, %dma_start3A_277] : memref<640x64xf32, #tpu.memory_space<vmem>> -> memref<640x64xf32, #tpu.memory_space<vmem>>
    tpu.enqueue_dma source(%dma_start3A_278 : memref<640x64xf32, #tpu.memory_space<vmem>>) target(%dma_start3A_275 : memref<640x64xf32, #tpu.memory_space<hbm>>) target_semaphore(%arg15 : memref<!tpu.dma_semaphore, #tpu.memory_space<semaphore_mem>>)
    %dma_start3A_279 = arith.constant 0 : i32
    %dma_start3A_280 = arith.constant 0 : i32
    %dma_start3A_281 = tpu.memref_slice %arg11[%dma_start3A_279, %dma_start3A_280] : memref<640x16xf32, #tpu.memory_space<vmem>> -> memref<640x16xf32, #tpu.memory_space<vmem>>
    %dma_start3A_282 = arith.constant 64 : i32
    %dma_start3A_283 = tpu.memref_slice %arg6[%add3A_268, %dma_start3A_282] : memref<32768x128xf32, #tpu.memory_space<hbm>> -> memref<640x16xf32, #tpu.memory_space<hbm>>
    %dma_start3A_284 = arith.constant 64 : i32
    %dma_start3A_285 = tpu.memref_slice %arg6[%add3A_268, %dma_start3A_284] : memref<32768x128xf32, #tpu.memory_space<hbm>> -> memref<640x16xf32, #tpu.memory_space<hbm>>
    %dma_start3A_286 = arith.constant 0 : i32
    %dma_start3A_287 = arith.constant 0 : i32
    %dma_start3A_288 = tpu.memref_slice %arg11[%dma_start3A_286, %dma_start3A_287] : memref<640x16xf32, #tpu.memory_space<vmem>> -> memref<640x16xf32, #tpu.memory_space<vmem>>
    tpu.enqueue_dma source(%dma_start3A_288 : memref<640x16xf32, #tpu.memory_space<vmem>>) target(%dma_start3A_285 : memref<640x16xf32, #tpu.memory_space<hbm>>) target_semaphore(%arg15 : memref<!tpu.dma_semaphore, #tpu.memory_space<semaphore_mem>>)
    %dma_wait3A_289 = arith.constant 0 : i32
    %dma_wait3A_290 = arith.constant 0 : i32
    %dma_wait3A_291 = tpu.memref_slice %arg9[%dma_wait3A_289, %dma_wait3A_290] : memref<640x64xf32, #tpu.memory_space<vmem>> -> memref<640x64xf32, #tpu.memory_space<vmem>>
    %dma_wait3A_292 = arith.constant 0 : i32
    %dma_wait3A_293 = tpu.memref_slice %arg6[%add3A_268, %dma_wait3A_292] : memref<32768x128xf32, #tpu.memory_space<hbm>> -> memref<640x64xf32, #tpu.memory_space<hbm>>
    %dma_wait3A_294 = arith.constant 0 : i32
    %dma_wait3A_295 = tpu.memref_slice %arg6[%add3A_268, %dma_wait3A_294] : memref<32768x128xf32, #tpu.memory_space<hbm>> -> memref<640x64xf32, #tpu.memory_space<hbm>>
    %dma_wait3A_296 = arith.constant 0 : i32
    %dma_wait3A_297 = arith.constant 0 : i32
    %dma_wait3A_298 = tpu.memref_slice %arg9[%dma_wait3A_296, %dma_wait3A_297] : memref<640x64xf32, #tpu.memory_space<vmem>> -> memref<640x64xf32, #tpu.memory_space<vmem>>
    tpu.wait_dma2 semaphore(%arg15 : memref<!tpu.dma_semaphore, #tpu.memory_space<semaphore_mem>>) src(%dma_wait3A_298 : memref<640x64xf32, #tpu.memory_space<vmem>>) dst(%dma_wait3A_295 : memref<640x64xf32, #tpu.memory_space<hbm>>)
    %dma_wait3A_299 = arith.constant 0 : i32
    %dma_wait3A_300 = arith.constant 0 : i32
    %dma_wait3A_301 = tpu.memref_slice %arg11[%dma_wait3A_299, %dma_wait3A_300] : memref<640x16xf32, #tpu.memory_space<vmem>> -> memref<640x16xf32, #tpu.memory_space<vmem>>
    %dma_wait3A_302 = arith.constant 64 : i32
    %dma_wait3A_303 = tpu.memref_slice %arg6[%add3A_268, %dma_wait3A_302] : memref<32768x128xf32, #tpu.memory_space<hbm>> -> memref<640x16xf32, #tpu.memory_space<hbm>>
    %dma_wait3A_304 = arith.constant 64 : i32
    %dma_wait3A_305 = tpu.memref_slice %arg6[%add3A_268, %dma_wait3A_304] : memref<32768x128xf32, #tpu.memory_space<hbm>> -> memref<640x16xf32, #tpu.memory_space<hbm>>
    %dma_wait3A_306 = arith.constant 0 : i32
    %dma_wait3A_307 = arith.constant 0 : i32
    %dma_wait3A_308 = tpu.memref_slice %arg11[%dma_wait3A_306, %dma_wait3A_307] : memref<640x16xf32, #tpu.memory_space<vmem>> -> memref<640x16xf32, #tpu.memory_space<vmem>>
    tpu.wait_dma2 semaphore(%arg15 : memref<!tpu.dma_semaphore, #tpu.memory_space<semaphore_mem>>) src(%dma_wait3A_308 : memref<640x16xf32, #tpu.memory_space<vmem>>) dst(%dma_wait3A_305 : memref<640x16xf32, #tpu.memory_space<hbm>>)
    %dma_wait3A_309 = arith.constant 5 : i32
    %dma_wait3A_310 = arith.constant 0 : i32
    %dma_wait3A_311 = arith.constant 0 : i32
    %dma_wait3A_312 = tpu.memref_slice %arg10[%dma_wait3A_310, %dma_wait3A_311] : memref<640x64xf32, #tpu.memory_space<vmem>> -> memref<128x64xf32, #tpu.memory_space<vmem>>
    %dma_wait3A_313 = arith.constant 0 : i32
    %dma_wait3A_314 = tpu.memref_slice %arg7[%dma_wait3A_309, %dma_wait3A_313] : memref<8x128xi32, #tpu.memory_space<vmem>> -> memref<1x128xi32, #tpu.memory_space<vmem>>
    %dma_wait3A_315 = tpu.memref_squeeze %dma_wait3A_314 : memref<1x128xi32, #tpu.memory_space<vmem>> -> memref<128xi32, #tpu.memory_space<vmem>>
    %dma_wait3A_316 = arith.constant 0 : i32
    %dma_wait3A_317 = arith.constant 0 : i32
    %dma_wait3A_318 = tpu.memref_slice %arg4[%dma_wait3A_316, %dma_wait3A_317] : memref<100000x64xf32, #tpu.memory_space<hbm>> -> memref<100000x64xf32, #tpu.memory_space<hbm>>
    tpu.wait_indirect_dma semaphore(%arg14 : memref<!tpu.dma_semaphore, #tpu.memory_space<semaphore_mem>>) src(%dma_wait3A_318 : memref<100000x64xf32, #tpu.memory_space<hbm>>) dst(%dma_wait3A_312 : memref<128x64xf32, #tpu.memory_space<vmem>>)
    %dma_wait3A_319 = arith.constant 5 : i32
    %dma_wait3A_320 = arith.constant 0 : i32
    %dma_wait3A_321 = arith.constant 0 : i32
    %dma_wait3A_322 = tpu.memref_slice %arg12[%dma_wait3A_320, %dma_wait3A_321] : memref<640x16xf32, #tpu.memory_space<vmem>> -> memref<128x16xf32, #tpu.memory_space<vmem>>
    %dma_wait3A_323 = arith.constant 0 : i32
    %dma_wait3A_324 = tpu.memref_slice %arg8[%dma_wait3A_319, %dma_wait3A_323] : memref<8x128xi32, #tpu.memory_space<vmem>> -> memref<1x128xi32, #tpu.memory_space<vmem>>
    %dma_wait3A_325 = tpu.memref_squeeze %dma_wait3A_324 : memref<1x128xi32, #tpu.memory_space<vmem>> -> memref<128xi32, #tpu.memory_space<vmem>>
    %dma_wait3A_326 = arith.constant 0 : i32
    %dma_wait3A_327 = arith.constant 0 : i32
    %dma_wait3A_328 = tpu.memref_slice %arg5[%dma_wait3A_326, %dma_wait3A_327] : memref<1024x16xf32, #tpu.memory_space<hbm>> -> memref<1024x16xf32, #tpu.memory_space<hbm>>
    tpu.wait_indirect_dma semaphore(%arg14 : memref<!tpu.dma_semaphore, #tpu.memory_space<semaphore_mem>>) src(%dma_wait3A_328 : memref<1024x16xf32, #tpu.memory_space<hbm>>) dst(%dma_wait3A_322 : memref<128x16xf32, #tpu.memory_space<vmem>>)
    %dma_wait3A_329 = arith.constant 6 : i32
    %dma_wait3A_330 = arith.constant 128 : i32
    %dma_wait3A_331 = arith.constant 0 : i32
    %dma_wait3A_332 = tpu.memref_slice %arg10[%dma_wait3A_330, %dma_wait3A_331] : memref<640x64xf32, #tpu.memory_space<vmem>> -> memref<128x64xf32, #tpu.memory_space<vmem>>
    %dma_wait3A_333 = arith.constant 0 : i32
    %dma_wait3A_334 = tpu.memref_slice %arg7[%dma_wait3A_329, %dma_wait3A_333] : memref<8x128xi32, #tpu.memory_space<vmem>> -> memref<1x128xi32, #tpu.memory_space<vmem>>
    %dma_wait3A_335 = tpu.memref_squeeze %dma_wait3A_334 : memref<1x128xi32, #tpu.memory_space<vmem>> -> memref<128xi32, #tpu.memory_space<vmem>>
    %dma_wait3A_336 = arith.constant 0 : i32
    %dma_wait3A_337 = arith.constant 0 : i32
    %dma_wait3A_338 = tpu.memref_slice %arg4[%dma_wait3A_336, %dma_wait3A_337] : memref<100000x64xf32, #tpu.memory_space<hbm>> -> memref<100000x64xf32, #tpu.memory_space<hbm>>
    tpu.wait_indirect_dma semaphore(%arg14 : memref<!tpu.dma_semaphore, #tpu.memory_space<semaphore_mem>>) src(%dma_wait3A_338 : memref<100000x64xf32, #tpu.memory_space<hbm>>) dst(%dma_wait3A_332 : memref<128x64xf32, #tpu.memory_space<vmem>>)
    %dma_wait3A_339 = arith.constant 6 : i32
    %dma_wait3A_340 = arith.constant 128 : i32
    %dma_wait3A_341 = arith.constant 0 : i32
    %dma_wait3A_342 = tpu.memref_slice %arg12[%dma_wait3A_340, %dma_wait3A_341] : memref<640x16xf32, #tpu.memory_space<vmem>> -> memref<128x16xf32, #tpu.memory_space<vmem>>
    %dma_wait3A_343 = arith.constant 0 : i32
    %dma_wait3A_344 = tpu.memref_slice %arg8[%dma_wait3A_339, %dma_wait3A_343] : memref<8x128xi32, #tpu.memory_space<vmem>> -> memref<1x128xi32, #tpu.memory_space<vmem>>
    %dma_wait3A_345 = tpu.memref_squeeze %dma_wait3A_344 : memref<1x128xi32, #tpu.memory_space<vmem>> -> memref<128xi32, #tpu.memory_space<vmem>>
    %dma_wait3A_346 = arith.constant 0 : i32
    %dma_wait3A_347 = arith.constant 0 : i32
    %dma_wait3A_348 = tpu.memref_slice %arg5[%dma_wait3A_346, %dma_wait3A_347] : memref<1024x16xf32, #tpu.memory_space<hbm>> -> memref<1024x16xf32, #tpu.memory_space<hbm>>
    tpu.wait_indirect_dma semaphore(%arg14 : memref<!tpu.dma_semaphore, #tpu.memory_space<semaphore_mem>>) src(%dma_wait3A_348 : memref<1024x16xf32, #tpu.memory_space<hbm>>) dst(%dma_wait3A_342 : memref<128x16xf32, #tpu.memory_space<vmem>>)
    %dma_wait3A_349 = arith.constant 7 : i32
    %dma_wait3A_350 = arith.constant 256 : i32
    %dma_wait3A_351 = arith.constant 0 : i32
    %dma_wait3A_352 = tpu.memref_slice %arg10[%dma_wait3A_350, %dma_wait3A_351] : memref<640x64xf32, #tpu.memory_space<vmem>> -> memref<128x64xf32, #tpu.memory_space<vmem>>
    %dma_wait3A_353 = arith.constant 0 : i32
    %dma_wait3A_354 = tpu.memref_slice %arg7[%dma_wait3A_349, %dma_wait3A_353] : memref<8x128xi32, #tpu.memory_space<vmem>> -> memref<1x128xi32, #tpu.memory_space<vmem>>
    %dma_wait3A_355 = tpu.memref_squeeze %dma_wait3A_354 : memref<1x128xi32, #tpu.memory_space<vmem>> -> memref<128xi32, #tpu.memory_space<vmem>>
    %dma_wait3A_356 = arith.constant 0 : i32
    %dma_wait3A_357 = arith.constant 0 : i32
    %dma_wait3A_358 = tpu.memref_slice %arg4[%dma_wait3A_356, %dma_wait3A_357] : memref<100000x64xf32, #tpu.memory_space<hbm>> -> memref<100000x64xf32, #tpu.memory_space<hbm>>
    tpu.wait_indirect_dma semaphore(%arg14 : memref<!tpu.dma_semaphore, #tpu.memory_space<semaphore_mem>>) src(%dma_wait3A_358 : memref<100000x64xf32, #tpu.memory_space<hbm>>) dst(%dma_wait3A_352 : memref<128x64xf32, #tpu.memory_space<vmem>>)
    %dma_wait3A_359 = arith.constant 7 : i32
    %dma_wait3A_360 = arith.constant 256 : i32
    %dma_wait3A_361 = arith.constant 0 : i32
    %dma_wait3A_362 = tpu.memref_slice %arg12[%dma_wait3A_360, %dma_wait3A_361] : memref<640x16xf32, #tpu.memory_space<vmem>> -> memref<128x16xf32, #tpu.memory_space<vmem>>
    %dma_wait3A_363 = arith.constant 0 : i32
    %dma_wait3A_364 = tpu.memref_slice %arg8[%dma_wait3A_359, %dma_wait3A_363] : memref<8x128xi32, #tpu.memory_space<vmem>> -> memref<1x128xi32, #tpu.memory_space<vmem>>
    %dma_wait3A_365 = tpu.memref_squeeze %dma_wait3A_364 : memref<1x128xi32, #tpu.memory_space<vmem>> -> memref<128xi32, #tpu.memory_space<vmem>>
    %dma_wait3A_366 = arith.constant 0 : i32
    %dma_wait3A_367 = arith.constant 0 : i32
    %dma_wait3A_368 = tpu.memref_slice %arg5[%dma_wait3A_366, %dma_wait3A_367] : memref<1024x16xf32, #tpu.memory_space<hbm>> -> memref<1024x16xf32, #tpu.memory_space<hbm>>
    tpu.wait_indirect_dma semaphore(%arg14 : memref<!tpu.dma_semaphore, #tpu.memory_space<semaphore_mem>>) src(%dma_wait3A_368 : memref<1024x16xf32, #tpu.memory_space<hbm>>) dst(%dma_wait3A_362 : memref<128x16xf32, #tpu.memory_space<vmem>>)
    %add3A_369 = arith.constant 640 : i32
    %add3A_370 = arith.addi %mul3A_8, %add3A_369 : i32
    %dma_start3A_371 = arith.constant 0 : i32
    %dma_start3A_372 = arith.constant 0 : i32
    %dma_start3A_373 = tpu.memref_slice %arg10[%dma_start3A_371, %dma_start3A_372] : memref<640x64xf32, #tpu.memory_space<vmem>> -> memref<384x64xf32, #tpu.memory_space<vmem>>
    %dma_start3A_374 = arith.constant 0 : i32
    %dma_start3A_375 = tpu.memref_slice %arg6[%add3A_370, %dma_start3A_374] : memref<32768x128xf32, #tpu.memory_space<hbm>> -> memref<384x64xf32, #tpu.memory_space<hbm>>
    %dma_start3A_376 = arith.constant 0 : i32
    %dma_start3A_377 = tpu.memref_slice %arg6[%add3A_370, %dma_start3A_376] : memref<32768x128xf32, #tpu.memory_space<hbm>> -> memref<384x64xf32, #tpu.memory_space<hbm>>
    %dma_start3A_378 = arith.constant 0 : i32
    %dma_start3A_379 = arith.constant 0 : i32
    %dma_start3A_380 = tpu.memref_slice %arg10[%dma_start3A_378, %dma_start3A_379] : memref<640x64xf32, #tpu.memory_space<vmem>> -> memref<384x64xf32, #tpu.memory_space<vmem>>
    tpu.enqueue_dma source(%dma_start3A_380 : memref<384x64xf32, #tpu.memory_space<vmem>>) target(%dma_start3A_377 : memref<384x64xf32, #tpu.memory_space<hbm>>) target_semaphore(%arg16 : memref<!tpu.dma_semaphore, #tpu.memory_space<semaphore_mem>>)
    %dma_start3A_381 = arith.constant 0 : i32
    %dma_start3A_382 = arith.constant 0 : i32
    %dma_start3A_383 = tpu.memref_slice %arg12[%dma_start3A_381, %dma_start3A_382] : memref<640x16xf32, #tpu.memory_space<vmem>> -> memref<384x16xf32, #tpu.memory_space<vmem>>
    %dma_start3A_384 = arith.constant 64 : i32
    %dma_start3A_385 = tpu.memref_slice %arg6[%add3A_370, %dma_start3A_384] : memref<32768x128xf32, #tpu.memory_space<hbm>> -> memref<384x16xf32, #tpu.memory_space<hbm>>
    %dma_start3A_386 = arith.constant 64 : i32
    %dma_start3A_387 = tpu.memref_slice %arg6[%add3A_370, %dma_start3A_386] : memref<32768x128xf32, #tpu.memory_space<hbm>> -> memref<384x16xf32, #tpu.memory_space<hbm>>
    %dma_start3A_388 = arith.constant 0 : i32
    %dma_start3A_389 = arith.constant 0 : i32
    %dma_start3A_390 = tpu.memref_slice %arg12[%dma_start3A_388, %dma_start3A_389] : memref<640x16xf32, #tpu.memory_space<vmem>> -> memref<384x16xf32, #tpu.memory_space<vmem>>
    tpu.enqueue_dma source(%dma_start3A_390 : memref<384x16xf32, #tpu.memory_space<vmem>>) target(%dma_start3A_387 : memref<384x16xf32, #tpu.memory_space<hbm>>) target_semaphore(%arg16 : memref<!tpu.dma_semaphore, #tpu.memory_space<semaphore_mem>>)
    %dma_wait3A_391 = arith.constant 0 : i32
    %dma_wait3A_392 = arith.constant 0 : i32
    %dma_wait3A_393 = tpu.memref_slice %arg10[%dma_wait3A_391, %dma_wait3A_392] : memref<640x64xf32, #tpu.memory_space<vmem>> -> memref<384x64xf32, #tpu.memory_space<vmem>>
    %dma_wait3A_394 = arith.constant 0 : i32
    %dma_wait3A_395 = tpu.memref_slice %arg6[%add3A_370, %dma_wait3A_394] : memref<32768x128xf32, #tpu.memory_space<hbm>> -> memref<384x64xf32, #tpu.memory_space<hbm>>
    %dma_wait3A_396 = arith.constant 0 : i32
    %dma_wait3A_397 = tpu.memref_slice %arg6[%add3A_370, %dma_wait3A_396] : memref<32768x128xf32, #tpu.memory_space<hbm>> -> memref<384x64xf32, #tpu.memory_space<hbm>>
    %dma_wait3A_398 = arith.constant 0 : i32
    %dma_wait3A_399 = arith.constant 0 : i32
    %dma_wait3A_400 = tpu.memref_slice %arg10[%dma_wait3A_398, %dma_wait3A_399] : memref<640x64xf32, #tpu.memory_space<vmem>> -> memref<384x64xf32, #tpu.memory_space<vmem>>
    tpu.wait_dma2 semaphore(%arg16 : memref<!tpu.dma_semaphore, #tpu.memory_space<semaphore_mem>>) src(%dma_wait3A_400 : memref<384x64xf32, #tpu.memory_space<vmem>>) dst(%dma_wait3A_397 : memref<384x64xf32, #tpu.memory_space<hbm>>)
    %dma_wait3A_401 = arith.constant 0 : i32
    %dma_wait3A_402 = arith.constant 0 : i32
    %dma_wait3A_403 = tpu.memref_slice %arg12[%dma_wait3A_401, %dma_wait3A_402] : memref<640x16xf32, #tpu.memory_space<vmem>> -> memref<384x16xf32, #tpu.memory_space<vmem>>
    %dma_wait3A_404 = arith.constant 64 : i32
    %dma_wait3A_405 = tpu.memref_slice %arg6[%add3A_370, %dma_wait3A_404] : memref<32768x128xf32, #tpu.memory_space<hbm>> -> memref<384x16xf32, #tpu.memory_space<hbm>>
    %dma_wait3A_406 = arith.constant 64 : i32
    %dma_wait3A_407 = tpu.memref_slice %arg6[%add3A_370, %dma_wait3A_406] : memref<32768x128xf32, #tpu.memory_space<hbm>> -> memref<384x16xf32, #tpu.memory_space<hbm>>
    %dma_wait3A_408 = arith.constant 0 : i32
    %dma_wait3A_409 = arith.constant 0 : i32
    %dma_wait3A_410 = tpu.memref_slice %arg12[%dma_wait3A_408, %dma_wait3A_409] : memref<640x16xf32, #tpu.memory_space<vmem>> -> memref<384x16xf32, #tpu.memory_space<vmem>>
    tpu.wait_dma2 semaphore(%arg16 : memref<!tpu.dma_semaphore, #tpu.memory_space<semaphore_mem>>) src(%dma_wait3A_410 : memref<384x16xf32, #tpu.memory_space<vmem>>) dst(%dma_wait3A_407 : memref<384x16xf32, #tpu.memory_space<hbm>>)
    return
  }
}

module attributes {stable_mosaic.version = 14 : i64} {
  func.func @_prep_body(%arg0: memref<1024x1xi32, #tpu.memory_space<vmem>>, %arg1: memref<32x16xf32, #tpu.memory_space<vmem>>, %arg2: memref<1024x16xf32, #tpu.memory_space<vmem>>) attributes {dimension_semantics = [], scalar_prefetch = 0 : i64, scratch_operands = 0 : i64, tpu.core_type = #tpu.core_type<tc>} {
    %get3A = arith.constant 0 : index
    %get3A_0 = arith.constant 0 : index
    %get3A_1 = vector.load %arg0[%get3A, %get3A_0] : memref<1024x1xi32, #tpu.memory_space<vmem>>, vector<1024x1xi32>
    %iota3A = tpu.iota {dimensions = array<i32: 1>} : vector<1024x32xi32>
    %eq3A = vector.broadcast %get3A_1 : vector<1024x1xi32> to vector<1024x32xi32>
    %eq3A_2 = arith.cmpi eq, %eq3A, %iota3A : vector<1024x32xi32>
    %convert_element_type3A = arith.extui %eq3A_2 : vector<1024x32xi1> to vector<1024x32xi32>
    %convert_element_type3A_3 = arith.sitofp %convert_element_type3A : vector<1024x32xi32> to vector<1024x32xf32>
    %get3A_4 = arith.constant 0 : index
    %get3A_5 = arith.constant 0 : index
    %get3A_6 = vector.load %arg1[%get3A_4, %get3A_5] : memref<32x16xf32, #tpu.memory_space<vmem>>, vector<32x16xf32>
    %dot_general3A = arith.constant dense<0.000000e+00> : vector<1024x16xf32>
    %dot_general3A_7 = tpu.matmul %convert_element_type3A_3, %get3A_6, %dot_general3A {dimension_numbers = #tpu.dot_dimension_numbers<[1], [0], [0], [1], [0, 0, 1, 1], [], []>, transpose_lhs_hint = false} : vector<1024x32xf32>, vector<32x16xf32>, vector<1024x16xf32> -> vector<1024x16xf32>
    %swap3A = arith.constant 0 : index
    %swap3A_8 = arith.constant 0 : index
    %swap3A_9 = vector.load %arg2[%swap3A, %swap3A_8] : memref<1024x16xf32, #tpu.memory_space<vmem>>, vector<1024x16xf32>
    tpu.vector_store %arg2[%swap3A, %swap3A_8], %dot_general3A_7 {strides = array<i32>} : memref<1024x16xf32, #tpu.memory_space<vmem>>, vector<1024x16xf32>,
    return
  }
}

module attributes {stable_mosaic.version = 14 : i64} {
  func.func @_dense_body(%arg0: i32, %arg1: memref<4096x128xf32, #tpu.memory_space<vmem>>, %arg2: memref<4096x8xf32, #tpu.memory_space<vmem>>, %arg3: memref<112x128xf32, #tpu.memory_space<vmem>>, %arg4: memref<8x32xf32, #tpu.memory_space<vmem>>, %arg5: memref<1x32xf32, #tpu.memory_space<vmem>>, %arg6: memref<32x32xf32, #tpu.memory_space<vmem>>, %arg7: memref<1x32xf32, #tpu.memory_space<vmem>>, %arg8: memref<4096x128xf32, #tpu.memory_space<vmem>>) attributes {dimension_semantics = [#tpu.dimension_semantics<arbitrary>], iteration_bounds = array<i64: 9>, scalar_prefetch = 0 : i64, scratch_operands = 0 : i64, tpu.core_type = #tpu.core_type<tc>, window_params = [{transform_indices = @transform_0, window_bounds = array<i64: 4096, 128>}, {transform_indices = @transform_1, window_bounds = array<i64: 4096, 8>}, {pipeline_mode = #tpu.pipeline_mode<synchronous>, transform_indices = @transform_2, window_bounds = array<i64: 112, 128>}, {pipeline_mode = #tpu.pipeline_mode<synchronous>, transform_indices = @transform_3, window_bounds = array<i64: 8, 32>}, {pipeline_mode = #tpu.pipeline_mode<synchronous>, transform_indices = @transform_4, window_bounds = array<i64: 1, 32>}, {pipeline_mode = #tpu.pipeline_mode<synchronous>, transform_indices = @transform_5, window_bounds = array<i64: 32, 32>}, {pipeline_mode = #tpu.pipeline_mode<synchronous>, transform_indices = @transform_6, window_bounds = array<i64: 1, 32>}, {transform_indices = @transform_7, window_bounds = array<i64: 4096, 128>}]} {
    %get3A = arith.constant 0 : index
    %get3A_0 = arith.constant 0 : index
    %get3A_1 = vector.load %arg2[%get3A, %get3A_0] : memref<4096x8xf32, #tpu.memory_space<vmem>>, vector<4096x8xf32>
    %get3A_2 = arith.constant 0 : index
    %get3A_3 = arith.constant 0 : index
    %get3A_4 = vector.load %arg4[%get3A_2, %get3A_3] : memref<8x32xf32, #tpu.memory_space<vmem>>, vector<8x32xf32>
    %dot_general3A = arith.constant dense<0.000000e+00> : vector<4096x32xf32>
    %dot_general3A_5 = tpu.matmul %get3A_1, %get3A_4, %dot_general3A {dimension_numbers = #tpu.dot_dimension_numbers<[1], [0], [0], [1], [0, 0, 1, 1], [], []>, transpose_lhs_hint = false} : vector<4096x8xf32>, vector<8x32xf32>, vector<4096x32xf32> -> vector<4096x32xf32>
    %get3A_6 = arith.constant 0 : index
    %get3A_7 = arith.constant 0 : index
    %get3A_8 = vector.load %arg5[%get3A_6, %get3A_7] : memref<1x32xf32, #tpu.memory_space<vmem>>, vector<1x32xf32>
    %add3A = vector.broadcast %get3A_8 : vector<1x32xf32> to vector<4096x32xf32>
    %add3A_9 = arith.addf %dot_general3A_5, %add3A : vector<4096x32xf32>
    %logistic3A = arith.negf %add3A_9 : vector<4096x32xf32>
    %logistic3A_10 = math.exp %logistic3A : vector<4096x32xf32>
    %logistic3A_11 = arith.constant 1.000000e+00 : f32
    %logistic3A_12 = vector.broadcast %logistic3A_11 : f32 to vector<4096x32xf32>
    %logistic3A_13 = arith.addf %logistic3A_12, %logistic3A_10 : vector<4096x32xf32>
    %logistic3A_14 = arith.divf %logistic3A_12, %logistic3A_13 : vector<4096x32xf32>
    %mul3A = arith.mulf %add3A_9, %logistic3A_14 : vector<4096x32xf32>
    %get3A_15 = arith.constant 0 : index
    %get3A_16 = arith.constant 0 : index
    %get3A_17 = vector.load %arg3[%get3A_15, %get3A_16] : memref<112x128xf32, #tpu.memory_space<vmem>>, vector<112x128xf32>
    %get3A_18 = arith.constant 0 : index
    %get3A_19 = arith.constant 0 : index
    %get3A_20 = vector.load %arg6[%get3A_18, %get3A_19] : memref<32x32xf32, #tpu.memory_space<vmem>>, vector<32x32xf32>
    %slice3A = vector.extract_strided_slice %get3A_17 {offsets = [80, 0], sizes = [32, 128], strides = [1, 1]} : vector<112x128xf32> to vector<32x128xf32>
    %dot_general3A_21 = arith.constant dense<0.000000e+00> : vector<32x128xf32>
    %dot_general3A_22 = tpu.matmul %get3A_20, %slice3A, %dot_general3A_21 {dimension_numbers = #tpu.dot_dimension_numbers<[1], [0], [0], [1], [0, 0, 1, 1], [], []>, transpose_lhs_hint = false} : vector<32x32xf32>, vector<32x128xf32>, vector<32x128xf32> -> vector<32x128xf32>
    %get3A_23 = arith.constant 0 : index
    %get3A_24 = arith.constant 0 : index
    %get3A_25 = vector.load %arg7[%get3A_23, %get3A_24] : memref<1x32xf32, #tpu.memory_space<vmem>>, vector<1x32xf32>
    %slice3A_26 = vector.extract_strided_slice %get3A_17 {offsets = [80, 0], sizes = [32, 128], strides = [1, 1]} : vector<112x128xf32> to vector<32x128xf32>
    %dot_general3A_27 = arith.constant dense<0.000000e+00> : vector<1x128xf32>
    %dot_general3A_28 = tpu.matmul %get3A_25, %slice3A_26, %dot_general3A_27 {dimension_numbers = #tpu.dot_dimension_numbers<[1], [0], [0], [1], [0, 0, 1, 1], [], []>, transpose_lhs_hint = false} : vector<1x32xf32>, vector<32x128xf32>, vector<1x128xf32> -> vector<1x128xf32>
    %get3A_29 = arith.constant 0 : index
    %get3A_30 = arith.constant 0 : index
    %get3A_31 = vector.load %arg1[%get3A_29, %get3A_30] : memref<4096x128xf32, #tpu.memory_space<vmem>>, vector<4096x128xf32>
    %slice3A_32 = vector.extract_strided_slice %get3A_31 {offsets = [0, 0], sizes = [4096, 80], strides = [1, 1]} : vector<4096x128xf32> to vector<4096x80xf32>
    %slice3A_33 = vector.extract_strided_slice %get3A_17 {offsets = [0, 0], sizes = [80, 128], strides = [1, 1]} : vector<112x128xf32> to vector<80x128xf32>
    %dot_general3A_34 = arith.constant dense<0.000000e+00> : vector<4096x128xf32>
    %dot_general3A_35 = tpu.matmul %slice3A_32, %slice3A_33, %dot_general3A_34 {dimension_numbers = #tpu.dot_dimension_numbers<[1], [0], [0], [1], [0, 0, 1, 1], [], []>, transpose_lhs_hint = false} : vector<4096x80xf32>, vector<80x128xf32>, vector<4096x128xf32> -> vector<4096x128xf32>
    %dot_general3A_36 = arith.constant dense<0.000000e+00> : vector<4096x128xf32>
    %dot_general3A_37 = tpu.matmul %mul3A, %dot_general3A_22, %dot_general3A_36 {dimension_numbers = #tpu.dot_dimension_numbers<[1], [0], [0], [1], [0, 0, 1, 1], [], []>, transpose_lhs_hint = false} : vector<4096x32xf32>, vector<32x128xf32>, vector<4096x128xf32> -> vector<4096x128xf32>
    %add3A_38 = arith.addf %dot_general3A_35, %dot_general3A_37 : vector<4096x128xf32>
    %add3A_39 = vector.broadcast %dot_general3A_28 : vector<1x128xf32> to vector<4096x128xf32>
    %add3A_40 = arith.addf %add3A_38, %add3A_39 : vector<4096x128xf32>
    %logistic3A_41 = arith.negf %add3A_40 : vector<4096x128xf32>
    %logistic3A_42 = math.exp %logistic3A_41 : vector<4096x128xf32>
    %logistic3A_43 = arith.constant 1.000000e+00 : f32
    %logistic3A_44 = vector.broadcast %logistic3A_43 : f32 to vector<4096x128xf32>
    %logistic3A_45 = arith.addf %logistic3A_44, %logistic3A_42 : vector<4096x128xf32>
    %logistic3A_46 = arith.divf %logistic3A_44, %logistic3A_45 : vector<4096x128xf32>
    %mul3A_47 = arith.mulf %add3A_40, %logistic3A_46 : vector<4096x128xf32>
    %swap3A = arith.constant 0 : index
    %swap3A_48 = arith.constant 0 : index
    %swap3A_49 = vector.load %arg8[%swap3A, %swap3A_48] : memref<4096x128xf32, #tpu.memory_space<vmem>>, vector<4096x128xf32>
    tpu.vector_store %arg8[%swap3A, %swap3A_48], %mul3A_47 {strides = array<i32>} : memref<4096x128xf32, #tpu.memory_space<vmem>>, vector<4096x128xf32>,
    return
  }
  func.func @transform_0(%arg0: i32) -> (i32, i32) {
    %c0_i32 = arith.constant 0 : i32
    %c0_i32_0 = arith.constant 0 : i32
    return %arg0, %c0_i32 : i32, i32
  }
  func.func @transform_1(%arg0: i32) -> (i32, i32) {
    %add3A = arith.constant 0 : i32
    %add3A_0 = arith.addi %add3A, %arg0 : i32
    %c0_i32 = arith.constant 0 : i32
    %c0_i32_1 = arith.constant 0 : i32
    return %add3A_0, %c0_i32 : i32, i32
  }
  func.func @transform_2(%arg0: i32) -> (i32, i32) {
    %c0_i32 = arith.constant 0 : i32
    %c0_i32_0 = arith.constant 0 : i32
    %c0_i32_1 = arith.constant 0 : i32
    return %c0_i32, %c0_i32_0 : i32, i32
  }
  func.func @transform_3(%arg0: i32) -> (i32, i32) {
    %c0_i32 = arith.constant 0 : i32
    %c0_i32_0 = arith.constant 0 : i32
    %c0_i32_1 = arith.constant 0 : i32
    return %c0_i32, %c0_i32_0 : i32, i32
  }
  func.func @transform_4(%arg0: i32) -> (i32, i32) {
    %c0_i32 = arith.constant 0 : i32
    %c0_i32_0 = arith.constant 0 : i32
    %c0_i32_1 = arith.constant 0 : i32
    return %c0_i32, %c0_i32_0 : i32, i32
  }
  func.func @transform_5(%arg0: i32) -> (i32, i32) {
    %c0_i32 = arith.constant 0 : i32
    %c0_i32_0 = arith.constant 0 : i32
    %c0_i32_1 = arith.constant 0 : i32
    return %c0_i32, %c0_i32_0 : i32, i32
  }
  func.func @transform_6(%arg0: i32) -> (i32, i32) {
    %c0_i32 = arith.constant 0 : i32
    %c0_i32_0 = arith.constant 0 : i32
    %c0_i32_1 = arith.constant 0 : i32
    return %c0_i32, %c0_i32_0 : i32, i32
  }
  func.func @transform_7(%arg0: i32) -> (i32, i32) {
    %add3A = arith.constant 0 : i32
    %add3A_0 = arith.addi %add3A, %arg0 : i32
    %c0_i32 = arith.constant 0 : i32
    %c0_i32_1 = arith.constant 0 : i32
    return %add3A_0, %c0_i32 : i32, i32
  }
}

module attributes {stable_mosaic.version = 14 : i64} {
  func.func @_dense_body_aliased(%arg0: i32, %arg1: memref<100000x128xf32, #tpu.memory_space<any>>, %arg2: memref<4096x128xf32, #tpu.memory_space<vmem>>, %arg3: memref<4096x8xf32, #tpu.memory_space<vmem>>, %arg4: memref<112x128xf32, #tpu.memory_space<vmem>>, %arg5: memref<8x32xf32, #tpu.memory_space<vmem>>, %arg6: memref<1x32xf32, #tpu.memory_space<vmem>>, %arg7: memref<32x32xf32, #tpu.memory_space<vmem>>, %arg8: memref<1x32xf32, #tpu.memory_space<vmem>>, %arg9: memref<4096x128xf32, #tpu.memory_space<vmem>>) attributes {dimension_semantics = [#tpu.dimension_semantics<arbitrary>], iteration_bounds = array<i64: 8>, scalar_prefetch = 0 : i64, scratch_operands = 0 : i64, tpu.core_type = #tpu.core_type<tc>, window_params = [{}, {transform_indices = @transform_1, window_bounds = array<i64: 4096, 128>}, {transform_indices = @transform_2, window_bounds = array<i64: 4096, 8>}, {pipeline_mode = #tpu.pipeline_mode<synchronous>, transform_indices = @transform_3, window_bounds = array<i64: 112, 128>}, {pipeline_mode = #tpu.pipeline_mode<synchronous>, transform_indices = @transform_4, window_bounds = array<i64: 8, 32>}, {pipeline_mode = #tpu.pipeline_mode<synchronous>, transform_indices = @transform_5, window_bounds = array<i64: 1, 32>}, {pipeline_mode = #tpu.pipeline_mode<synchronous>, transform_indices = @transform_6, window_bounds = array<i64: 32, 32>}, {pipeline_mode = #tpu.pipeline_mode<synchronous>, transform_indices = @transform_7, window_bounds = array<i64: 1, 32>}, {transform_indices = @transform_8, window_bounds = array<i64: 4096, 128>}]} {
    %get3A = arith.constant 0 : index
    %get3A_0 = arith.constant 0 : index
    %get3A_1 = vector.load %arg3[%get3A, %get3A_0] : memref<4096x8xf32, #tpu.memory_space<vmem>>, vector<4096x8xf32>
    %get3A_2 = arith.constant 0 : index
    %get3A_3 = arith.constant 0 : index
    %get3A_4 = vector.load %arg5[%get3A_2, %get3A_3] : memref<8x32xf32, #tpu.memory_space<vmem>>, vector<8x32xf32>
    %dot_general3A = arith.constant dense<0.000000e+00> : vector<4096x32xf32>
    %dot_general3A_5 = tpu.matmul %get3A_1, %get3A_4, %dot_general3A {dimension_numbers = #tpu.dot_dimension_numbers<[1], [0], [0], [1], [0, 0, 1, 1], [], []>, transpose_lhs_hint = false} : vector<4096x8xf32>, vector<8x32xf32>, vector<4096x32xf32> -> vector<4096x32xf32>
    %get3A_6 = arith.constant 0 : index
    %get3A_7 = arith.constant 0 : index
    %get3A_8 = vector.load %arg6[%get3A_6, %get3A_7] : memref<1x32xf32, #tpu.memory_space<vmem>>, vector<1x32xf32>
    %add3A = vector.broadcast %get3A_8 : vector<1x32xf32> to vector<4096x32xf32>
    %add3A_9 = arith.addf %dot_general3A_5, %add3A : vector<4096x32xf32>
    %logistic3A = arith.negf %add3A_9 : vector<4096x32xf32>
    %logistic3A_10 = math.exp %logistic3A : vector<4096x32xf32>
    %logistic3A_11 = arith.constant 1.000000e+00 : f32
    %logistic3A_12 = vector.broadcast %logistic3A_11 : f32 to vector<4096x32xf32>
    %logistic3A_13 = arith.addf %logistic3A_12, %logistic3A_10 : vector<4096x32xf32>
    %logistic3A_14 = arith.divf %logistic3A_12, %logistic3A_13 : vector<4096x32xf32>
    %mul3A = arith.mulf %add3A_9, %logistic3A_14 : vector<4096x32xf32>
    %get3A_15 = arith.constant 0 : index
    %get3A_16 = arith.constant 0 : index
    %get3A_17 = vector.load %arg4[%get3A_15, %get3A_16] : memref<112x128xf32, #tpu.memory_space<vmem>>, vector<112x128xf32>
    %get3A_18 = arith.constant 0 : index
    %get3A_19 = arith.constant 0 : index
    %get3A_20 = vector.load %arg7[%get3A_18, %get3A_19] : memref<32x32xf32, #tpu.memory_space<vmem>>, vector<32x32xf32>
    %slice3A = vector.extract_strided_slice %get3A_17 {offsets = [80, 0], sizes = [32, 128], strides = [1, 1]} : vector<112x128xf32> to vector<32x128xf32>
    %dot_general3A_21 = arith.constant dense<0.000000e+00> : vector<32x128xf32>
    %dot_general3A_22 = tpu.matmul %get3A_20, %slice3A, %dot_general3A_21 {dimension_numbers = #tpu.dot_dimension_numbers<[1], [0], [0], [1], [0, 0, 1, 1], [], []>, transpose_lhs_hint = false} : vector<32x32xf32>, vector<32x128xf32>, vector<32x128xf32> -> vector<32x128xf32>
    %get3A_23 = arith.constant 0 : index
    %get3A_24 = arith.constant 0 : index
    %get3A_25 = vector.load %arg8[%get3A_23, %get3A_24] : memref<1x32xf32, #tpu.memory_space<vmem>>, vector<1x32xf32>
    %slice3A_26 = vector.extract_strided_slice %get3A_17 {offsets = [80, 0], sizes = [32, 128], strides = [1, 1]} : vector<112x128xf32> to vector<32x128xf32>
    %dot_general3A_27 = arith.constant dense<0.000000e+00> : vector<1x128xf32>
    %dot_general3A_28 = tpu.matmul %get3A_25, %slice3A_26, %dot_general3A_27 {dimension_numbers = #tpu.dot_dimension_numbers<[1], [0], [0], [1], [0, 0, 1, 1], [], []>, transpose_lhs_hint = false} : vector<1x32xf32>, vector<32x128xf32>, vector<1x128xf32> -> vector<1x128xf32>
    %get3A_29 = arith.constant 0 : index
    %get3A_30 = arith.constant 0 : index
    %get3A_31 = vector.load %arg2[%get3A_29, %get3A_30] : memref<4096x128xf32, #tpu.memory_space<vmem>>, vector<4096x128xf32>
    %slice3A_32 = vector.extract_strided_slice %get3A_31 {offsets = [0, 0], sizes = [4096, 80], strides = [1, 1]} : vector<4096x128xf32> to vector<4096x80xf32>
    %slice3A_33 = vector.extract_strided_slice %get3A_17 {offsets = [0, 0], sizes = [80, 128], strides = [1, 1]} : vector<112x128xf32> to vector<80x128xf32>
    %dot_general3A_34 = arith.constant dense<0.000000e+00> : vector<4096x128xf32>
    %dot_general3A_35 = tpu.matmul %slice3A_32, %slice3A_33, %dot_general3A_34 {dimension_numbers = #tpu.dot_dimension_numbers<[1], [0], [0], [1], [0, 0, 1, 1], [], []>, transpose_lhs_hint = false} : vector<4096x80xf32>, vector<80x128xf32>, vector<4096x128xf32> -> vector<4096x128xf32>
    %dot_general3A_36 = arith.constant dense<0.000000e+00> : vector<4096x128xf32>
    %dot_general3A_37 = tpu.matmul %mul3A, %dot_general3A_22, %dot_general3A_36 {dimension_numbers = #tpu.dot_dimension_numbers<[1], [0], [0], [1], [0, 0, 1, 1], [], []>, transpose_lhs_hint = false} : vector<4096x32xf32>, vector<32x128xf32>, vector<4096x128xf32> -> vector<4096x128xf32>
    %add3A_38 = arith.addf %dot_general3A_35, %dot_general3A_37 : vector<4096x128xf32>
    %add3A_39 = vector.broadcast %dot_general3A_28 : vector<1x128xf32> to vector<4096x128xf32>
    %add3A_40 = arith.addf %add3A_38, %add3A_39 : vector<4096x128xf32>
    %logistic3A_41 = arith.negf %add3A_40 : vector<4096x128xf32>
    %logistic3A_42 = math.exp %logistic3A_41 : vector<4096x128xf32>
    %logistic3A_43 = arith.constant 1.000000e+00 : f32
    %logistic3A_44 = vector.broadcast %logistic3A_43 : f32 to vector<4096x128xf32>
    %logistic3A_45 = arith.addf %logistic3A_44, %logistic3A_42 : vector<4096x128xf32>
    %logistic3A_46 = arith.divf %logistic3A_44, %logistic3A_45 : vector<4096x128xf32>
    %mul3A_47 = arith.mulf %add3A_40, %logistic3A_46 : vector<4096x128xf32>
    %swap3A = arith.constant 0 : index
    %swap3A_48 = arith.constant 0 : index
    %swap3A_49 = vector.load %arg9[%swap3A, %swap3A_48] : memref<4096x128xf32, #tpu.memory_space<vmem>>, vector<4096x128xf32>
    tpu.vector_store %arg9[%swap3A, %swap3A_48], %mul3A_47 {strides = array<i32>} : memref<4096x128xf32, #tpu.memory_space<vmem>>, vector<4096x128xf32>,
    return
  }
  func.func @transform_1(%arg0: i32) -> (i32, i32) {
    %c0_i32 = arith.constant 0 : i32
    %c0_i32_0 = arith.constant 0 : i32
    return %arg0, %c0_i32 : i32, i32
  }
  func.func @transform_2(%arg0: i32) -> (i32, i32) {
    %add3A = arith.constant 17 : i32
    %add3A_0 = arith.addi %add3A, %arg0 : i32
    %c0_i32 = arith.constant 0 : i32
    %c0_i32_1 = arith.constant 0 : i32
    return %add3A_0, %c0_i32 : i32, i32
  }
  func.func @transform_3(%arg0: i32) -> (i32, i32) {
    %c0_i32 = arith.constant 0 : i32
    %c0_i32_0 = arith.constant 0 : i32
    %c0_i32_1 = arith.constant 0 : i32
    return %c0_i32, %c0_i32_0 : i32, i32
  }
  func.func @transform_4(%arg0: i32) -> (i32, i32) {
    %c0_i32 = arith.constant 0 : i32
    %c0_i32_0 = arith.constant 0 : i32
    %c0_i32_1 = arith.constant 0 : i32
    return %c0_i32, %c0_i32_0 : i32, i32
  }
  func.func @transform_5(%arg0: i32) -> (i32, i32) {
    %c0_i32 = arith.constant 0 : i32
    %c0_i32_0 = arith.constant 0 : i32
    %c0_i32_1 = arith.constant 0 : i32
    return %c0_i32, %c0_i32_0 : i32, i32
  }
  func.func @transform_6(%arg0: i32) -> (i32, i32) {
    %c0_i32 = arith.constant 0 : i32
    %c0_i32_0 = arith.constant 0 : i32
    %c0_i32_1 = arith.constant 0 : i32
    return %c0_i32, %c0_i32_0 : i32, i32
  }
  func.func @transform_7(%arg0: i32) -> (i32, i32) {
    %c0_i32 = arith.constant 0 : i32
    %c0_i32_0 = arith.constant 0 : i32
    %c0_i32_1 = arith.constant 0 : i32
    return %c0_i32, %c0_i32_0 : i32, i32
  }
  func.func @transform_8(%arg0: i32) -> (i32, i32) {
    %add3A = arith.constant 17 : i32
    %add3A_0 = arith.addi %add3A, %arg0 : i32
    %c0_i32 = arith.constant 0 : i32
    %c0_i32_1 = arith.constant 0 : i32
    return %add3A_0, %c0_i32 : i32, i32
  }
}

module attributes {stable_mosaic.version = 14 : i64} {
  func.func @_dense_body_aliased(%arg0: i32, %arg1: memref<100000x128xf32, #tpu.memory_space<any>>, %arg2: memref<4096x128xf32, #tpu.memory_space<vmem>>, %arg3: memref<4096x8xf32, #tpu.memory_space<vmem>>, %arg4: memref<112x128xf32, #tpu.memory_space<vmem>>, %arg5: memref<8x32xf32, #tpu.memory_space<vmem>>, %arg6: memref<1x32xf32, #tpu.memory_space<vmem>>, %arg7: memref<32x32xf32, #tpu.memory_space<vmem>>, %arg8: memref<1x32xf32, #tpu.memory_space<vmem>>, %arg9: memref<4096x128xf32, #tpu.memory_space<vmem>>) attributes {dimension_semantics = [#tpu.dimension_semantics<arbitrary>], iteration_bounds = array<i64: 8>, scalar_prefetch = 0 : i64, scratch_operands = 0 : i64, tpu.core_type = #tpu.core_type<tc>, window_params = [{}, {transform_indices = @transform_1, window_bounds = array<i64: 4096, 128>}, {transform_indices = @transform_2, window_bounds = array<i64: 4096, 8>}, {pipeline_mode = #tpu.pipeline_mode<synchronous>, transform_indices = @transform_3, window_bounds = array<i64: 112, 128>}, {pipeline_mode = #tpu.pipeline_mode<synchronous>, transform_indices = @transform_4, window_bounds = array<i64: 8, 32>}, {pipeline_mode = #tpu.pipeline_mode<synchronous>, transform_indices = @transform_5, window_bounds = array<i64: 1, 32>}, {pipeline_mode = #tpu.pipeline_mode<synchronous>, transform_indices = @transform_6, window_bounds = array<i64: 32, 32>}, {pipeline_mode = #tpu.pipeline_mode<synchronous>, transform_indices = @transform_7, window_bounds = array<i64: 1, 32>}, {transform_indices = @transform_8, window_bounds = array<i64: 4096, 128>}]} {
    %get3A = arith.constant 0 : index
    %get3A_0 = arith.constant 0 : index
    %get3A_1 = vector.load %arg3[%get3A, %get3A_0] : memref<4096x8xf32, #tpu.memory_space<vmem>>, vector<4096x8xf32>
    %get3A_2 = arith.constant 0 : index
    %get3A_3 = arith.constant 0 : index
    %get3A_4 = vector.load %arg5[%get3A_2, %get3A_3] : memref<8x32xf32, #tpu.memory_space<vmem>>, vector<8x32xf32>
    %dot_general3A = arith.constant dense<0.000000e+00> : vector<4096x32xf32>
    %dot_general3A_5 = tpu.matmul %get3A_1, %get3A_4, %dot_general3A {dimension_numbers = #tpu.dot_dimension_numbers<[1], [0], [0], [1], [0, 0, 1, 1], [], []>, transpose_lhs_hint = false} : vector<4096x8xf32>, vector<8x32xf32>, vector<4096x32xf32> -> vector<4096x32xf32>
    %get3A_6 = arith.constant 0 : index
    %get3A_7 = arith.constant 0 : index
    %get3A_8 = vector.load %arg6[%get3A_6, %get3A_7] : memref<1x32xf32, #tpu.memory_space<vmem>>, vector<1x32xf32>
    %add3A = vector.broadcast %get3A_8 : vector<1x32xf32> to vector<4096x32xf32>
    %add3A_9 = arith.addf %dot_general3A_5, %add3A : vector<4096x32xf32>
    %logistic3A = arith.negf %add3A_9 : vector<4096x32xf32>
    %logistic3A_10 = math.exp %logistic3A : vector<4096x32xf32>
    %logistic3A_11 = arith.constant 1.000000e+00 : f32
    %logistic3A_12 = vector.broadcast %logistic3A_11 : f32 to vector<4096x32xf32>
    %logistic3A_13 = arith.addf %logistic3A_12, %logistic3A_10 : vector<4096x32xf32>
    %logistic3A_14 = arith.divf %logistic3A_12, %logistic3A_13 : vector<4096x32xf32>
    %mul3A = arith.mulf %add3A_9, %logistic3A_14 : vector<4096x32xf32>
    %get3A_15 = arith.constant 0 : index
    %get3A_16 = arith.constant 0 : index
    %get3A_17 = vector.load %arg4[%get3A_15, %get3A_16] : memref<112x128xf32, #tpu.memory_space<vmem>>, vector<112x128xf32>
    %get3A_18 = arith.constant 0 : index
    %get3A_19 = arith.constant 0 : index
    %get3A_20 = vector.load %arg7[%get3A_18, %get3A_19] : memref<32x32xf32, #tpu.memory_space<vmem>>, vector<32x32xf32>
    %slice3A = vector.extract_strided_slice %get3A_17 {offsets = [80, 0], sizes = [32, 128], strides = [1, 1]} : vector<112x128xf32> to vector<32x128xf32>
    %dot_general3A_21 = arith.constant dense<0.000000e+00> : vector<32x128xf32>
    %dot_general3A_22 = tpu.matmul %get3A_20, %slice3A, %dot_general3A_21 {dimension_numbers = #tpu.dot_dimension_numbers<[1], [0], [0], [1], [0, 0, 1, 1], [], []>, transpose_lhs_hint = false} : vector<32x32xf32>, vector<32x128xf32>, vector<32x128xf32> -> vector<32x128xf32>
    %get3A_23 = arith.constant 0 : index
    %get3A_24 = arith.constant 0 : index
    %get3A_25 = vector.load %arg8[%get3A_23, %get3A_24] : memref<1x32xf32, #tpu.memory_space<vmem>>, vector<1x32xf32>
    %slice3A_26 = vector.extract_strided_slice %get3A_17 {offsets = [80, 0], sizes = [32, 128], strides = [1, 1]} : vector<112x128xf32> to vector<32x128xf32>
    %dot_general3A_27 = arith.constant dense<0.000000e+00> : vector<1x128xf32>
    %dot_general3A_28 = tpu.matmul %get3A_25, %slice3A_26, %dot_general3A_27 {dimension_numbers = #tpu.dot_dimension_numbers<[1], [0], [0], [1], [0, 0, 1, 1], [], []>, transpose_lhs_hint = false} : vector<1x32xf32>, vector<32x128xf32>, vector<1x128xf32> -> vector<1x128xf32>
    %get3A_29 = arith.constant 0 : index
    %get3A_30 = arith.constant 0 : index
    %get3A_31 = vector.load %arg2[%get3A_29, %get3A_30] : memref<4096x128xf32, #tpu.memory_space<vmem>>, vector<4096x128xf32>
    %slice3A_32 = vector.extract_strided_slice %get3A_31 {offsets = [0, 0], sizes = [4096, 80], strides = [1, 1]} : vector<4096x128xf32> to vector<4096x80xf32>
    %slice3A_33 = vector.extract_strided_slice %get3A_17 {offsets = [0, 0], sizes = [80, 128], strides = [1, 1]} : vector<112x128xf32> to vector<80x128xf32>
    %dot_general3A_34 = arith.constant dense<0.000000e+00> : vector<4096x128xf32>
    %dot_general3A_35 = tpu.matmul %slice3A_32, %slice3A_33, %dot_general3A_34 {dimension_numbers = #tpu.dot_dimension_numbers<[1], [0], [0], [1], [0, 0, 1, 1], [], []>, transpose_lhs_hint = false} : vector<4096x80xf32>, vector<80x128xf32>, vector<4096x128xf32> -> vector<4096x128xf32>
    %dot_general3A_36 = arith.constant dense<0.000000e+00> : vector<4096x128xf32>
    %dot_general3A_37 = tpu.matmul %mul3A, %dot_general3A_22, %dot_general3A_36 {dimension_numbers = #tpu.dot_dimension_numbers<[1], [0], [0], [1], [0, 0, 1, 1], [], []>, transpose_lhs_hint = false} : vector<4096x32xf32>, vector<32x128xf32>, vector<4096x128xf32> -> vector<4096x128xf32>
    %add3A_38 = arith.addf %dot_general3A_35, %dot_general3A_37 : vector<4096x128xf32>
    %add3A_39 = vector.broadcast %dot_general3A_28 : vector<1x128xf32> to vector<4096x128xf32>
    %add3A_40 = arith.addf %add3A_38, %add3A_39 : vector<4096x128xf32>
    %logistic3A_41 = arith.negf %add3A_40 : vector<4096x128xf32>
    %logistic3A_42 = math.exp %logistic3A_41 : vector<4096x128xf32>
    %logistic3A_43 = arith.constant 1.000000e+00 : f32
    %logistic3A_44 = vector.broadcast %logistic3A_43 : f32 to vector<4096x128xf32>
    %logistic3A_45 = arith.addf %logistic3A_44, %logistic3A_42 : vector<4096x128xf32>
    %logistic3A_46 = arith.divf %logistic3A_44, %logistic3A_45 : vector<4096x128xf32>
    %mul3A_47 = arith.mulf %add3A_40, %logistic3A_46 : vector<4096x128xf32>
    %swap3A = arith.constant 0 : index
    %swap3A_48 = arith.constant 0 : index
    %swap3A_49 = vector.load %arg9[%swap3A, %swap3A_48] : memref<4096x128xf32, #tpu.memory_space<vmem>>, vector<4096x128xf32>
    tpu.vector_store %arg9[%swap3A, %swap3A_48], %mul3A_47 {strides = array<i32>} : memref<4096x128xf32, #tpu.memory_space<vmem>>, vector<4096x128xf32>,
    return
  }
  func.func @transform_1(%arg0: i32) -> (i32, i32) {
    %c0_i32 = arith.constant 0 : i32
    %c0_i32_0 = arith.constant 0 : i32
    return %arg0, %c0_i32 : i32, i32
  }
  func.func @transform_2(%arg0: i32) -> (i32, i32) {
    %add3A = arith.constant 9 : i32
    %add3A_0 = arith.addi %add3A, %arg0 : i32
    %c0_i32 = arith.constant 0 : i32
    %c0_i32_1 = arith.constant 0 : i32
    return %add3A_0, %c0_i32 : i32, i32
  }
  func.func @transform_3(%arg0: i32) -> (i32, i32) {
    %c0_i32 = arith.constant 0 : i32
    %c0_i32_0 = arith.constant 0 : i32
    %c0_i32_1 = arith.constant 0 : i32
    return %c0_i32, %c0_i32_0 : i32, i32
  }
  func.func @transform_4(%arg0: i32) -> (i32, i32) {
    %c0_i32 = arith.constant 0 : i32
    %c0_i32_0 = arith.constant 0 : i32
    %c0_i32_1 = arith.constant 0 : i32
    return %c0_i32, %c0_i32_0 : i32, i32
  }
  func.func @transform_5(%arg0: i32) -> (i32, i32) {
    %c0_i32 = arith.constant 0 : i32
    %c0_i32_0 = arith.constant 0 : i32
    %c0_i32_1 = arith.constant 0 : i32
    return %c0_i32, %c0_i32_0 : i32, i32
  }
  func.func @transform_6(%arg0: i32) -> (i32, i32) {
    %c0_i32 = arith.constant 0 : i32
    %c0_i32_0 = arith.constant 0 : i32
    %c0_i32_1 = arith.constant 0 : i32
    return %c0_i32, %c0_i32_0 : i32, i32
  }
  func.func @transform_7(%arg0: i32) -> (i32, i32) {
    %c0_i32 = arith.constant 0 : i32
    %c0_i32_0 = arith.constant 0 : i32
    %c0_i32_1 = arith.constant 0 : i32
    return %c0_i32, %c0_i32_0 : i32, i32
  }
  func.func @transform_8(%arg0: i32) -> (i32, i32) {
    %add3A = arith.constant 9 : i32
    %add3A_0 = arith.addi %add3A, %arg0 : i32
    %c0_i32 = arith.constant 0 : i32
    %c0_i32_1 = arith.constant 0 : i32
    return %add3A_0, %c0_i32 : i32, i32
  }
}

</mosaic_0001>

<sc_bundles>
// kernel: kernel.12.cloned.1.call-start
scs
__scs_entry_jumppad:
0x0: {  	(pc) =	sbr.rel $0x88, $3  }
0x1: {  	(tag) =	ssettag $0x0;
	lr =	simm.s32 $0x1  }
0x2: {  	[smem:$0x3F96] =	sst lr;
	_ =	strace $0xD0000000  }
0x3: {  	_ = 	snop  }
0x4: {  	_ = 	snop  }
0x5: {  	_ = 	snop  }
0x6: {  	_ = 	snop  }
0x7: {  	_ = 	snop  }
__scs_overlays_trampoline_lowered:
0x8: {  	[smem:$0x3FA5] =	sst s0  }
0x9: {  	[smem:$0x3FA6] =	sst s1  }
0xa: {  	[smem:$0x3FA7] =	sst s2  }
0xb: {  	[smem:$0x3FA8] =	sst s3  }
0xc: {  	[smem:$0x3FA9] =	sst s4  }
0xd: {  	[smem:$0x3FAA] =	sst s5  }
0xe: {  	[smem:$0x3FAB] =	sst s6  }
0xf: {  	[smem:$0x3FAC] =	sst s7  }
0x10: {  	[smem:$0x3FAD] =	sst s8  }
0x11: {  	[smem:$0x3FAE] =	sst s9;
	s0 =	simm.s32 @!p0 $0x0  }
0x12: {  	s1 =	sld [smem:$0x3F94];
	s0 =	simm.s32 @p0 $0x1  }
0x13: {  	[smem:$0x3FAF] =	sst s0;
	s0 =	simm.s32 @!p1 $0x0  }
0x14: {  	s2 =	sld [smem:$0x3F93];
	s0 =	simm.s32 @p1 $0x1  }
0x15: {  	[smem:$0x3FB0] =	sst s0;
	s0 =	simm.s32 @!p2 $0x0  }
0x16: {  	s3 =	sld [smem:$0x3FDB];
	s0 =	simm.s32 @p2 $0x1  }
0x17: {  	s4 =	simm.s32 $0x1BF5;
	[smem:$0x3FB2] =	sst s0  }
0x18: {  	s0 =	sld [smem:$0x3F95];
	_ =	swait.ge [sflag:s4], $0x0  }
0x19: {  	s7 =	sld [smem:$0x3F96]  }
0x1a: {  	s8 =	sadd.s32 $0xFFFFE003, lr  }
0x1b: {  	s9 =	sadd.s32 $0xFFFFFEF7, lr;
	s5 =	simm.s32 $0xFFFFFFFF;
	p2 =	slt.u32 s8, $0xFFFFF086  }
0x1c: {  	p1 =	slt.u32 s9, $0xF7A;
	s5 =	simm.s32 @!p2 $0x0  }
0x1d: {  	s5 =	simm.s32 @p1 $0x1;
	p0 =	seq.s32 s7, s2  }
0x1e: {  	s7 =	smul.u32 @!p0 $0xF7A, s2;
	p2 =	seq.s32 @!p0 s5, $0x0  }
0x1f: {  	s9 =	smul.u32 $0xF7A, s1;
	s8 =	simm.s32 @!p0 $0x1BF5;
	p2 =	por !p2, p0  }
0x20: {  	[sflag:s8] =	ssyncset.s32 @!p0 $0xFFFFF086;
	s6 =	sadd.s32 @!p0 s3, s7;
	s7 =	simm.s32 @!p0 $0x108  }
0x21: {  	s3 =	sadd.s32 s3, s9;
	s6 =	sadd.s32 @!p0 $0x88, s6;
	s7 =	simm.s32 @p2 $0x1082  }
0x22: {  	[simem:s7], [sflag:s8] =	dma.local @!p0 [hbm:s6], $0xF7A  }
0x23: {  	s9 =	sor.u32 $0xD0000000, s2;
	s6 =	simm.s32 $0x108;
	_ =	swait.ge @!p0 [sflag:s8], $0x0  }
0x24: {  	s3 =	sadd.s32 $0x88, s3;
	s6 =	simm.s32 @!p1 $0x1082;
	[sflag:s4] =	ssyncset.s32 $0xFFFFF086  }
0x25: {  	[simem:s6], [sflag:s4] =	dma.local [hbm:s3], $0xF7A  }
0x26: {  	[smem:$0x3F96] =	sst s1;
	(tag) =	ssettag s2;
	_ =	strace s9  }
0x27: {  	s1 =	sld [smem:$0x3FA6]  }
0x28: {  	s2 =	sld [smem:$0x3FA7]  }
0x29: {  	s4 =	sld [smem:$0x3FA9]  }
0x2a: {  	p0 =	seq.s32 s5, $0x0;
	s5 =	sld [smem:$0x3FAA]  }
0x2b: {  	s6 =	sld [smem:$0x3FAB]  }
0x2c: {  	s7 =	sld [smem:$0x3FAC]  }
0x2d: {  	s3 =	simm.s32 $0x108;
	s8 =	sld [smem:$0x3FAD]  }
0x2e: {  	s3 =	simm.s32 @!p0 $0x1082;
	s9 =	sld [smem:$0x3FAE]  }
0x2f: {  	lr =	sadd.s32 s0, s3;
	s0 =	sld [smem:$0x3FA5]  }
0x30: {  	s3 =	sld [smem:$0x3FA8]  }
0x31: {  	[smem:$0x3FB1] =	sst s10  }
0x32: {  	s10 =	sld [smem:$0x3FAF];
	_ =	sdelay $0x3  }
0x33: {  	p0 =	seq.s32 s10, $0x1;
	s10 =	sld [smem:$0x3FB1];
	_ =	sdelay $0x3  }
0x34: {  	[smem:$0x3FB1] =	sst s10  }
0x35: {  	s10 =	sld [smem:$0x3FB0];
	_ =	sdelay $0x3  }
0x36: {  	p1 =	seq.s32 s10, $0x1;
	s10 =	sld [smem:$0x3FB1];
	_ =	sdelay $0x3  }
0x37: {  	[smem:$0x3FB1] =	sst s10  }
0x38: {  	s10 =	sld [smem:$0x3FB2]  }
0x39: {  	_ = 	snop;
	(pc) =	sbr.ind lr, $3  }
0x3a: {  	_ = 	snop  }
0x3b: {  	_ = 	snop  }
0x3c: {  	p2 =	seq.s32 s10, $0x1;
	s10 =	sld [smem:$0x3FB1]  }
0x3d: {  	_ =	shalt  }
0x3e: {  	_ =	shalt  }
0x3f: {  	_ =	shalt  }
0x40: {  	_ =	shalt  }
0x41: {  	_ =	shalt  }
0x42: {  	_ =	shalt  }
0x43: {  	_ =	shalt  }
0x44: {  	_ =	shalt  }
0x45: {  	_ =	shalt  }
0x46: {  	_ =	shalt  }
0x47: {  	_ =	shalt  }
0x48: {  	_ =	shalt  }
0x49: {  	_ =	shalt  }
0x4a: {  	_ =	shalt  }
0x4b: {  	_ =	shalt  }
0x4c: {  	_ =	shalt  }
0x4d: {  	_ =	shalt  }
0x4e: {  	_ =	shalt  }
0x4f: {  	_ =	shalt  }
0x50: {  	_ =	shalt  }
0x51: {  	_ =	shalt  }
0x52: {  	_ =	shalt  }
0x53: {  	_ =	shalt  }
0x54: {  	_ =	shalt  }
0x55: {  	_ =	shalt  }
0x56: {  	_ =	shalt  }
0x57: {  	_ =	shalt  }
0x58: {  	_ =	shalt  }
0x59: {  	_ =	shalt  }
0x5a: {  	_ =	shalt  }
0x5b: {  	_ =	shalt  }
0x5c: {  	_ =	shalt  }
0x5d: {  	_ =	shalt  }
0x5e: {  	_ =	shalt  }
0x5f: {  	_ =	shalt  }
0x60: {  	_ =	shalt  }
0x61: {  	_ =	shalt  }
0x62: {  	_ =	shalt  }
0x63: {  	_ =	shalt  }
0x64: {  	_ =	shalt  }
0x65: {  	_ =	shalt  }
0x66: {  	_ =	shalt  }
0x67: {  	_ =	shalt  }
0x68: {  	_ =	shalt  }
0x69: {  	_ =	shalt  }
0x6a: {  	_ =	shalt  }
0x6b: {  	_ =	shalt  }
0x6c: {  	_ =	shalt  }
0x6d: {  	_ =	shalt  }
0x6e: {  	_ =	shalt  }
0x6f: {  	_ =	shalt  }
0x70: {  	_ =	shalt  }
0x71: {  	_ =	shalt  }
0x72: {  	_ =	shalt  }
0x73: {  	_ =	shalt  }
0x74: {  	_ =	shalt  }
0x75: {  	_ =	shalt  }
0x76: {  	_ =	shalt  }
0x77: {  	_ =	shalt  }
0x78: {  	_ =	shalt  }
0x79: {  	_ =	shalt  }
0x7a: {  	_ =	shalt  }
0x7b: {  	_ =	shalt  }
0x7c: {  	_ =	shalt  }
0x7d: {  	_ =	shalt  }
0x7e: {  	_ =	shalt  }
0x7f: {  	_ =	shalt  }
0x80: {  	_ =	shalt  }
0x81: {  	_ =	shalt  }
0x82: {  	_ =	shalt  }
0x83: {  	_ =	shalt  }
0x84: {  	_ =	shalt  }
0x85: {  	_ =	shalt  }
0x86: {  	_ =	shalt  }
0x87: {  	_ =	shalt  }
.Lfunc_end0:
.L_simem_size_0:
called_computation.1_lowered:
.L_overlay_start_0:
0x88: {  	s2 =	sld [smem:$0x3FD9]  }
0x89: {  	s3 =	sld [smem:$0x3FFE];
	_ =	sdelay $0x1  }
0x8a: {  	s1 =	srdreg.scid  }
0x8b: {  	s0 =	sand.u32 $0x1, s1  }
0x8c: {  	s17 =	sshll.u32 s0, $0xA;
	s2 =	sadd.s32 s3, s2  }
0x8d: {  	s2 =	sadd.s32 s2, s17  }
0x8e: {  	[smem:$0x3FBD] =	sst s2  }
0x8f: {  	_ = 	snop  }
0x90: {  	(tm) =	ssettm $0x1  }
0x91: {  	s18 =	sld [smem:$0x3FFB];
	_ =	sdelay $0x3  }
0x92: {  	_ =	strace s18  }
0x93: {  	s2 =	sld [smem:$0x3FFC];
	_ =	sdelay $0x3  }
0x94: {  	_ =	strace s2  }
0x95: {  	s2 =	sld [smem:$0x3FFD];
	_ =	sdelay $0x3  }
0x96: {  	_ =	strace s2  }
0x97: {  	_ =	strace $0x8FFFFFFF  }
0x98: {  	s19 =	sld [smem:$0x3FDB];
	_ =	sdelay $0x1  }
0x99: {  	s20 =	simm.s32 $_scs_section_size  }
0x9a: {  	s4 =	simm.s32 $_size__tile_overlayer_lowered;
	s5 =	simm.s32 $_tile_overlayer_lowered  }
0x9b: {  	s6 =	simm.s32 $0x1BFF;
	s21 =	sshll.u32 s5, $0x1;
	s3 =	sadd.s32 s20, s19  }
0x9c: {  	s22 =	simm.s32 $0x0;
	s4 =	sshll.u32 s4, $0x1;
	s5 =	sadd.s32 s21, s3  }
0x9d: {  	[timem:s22], [sflag:s6] =	dma.local [hbm:s5], s4  }
0x9e: {  	_ =	swait.ge [sflag:s6], s4  }
0x9f: {  	s4 =	ssub.s32 $0x0, s4;
	[sflag:s6] =	ssyncset.done $0x0  }
0xa0: {  	[sflag:s6] =	ssyncadd.s32 s4;
	_ =	sdelay $0x1  }
0xa1: {  	s23 =	simm.s32 $0x1B8B  }
0xa2: {  	_ =	swait.ge [sflag:s23], $0x1  }
0xa3: {  	[sflag:s23] =	ssyncset.done $0x0  }
0xa4: {  	[sflag:s23] =	ssyncadd.s32 $0xFFFFFFFF  }
0xa5: {  	s4 =	sld [smem:$0x0]  }
0xa6: {  	s5 =	sand.u32 $0xFFFFFFFE, s1  }
0xa7: {  	p0 =	sne.s32 s1, s5  }
0xa8: {  	s5 =	sshll.u32 @p0 s5, $0xE  }
0xa9: {  	s5 =	sadd.s32 @p0 $0x11B8D, s5;
	s6 =	sshll.u32 @p0 s4, $0x11  }
0xaa: {  	s5 =	sor.u32 @p0 s6, s5  }
0xab: {  	[sflag:s5] =	ssyncadd.remote.s32 @p0 $0x1;
	_ =	sdelay $0x1  }
0xac: {  	s5 =	simm.s32 @p0 $0x1B8D  }
0xad: {  	_ =	swait.eq @p0 [sflag:s5], $0x1  }
0xae: {  	[sflag:s5] =	ssyncadd.s32 @p0 $0xFFFFFFFF  }
0xaf: {  	s6 =	sshll.u32 @!p0 s1, $0xE  }
0xb0: {  	s6 =	sor.u32 @!p0 $0x4000, s6;
	s5 =	simm.s32 @!p0 $0x1B8D  }
0xb1: {  	s4 =	sshll.u32 @!p0 s4, $0x11;
	s6 =	sadd.s32 @!p0 $0x11B8D, s6;
	_ =	swait.eq @!p0 [sflag:s5], $0x1  }
0xb2: {  	s4 =	sor.u32 @!p0 s4, s6;
	[sflag:s5] =	ssyncadd.s32 @!p0 $0xFFFFFFFF  }
0xb3: {  	s25 =	simm.s32 $0x1B8E;
	s24 =	sld [smem:$0x3FFE];
	[sflag:s4] =	ssyncadd.remote.s32 @!p0 $0x1  }
0xb4: {  	s26 =	simm.s32 $execute0_lowered;
	[smem:$0x3FD2] =	sst s25  }
0xb5: {  	s5 =	sshll.u32 s26, $0x1;
	_ =	strace $0x80000049;
	[dreg:$0x1] =	wrdreg $0xFFFFFFFF  }
0xb6: {  	s28 =	simm.s32 $_size_execute0_lowered;
	s3 =	sadd.s32 s3, s5;
	[dreg:$0x0] =	wrdreg $0x0  }
0xb7: {  	s5 =	sshll.u32 s28, $0x1;
	[dreg:$0x2] =	wrdreg s3  }
0xb8: {  	[dreg:$0x3] =	wrdreg s5  }
0xb9: {  	[dreg:$0x4] =	wrdreg $0xC0  }
0xba: {  	_ =	task [dreg:s22], $0x5FFFF  }
0xbb: {  	[dreg:$0x1] =	wrdreg $0xFFFFFFFF  }
0xbc: {  	[dreg:$0x0] =	wrdreg $0x60  }
0xbd: {  	[dreg:$0x2] =	wrdreg s24  }
0xbe: {  	[dreg:$0x3] =	wrdreg $0xA  }
0xbf: {  	_ =	task.clear_ibuf [dreg:s22], $0x4FFFF;
	_ =	strace $0x90000049  }
0xc0: {  	s29 =	simm.s32 $0xA;
	_ =	strace $0x8000004B  }
0xc1: {  	_ =	swait.ge [sflag:s29], $0x1  }
0xc2: {  	[sflag:s29] =	ssyncadd.s32 $0xFFFFFFFF  }
0xc3: {  	_ =	strace $0x9000004B  }
0xc4: {  	_ =	sfence  }
0xc5: {  	s30 =	sld [smem:$0x0];
	_ =	sdelay $0x2  }
0xc6: {  	s31 =	sshll.u32 s1, $0xD;
	s1 =	sshrl.u32 s1, $0x2  }
0xc7: {  	s4 =	sand.u32 $0x4000, s31;
	s1 =	sadd.s32 s1, s30  }
0xc8: {  	s0 =	sor.u32 s4, s0;
	s1 =	sshll.u32 s1, $0x11  }
0xc9: {  	s0 =	sor.u32 s1, s0  }
0xca: {  	s0 =	sadd.s32 $0x8F2B, s0  }
0xcb: {  	[sflag:s0] =	ssyncadd.remote.s32 $0x1  }
0xcc: {  	_ =	sfence.sel $0xFFFF  }
0xcd: {  	[dreg:$0x0] =	wrdreg $0xFFFFFFFF;
	(pc) =	sbr.abs _section_cstart, $3  }
0xce: {  	[dreg:$0x1] =	wrdreg $0xFFFFFFFF  }
0xcf: {  	_ =	task.clear_ibuf [dreg:s22], $0x2FFFF;
	_ =	strace $0x9FFFFFFF  }
0xd0: {  	(tm) =	ssettm $0x7FFFFFFF  }
0xd1: {  	_ =	shalt  }
tec
execute0_lowered:
.L_overlay_start_1:
0x0: {  	(tag) =	ssettag $0x1  }
0x1: {  	s0 =	srdreg.scid  }
0x2: {  	s1 =	sand.u32 $0x1, s0  }
0x3: {  	s24 =	stileid.u32;
	s2 =	sshll.u32 s1, $0x4  }
0x4: {  	s8 =	rddreg [dreg:$0x0];
	s3 =	sor.u32 s24, s2;
	s2 =	simm.s32 $0x0  }
0x5: {  	s6 =	simm.s32 $0x15000;
	[smem:$0x7FF] =	sst s2  }
0x6: {  	s7 =	simm.s32 $0x100;
	_ =	strace $0x8000004A;
	[dreg:$0xa] =	wrdreg s6  }
0x7: {  	s9 =	simm.s32 $0x4800;
	[dreg:$0xb] =	wrdreg s7  }
0x8: {  	s10 =	simm.s32 $0x500;
	[dreg:$0xc] =	wrdreg s9  }
0x9: {  	s11 =	simm.s32 $0x15800;
	[dreg:$0xd] =	wrdreg s10  }
0xa: {  	s12 =	simm.s32 $0x180;
	[dreg:$0xe] =	wrdreg s11  }
0xb: {  	s13 =	simm.s32 $0x6800;
	[dreg:$0xf] =	wrdreg s12  }
0xc: {  	s14 =	simm.s32 $0x580;
	[dreg:$0x10] =	wrdreg s13  }
0xd: {  	s15 =	simm.s32 $0x16000;
	s4 =	sshll.u32 s3, $0x7;
	[dreg:$0x11] =	wrdreg s14  }
0xe: {  	s17 =	simm.s32 $0x200;
	s4 =	sadd.s32 s8, s4;
	[dreg:$0x12] =	wrdreg s15  }
0xf: {  	s3 =	sshll.u32 s3, $0xE;
	[dreg:$0x13] =	wrdreg s17;
	s5 =	sadd.s32 $0x2C00, s4  }
0x10: {  	s3 =	sadd.s32 s3, s8;
	s4 =	sadd.s32 $0x5E00, s4;
	[dreg:$0x2] =	wrdreg s5  }
0x11: {  	s25 =	sadd.s32 $0xCBC00, s3;
	[dreg:$0x3] =	wrdreg s4  }
0x12: {  	s26 =	sadd.s32 $0xCBC08, s3;
	[dreg:$0x4] =	wrdreg s25  }
0x13: {  	s0 =	sadd.s32 $0xCE400, s3;
	[dreg:$0x5] =	wrdreg s26  }
0x14: {  	s3 =	sadd.s32 $0xCE408, s3;
	[dreg:$0x6] =	wrdreg s0  }
0x15: {  	[dreg:$0x7] =	wrdreg s3;
	s4 =	simm.s32 $0x2800  }
0x16: {  	s5 =	simm.s32 $0x480;
	[dreg:$0x8] =	wrdreg s4  }
0x17: {  	[dreg:$0x9] =	wrdreg s5  }
0x18: {  	s3 =	simm.s32 $0x5;
	s16 =	rddreg [dreg:$0x2]  }
0x19: {  	[tilespmem:s2], [sflag:$0x5] =	stream.linear.gather [hbm4b:s16+s2], $0x400, $0x38;
	[tilespmem:$0x19800] =	vst v63  }
0x1a: {  	_ =	swait.ge [sflag:s3], $0x400  }
0x1b: {  	[sflag:s3] =	ssyncset.done $0x0  }
0x1c: {  	s4 =	simm.s32 $0x400;
	s18 =	rddreg [dreg:$0x3];
	[sflag:s3] =	ssyncadd.s32 $0xFFFFFC00  }
0x1d: {  	[tilespmem:s4], [sflag:$0x5] =	stream.linear.gather [hbm4b:s18+s2], $0x400, $0x38;
	[tilespmem:$0x19800] =	vst v63  }
0x1e: {  	_ =	swait.ge [sflag:s3], $0x400  }
0x1f: {  	s10 =	rddreg [dreg:$0x12]  }
0x20: {  	s6 =	simm.s32 $0x80;
	s11 =	rddreg [dreg:$0x10]  }
0x21: {  	s7 =	simm.s32 $0x800;
	s12 =	rddreg [dreg:$0x8];
	[sflag:s3] =	ssyncset.done $0x0  }
0x22: {  	s5 =	sadd.s32 $0x8600, s8;
	s13 =	rddreg [dreg:$0xa];
	[sflag:s3] =	ssyncadd.s32 $0xFFFFFC00  }
0x23: {  	[tilespmem:s7], [sflag:$0x1] =	stream.indirect.gather [hbm4b:s5+s6], $0x40, s2, s6, $0xb8;
	[tilespmem:$0x19800] =	vst v63  }
0x24: {  	s9 =	simm.s32 $0x14800;
	s8 =	sadd.s32 $0x7E00, s8;
	s14 =	rddreg [dreg:$0xc]  }
0x25: {  	[tilespmem:s9], [sflag:$0x1] =	stream.indirect.gather [hbm4b:s8+s6], $0x10, s4, s6, $0xb8;
	[tilespmem:$0x19800] =	vst v63  }
0x26: {  	s15 =	rddreg [dreg:$0xe]  }
0x27: {  	[tilespmem:s12], [sflag:$0x1] =	stream.indirect.gather [hbm4b:s5+s6], $0x40, s6, s6, $0xb8;
	[tilespmem:$0x19800] =	vst v63  }
0x28: {  	s16 =	rddreg [dreg:$0x9]  }
0x29: {  	[tilespmem:s13], [sflag:$0x1] =	stream.indirect.gather [hbm4b:s8+s6], $0x10, s16, s6, $0xb8;
	[tilespmem:$0x19800] =	vst v63  }
0x2a: {  	s19 =	rddreg [dreg:$0xb]  }
0x2b: {  	[tilespmem:s14], [sflag:$0x1] =	stream.indirect.gather [hbm4b:s5+s6], $0x40, s19, s6, $0xb8;
	[tilespmem:$0x19800] =	vst v63  }
0x2c: {  	s20 =	rddreg [dreg:$0xd]  }
0x2d: {  	[tilespmem:s15], [sflag:$0x1] =	stream.indirect.gather [hbm4b:s8+s6], $0x10, s20, s6, $0xb8;
	[tilespmem:$0x19800] =	vst v63  }
0x2e: {  	s21 =	rddreg [dreg:$0xf]  }
0x2f: {  	[tilespmem:s11], [sflag:$0x1] =	stream.indirect.gather [hbm4b:s5+s6], $0x40, s21, s6, $0xb8;
	[tilespmem:$0x19800] =	vst v63  }
0x30: {  	s22 =	rddreg [dreg:$0x11]  }
0x31: {  	[tilespmem:s10], [sflag:$0x1] =	stream.indirect.gather [hbm4b:s8+s6], $0x10, s22, s6, $0xb8;
	[tilespmem:$0x19800] =	vst v63  }
0x32: {  	s24 =	simm.s32 $0x8800;
	s23 =	rddreg [dreg:$0x13]  }
0x33: {  	[tilespmem:s24], [sflag:$0x1] =	stream.indirect.gather [hbm4b:s5+s6], $0x40, s23, s6, $0xb8;
	[tilespmem:$0x19800] =	vst v63  }
0x34: {  	s25 =	simm.s32 $0x600;
	s26 =	simm.s32 $0x16800  }
0x35: {  	[tilespmem:s26], [sflag:$0x1] =	stream.indirect.gather [hbm4b:s8+s6], $0x10, s25, s6, $0xb8;
	[tilespmem:$0x19800] =	vst v63  }
0x36: {  	s14 =	simm.s32 $0xA800;
	s11 =	simm.s32 $0x280  }
0x37: {  	[tilespmem:s14], [sflag:$0x2] =	stream.indirect.gather [hbm4b:s5+s6], $0x40, s11, s6, $0xb8;
	[tilespmem:$0x19800] =	vst v63  }
0x38: {  	s12 =	simm.s32 $0x680;
	s16 =	simm.s32 $0x17000  }
0x39: {  	[tilespmem:s16], [sflag:$0x2] =	stream.indirect.gather [hbm4b:s8+s6], $0x10, s12, s6, $0xb8;
	[tilespmem:$0x19800] =	vst v63  }
0x3a: {  	s13 =	simm.s32 $0x300;
	s15 =	simm.s32 $0xC800  }
0x3b: {  	[tilespmem:s15], [sflag:$0x2] =	stream.indirect.gather [hbm4b:s5+s6], $0x40, s13, s6, $0xb8;
	[tilespmem:$0x19800] =	vst v63  }
0x3c: {  	s19 =	simm.s32 $0x700;
	s20 =	simm.s32 $0x17800  }
0x3d: {  	[tilespmem:s20], [sflag:$0x2] =	stream.indirect.gather [hbm4b:s8+s6], $0x10, s19, s6, $0xb8;
	[tilespmem:$0x19800] =	vst v63  }
0x3e: {  	s21 =	simm.s32 $0x380;
	s22 =	simm.s32 $0xE800  }
0x3f: {  	[tilespmem:s22], [sflag:$0x2] =	stream.indirect.gather [hbm4b:s5+s6], $0x40, s21, s6, $0xb8;
	[tilespmem:$0x19800] =	vst v63  }
0x40: {  	s23 =	simm.s32 $0x780;
	s24 =	simm.s32 $0x18000;
	s25 =	simm.s32 $0x1  }
0x41: {  	[tilespmem:s24], [sflag:$0x2] =	stream.indirect.gather [hbm4b:s8+s6], $0x10, s23, s6, $0xb8;
	[tilespmem:$0x19800] =	vst v63  }
0x42: {  	_ =	swait.ge [sflag:s25], $0x2000  }
0x43: {  	[sflag:s25] =	ssyncset.done $0x0  }
0x44: {  	[sflag:s25] =	ssyncadd.s32 $0xFFFFE000  }
0x45: {  	_ =	swait.ge [sflag:s25], $0x800  }
0x46: {  	[sflag:s25] =	ssyncset.done $0x0  }
0x47: {  	[sflag:s25] =	ssyncadd.s32 $0xFFFFF800  }
0x48: {  	_ =	swait.ge [sflag:s25], $0x2000  }
0x49: {  	[sflag:s25] =	ssyncset.done $0x0  }
0x4a: {  	[sflag:s25] =	ssyncadd.s32 $0xFFFFE000  }
0x4b: {  	_ =	swait.ge [sflag:s25], $0x800  }
0x4c: {  	[sflag:s25] =	ssyncset.done $0x0  }
0x4d: {  	[sflag:s25] =	ssyncadd.s32 $0xFFFFF800  }
0x4e: {  	_ =	swait.ge [sflag:s25], $0x2000  }
0x4f: {  	[sflag:s25] =	ssyncset.done $0x0  }
0x50: {  	[sflag:s25] =	ssyncadd.s32 $0xFFFFE000  }
0x51: {  	_ =	swait.ge [sflag:s25], $0x800  }
0x52: {  	[sflag:s25] =	ssyncset.done $0x0  }
0x53: {  	[sflag:s25] =	ssyncadd.s32 $0xFFFFF800  }
0x54: {  	_ =	swait.ge [sflag:s25], $0x2000  }
0x55: {  	[sflag:s25] =	ssyncset.done $0x0  }
0x56: {  	[sflag:s25] =	ssyncadd.s32 $0xFFFFE000  }
0x57: {  	_ =	swait.ge [sflag:s25], $0x800  }
0x58: {  	[sflag:s25] =	ssyncset.done $0x0  }
0x59: {  	[sflag:s25] =	ssyncadd.s32 $0xFFFFF800  }
0x5a: {  	_ =	swait.ge [sflag:s25], $0x2000  }
0x5b: {  	[sflag:s25] =	ssyncset.done $0x0  }
0x5c: {  	[sflag:s25] =	ssyncadd.s32 $0xFFFFE000  }
0x5d: {  	_ =	swait.ge [sflag:s25], $0x800  }
0x5e: {  	[sflag:s25] =	ssyncset.done $0x0  }
0x5f: {  	s26 =	simm.s32 $0x40;
	s28 =	rddreg [dreg:$0x4];
	[sflag:s25] =	ssyncadd.s32 $0xFFFFF800  }
0x60: {  	[hbm4b:s28+s26] =	stream.strided.scatter [tilespmem:s7], [sflag:$0x3], $0xA000, s6, s26, $0x38;
	[tilespmem:$0x19800] =	vst v63  }
0x61: {  	s29 =	rddreg [dreg:$0x5];
	s28 =	simm.s32 $0x10  }
0x62: {  	[hbm4b:s29+s28] =	stream.strided.scatter [tilespmem:s9], [sflag:$0x3], $0x2800, s6, s28, $0x38;
	[tilespmem:$0x19800] =	vst v63  }
0x63: {  	s29 =	simm.s32 $0x3  }
0x64: {  	_ =	swait.ge [sflag:s29], $0xA000  }
0x65: {  	[sflag:s29] =	ssyncset.done $0x0  }
0x66: {  	[sflag:s29] =	ssyncadd.s32 $0xFFFF6000  }
0x67: {  	_ =	swait.ge [sflag:s29], $0x2800  }
0x68: {  	[sflag:s29] =	ssyncset.done $0x0  }
0x69: {  	s30 =	simm.s32 $0x2;
	[sflag:s29] =	ssyncadd.s32 $0xFFFFD800  }
0x6a: {  	_ =	swait.ge [sflag:s30], $0x2000  }
0x6b: {  	[sflag:s30] =	ssyncset.done $0x0  }
0x6c: {  	[sflag:s30] =	ssyncadd.s32 $0xFFFFE000  }
0x6d: {  	_ =	swait.ge [sflag:s30], $0x800  }
0x6e: {  	[sflag:s30] =	ssyncset.done $0x0  }
0x6f: {  	[sflag:s30] =	ssyncadd.s32 $0xFFFFF800  }
0x70: {  	_ =	swait.ge [sflag:s30], $0x2000  }
0x71: {  	[sflag:s30] =	ssyncset.done $0x0  }
0x72: {  	[sflag:s30] =	ssyncadd.s32 $0xFFFFE000  }
0x73: {  	_ =	swait.ge [sflag:s30], $0x800  }
0x74: {  	[sflag:s30] =	ssyncset.done $0x0  }
0x75: {  	[sflag:s30] =	ssyncadd.s32 $0xFFFFF800  }
0x76: {  	_ =	swait.ge [sflag:s30], $0x2000  }
0x77: {  	s1 =	ssub.s32 $0x2, s1;
	[sflag:s30] =	ssyncset.done $0x0  }
0x78: {  	s17 =	sshrl.u32 s1, $0x1;
	[sflag:s30] =	ssyncadd.s32 $0xFFFFE000  }
0x79: {  	s0 =	ssub.s32 s1, s17;
	_ =	swait.ge [sflag:s30], $0x800  }
0x7a: {  	s0 =	smax.u32 s0, $0x1;
	[sflag:s30] =	ssyncset.done $0x0  }
0x7b: {  	p0 =	sne.s32 s0, $0x1;
	s31 =	rddreg [dreg:$0x6];
	[sflag:s30] =	ssyncadd.s32 $0xFFFFF800  }
0x7c: {  	[hbm4b:s31+s26] =	stream.strided.scatter [tilespmem:s14], [sflag:$0x4], $0x6000, s6, s26, $0x38;
	[tilespmem:$0x19800] =	vst v63  }
.Ltmp0:
0x7d: {  	_ = 	snop;
	(pc) =	sbr.rel @!p0 .LBB2_2-.Ltmp0, $4  }
0x7e: {  	s31 =	rddreg [dreg:$0x7]  }
0x7f: {  	[hbm4b:s31+s28] =	stream.strided.scatter [tilespmem:s16], [sflag:$0x4], $0x1800, s6, s28, $0x38;
	[tilespmem:$0x19800] =	vst v63  }
0x80: {  	s31 =	simm.s32 $0x4  }
0x81: {  	s1 =	sadd.s32 $0xFFFFFFFF, s0;
	s18 =	simm.s32 $0xC800;
	_ =	swait.ge [sflag:s31], $0x6000  }
.LBB2_1:
0x82: {  	[sflag:s31] =	ssyncset.done $0x0  }
0x83: {  	[sflag:s31] =	ssyncadd.s32 $0xFFFFA000  }
0x84: {  	_ =	swait.ge [sflag:s31], $0x1800  }
0x85: {  	[sflag:s31] =	ssyncset.done $0x0  }
0x86: {  	s0 =	rddreg [dreg:$0x2];
	[sflag:s31] =	ssyncadd.s32 $0xFFFFE800  }
0x87: {  	[tilespmem:s2], [sflag:$0x5] =	stream.linear.gather [hbm4b:s0+s2], $0x400, $0x38;
	[tilespmem:$0x19800] =	vst v63  }
0x88: {  	_ =	swait.ge [sflag:s3], $0x400  }
0x89: {  	[sflag:s3] =	ssyncset.done $0x0  }
0x8a: {  	s15 =	rddreg [dreg:$0x3];
	[sflag:s3] =	ssyncadd.s32 $0xFFFFFC00  }
0x8b: {  	[tilespmem:s4], [sflag:$0x5] =	stream.linear.gather [hbm4b:s15+s2], $0x400, $0x38;
	[tilespmem:$0x19800] =	vst v63  }
0x8c: {  	_ =	swait.ge [sflag:s3], $0x400  }
0x8d: {  	s0 =	rddreg [dreg:$0x12]  }
0x8e: {  	s10 =	rddreg [dreg:$0x10]  }
0x8f: {  	s11 =	rddreg [dreg:$0x8];
	[sflag:s3] =	ssyncset.done $0x0  }
0x90: {  	s12 =	rddreg [dreg:$0xa];
	[sflag:s3] =	ssyncadd.s32 $0xFFFFFC00  }
0x91: {  	[tilespmem:s7], [sflag:$0x1] =	stream.indirect.gather [hbm4b:s5+s6], $0x40, s2, s6, $0xb8;
	[tilespmem:$0x19800] =	vst v63  }
0x92: {  	s13 =	rddreg [dreg:$0xc]  }
0x93: {  	[tilespmem:s9], [sflag:$0x1] =	stream.indirect.gather [hbm4b:s8+s6], $0x10, s4, s6, $0xb8;
	[tilespmem:$0x19800] =	vst v63  }
0x94: {  	s15 =	rddreg [dreg:$0xe]  }
0x95: {  	[tilespmem:s11], [sflag:$0x1] =	stream.indirect.gather [hbm4b:s5+s6], $0x40, s6, s6, $0xb8;
	[tilespmem:$0x19800] =	vst v63  }
0x96: {  	s17 =	rddreg [dreg:$0x9]  }
0x97: {  	[tilespmem:s12], [sflag:$0x1] =	stream.indirect.gather [hbm4b:s8+s6], $0x10, s17, s6, $0xb8;
	[tilespmem:$0x19800] =	vst v63  }
0x98: {  	s11 =	rddreg [dreg:$0xb]  }
0x99: {  	[tilespmem:s13], [sflag:$0x1] =	stream.indirect.gather [hbm4b:s5+s6], $0x40, s11, s6, $0xb8;
	[tilespmem:$0x19800] =	vst v63  }
0x9a: {  	s17 =	rddreg [dreg:$0xd]  }
0x9b: {  	[tilespmem:s15], [sflag:$0x1] =	stream.indirect.gather [hbm4b:s8+s6], $0x10, s17, s6, $0xb8;
	[tilespmem:$0x19800] =	vst v63  }
0x9c: {  	s13 =	rddreg [dreg:$0xf]  }
0x9d: {  	[tilespmem:s10], [sflag:$0x1] =	stream.indirect.gather [hbm4b:s5+s6], $0x40, s13, s6, $0xb8;
	[tilespmem:$0x19800] =	vst v63  }
0x9e: {  	s17 =	rddreg [dreg:$0x11]  }
0x9f: {  	[tilespmem:s0], [sflag:$0x1] =	stream.indirect.gather [hbm4b:s8+s6], $0x10, s17, s6, $0xb8;
	[tilespmem:$0x19800] =	vst v63  }
0xa0: {  	s12 =	simm.s32 $0x8800;
	s11 =	rddreg [dreg:$0x13]  }
0xa1: {  	[tilespmem:s12], [sflag:$0x1] =	stream.indirect.gather [hbm4b:s5+s6], $0x40, s11, s6, $0xb8;
	[tilespmem:$0x19800] =	vst v63  }
0xa2: {  	s15 =	simm.s32 $0x16800;
	s13 =	simm.s32 $0x600  }
0xa3: {  	[tilespmem:s15], [sflag:$0x1] =	stream.indirect.gather [hbm4b:s8+s6], $0x10, s13, s6, $0xb8;
	[tilespmem:$0x19800] =	vst v63  }
0xa4: {  	s17 =	simm.s32 $0x280  }
0xa5: {  	[tilespmem:s14], [sflag:$0x2] =	stream.indirect.gather [hbm4b:s5+s6], $0x40, s17, s6, $0xb8;
	[tilespmem:$0x19800] =	vst v63  }
0xa6: {  	s10 =	simm.s32 $0x680  }
0xa7: {  	[tilespmem:s16], [sflag:$0x2] =	stream.indirect.gather [hbm4b:s8+s6], $0x10, s10, s6, $0xb8;
	[tilespmem:$0x19800] =	vst v63  }
0xa8: {  	s11 =	simm.s32 $0x300  }
0xa9: {  	[tilespmem:s18], [sflag:$0x2] =	stream.indirect.gather [hbm4b:s5+s6], $0x40, s11, s6, $0xb8;
	[tilespmem:$0x19800] =	vst v63  }
0xaa: {  	_ = 	snop  }
0xab: {  	[tilespmem:s20], [sflag:$0x2] =	stream.indirect.gather [hbm4b:s8+s6], $0x10, s19, s6, $0xb8;
	[tilespmem:$0x19800] =	vst v63  }
0xac: {  	_ = 	snop  }
0xad: {  	[tilespmem:s22], [sflag:$0x2] =	stream.indirect.gather [hbm4b:s5+s6], $0x40, s21, s6, $0xb8;
	[tilespmem:$0x19800] =	vst v63  }
0xae: {  	_ = 	snop  }
0xaf: {  	[tilespmem:s24], [sflag:$0x2] =	stream.indirect.gather [hbm4b:s8+s6], $0x10, s23, s6, $0xb8;
	[tilespmem:$0x19800] =	vst v63  }
0xb0: {  	_ =	swait.ge [sflag:s25], $0x2000  }
0xb1: {  	[sflag:s25] =	ssyncset.done $0x0  }
0xb2: {  	[sflag:s25] =	ssyncadd.s32 $0xFFFFE000  }
0xb3: {  	_ =	swait.ge [sflag:s25], $0x800  }
0xb4: {  	[sflag:s25] =	ssyncset.done $0x0  }
0xb5: {  	[sflag:s25] =	ssyncadd.s32 $0xFFFFF800  }
0xb6: {  	_ =	swait.ge [sflag:s25], $0x2000  }
0xb7: {  	[sflag:s25] =	ssyncset.done $0x0  }
0xb8: {  	[sflag:s25] =	ssyncadd.s32 $0xFFFFE000  }
0xb9: {  	_ =	swait.ge [sflag:s25], $0x800  }
0xba: {  	[sflag:s25] =	ssyncset.done $0x0  }
0xbb: {  	[sflag:s25] =	ssyncadd.s32 $0xFFFFF800  }
0xbc: {  	_ =	swait.ge [sflag:s25], $0x2000  }
0xbd: {  	[sflag:s25] =	ssyncset.done $0x0  }
0xbe: {  	[sflag:s25] =	ssyncadd.s32 $0xFFFFE000  }
0xbf: {  	_ =	swait.ge [sflag:s25], $0x800  }
0xc0: {  	[sflag:s25] =	ssyncset.done $0x0  }
0xc1: {  	[sflag:s25] =	ssyncadd.s32 $0xFFFFF800  }
0xc2: {  	_ =	swait.ge [sflag:s25], $0x2000  }
0xc3: {  	[sflag:s25] =	ssyncset.done $0x0  }
0xc4: {  	[sflag:s25] =	ssyncadd.s32 $0xFFFFE000  }
0xc5: {  	_ =	swait.ge [sflag:s25], $0x800  }
0xc6: {  	[sflag:s25] =	ssyncset.done $0x0  }
0xc7: {  	[sflag:s25] =	ssyncadd.s32 $0xFFFFF800  }
0xc8: {  	_ =	swait.ge [sflag:s25], $0x2000  }
0xc9: {  	[sflag:s25] =	ssyncset.done $0x0  }
0xca: {  	[sflag:s25] =	ssyncadd.s32 $0xFFFFE000  }
0xcb: {  	_ =	swait.ge [sflag:s25], $0x800  }
0xcc: {  	[sflag:s25] =	ssyncset.done $0x0  }
0xcd: {  	s12 =	rddreg [dreg:$0x4];
	[sflag:s25] =	ssyncadd.s32 $0xFFFFF800  }
0xce: {  	[hbm4b:s12+s26] =	stream.strided.scatter [tilespmem:s7], [sflag:$0x3], $0xA000, s6, s26, $0x38;
	[tilespmem:$0x19800] =	vst v63  }
0xcf: {  	s13 =	rddreg [dreg:$0x5]  }
0xd0: {  	[hbm4b:s13+s28] =	stream.strided.scatter [tilespmem:s9], [sflag:$0x3], $0x2800, s6, s28, $0x38;
	[tilespmem:$0x19800] =	vst v63  }
0xd1: {  	_ =	swait.ge [sflag:s29], $0xA000  }
0xd2: {  	[sflag:s29] =	ssyncset.done $0x0  }
0xd3: {  	[sflag:s29] =	ssyncadd.s32 $0xFFFF6000  }
0xd4: {  	_ =	swait.ge [sflag:s29], $0x2800  }
0xd5: {  	[sflag:s29] =	ssyncset.done $0x0  }
0xd6: {  	[sflag:s29] =	ssyncadd.s32 $0xFFFFD800  }
0xd7: {  	_ =	swait.ge [sflag:s30], $0x2000  }
0xd8: {  	[sflag:s30] =	ssyncset.done $0x0  }
0xd9: {  	[sflag:s30] =	ssyncadd.s32 $0xFFFFE000  }
0xda: {  	_ =	swait.ge [sflag:s30], $0x800  }
0xdb: {  	[sflag:s30] =	ssyncset.done $0x0  }
0xdc: {  	[sflag:s30] =	ssyncadd.s32 $0xFFFFF800  }
0xdd: {  	_ =	swait.ge [sflag:s30], $0x2000  }
0xde: {  	[sflag:s30] =	ssyncset.done $0x0  }
0xdf: {  	[sflag:s30] =	ssyncadd.s32 $0xFFFFE000  }
0xe0: {  	_ =	swait.ge [sflag:s30], $0x800  }
0xe1: {  	[sflag:s30] =	ssyncset.done $0x0  }
0xe2: {  	[sflag:s30] =	ssyncadd.s32 $0xFFFFF800  }
0xe3: {  	_ =	swait.ge [sflag:s30], $0x2000  }
0xe4: {  	[sflag:s30] =	ssyncset.done $0x0  }
0xe5: {  	[sflag:s30] =	ssyncadd.s32 $0xFFFFE000  }
0xe6: {  	_ =	swait.ge [sflag:s30], $0x800  }
0xe7: {  	p0 =	sne.s32 s1, $0x1;
	[sflag:s30] =	ssyncset.done $0x0  }
.Ltmp1:
0xe8: {  	s15 =	rddreg [dreg:$0x6];
	[sflag:s30] =	ssyncadd.s32 $0xFFFFF800;
	(pc) =	sbr.rel @p0 .LBB2_1-.Ltmp1, $4  }
0xe9: {  	[hbm4b:s15+s26] =	stream.strided.scatter [tilespmem:s14], [sflag:$0x4], $0x6000, s6, s26, $0x38;
	[tilespmem:$0x19800] =	vst v63  }
0xea: {  	s17 =	rddreg [dreg:$0x7]  }
0xeb: {  	[hbm4b:s17+s28] =	stream.strided.scatter [tilespmem:s16], [sflag:$0x4], $0x1800, s6, s28, $0x38;
	[tilespmem:$0x19800] =	vst v63  }
0xec: {  	s1 =	sadd.s32 $0xFFFFFFFF, s1;
	_ =	swait.ge [sflag:s31], $0x6000  }
.LBB2_2:
0xed: {  	[sflag:s31] =	ssyncset.done $0x0  }
0xee: {  	[sflag:s31] =	ssyncadd.s32 $0xFFFFA000  }
0xef: {  	_ =	swait.ge [sflag:s31], $0x1800  }
0xf0: {  	[sflag:s31] =	ssyncset.done $0x0  }
0xf1: {  	[sflag:s31] =	ssyncadd.s32 $0xFFFFE800  }
0xf2: {  	_ =	sfence.sel $0x180000  }
0xf3: {  	[bflag:$0x0] =	sbarrier.arrive $0xFFFF  }
0xf4: {  	_ =	strace $0x9000004A  }
0xf5: {  	s0 =	stileid.u32;
	[bflag:$0x2] =	sbarrier.arrive $0xFFFF  }
0xf6: {  	p0 =	sne.s32 s0, $0x0;
	s0 =	rddreg [dreg:$0x1]  }
0xf7: {  	s0 =	sadd.s32 @!p0 $0x100000, s0  }
0xf8: {  	[sflag:s0] =	ssyncadd.tile.s32 @!p0 $0x1;
	_ =	shalt  }
.Lfunc_end2:
_tile_overlayer_lowered:
.L_overlay_start_2:
0xf9: {  	(tag) =	ssettag $0x2  }
0xfa: {  	s0 =	rddreg [dreg:$0x0];
	s2 =	stileid.u32  }
0xfb: {  	s1 =	rddreg [dreg:$0x1];
	p0 =	sne.s32 s2, $0x0  }
0xfc: {  	s3 =	rddreg [dreg:$0x2];
	[bflag:$0x3] =	sbarrier.arrive $0xFFFF;
	s2 =	simm.s32 @!p0 $0x1C05  }
0xfd: {  	[timem:s3], [sflag:s2] =	dma.local @!p0 [hbm:s0], s1  }
0xfe: {  	s0 =	simm.s32 @!p0 $0x5  }
0xff: {  	_ =	swait.ge @!p0 [sflag:s0], s1  }
0x100: {  	s1 =	ssub.s32 @!p0 $0x0, s1;
	[sflag:s0] =	ssyncset.done @!p0 $0x0  }
0x101: {  	[sflag:s0] =	ssyncadd.s32 @!p0 s1  }
0x102: {  	[bflag:$0x3] =	sbarrier.arrive $0xFFFF  }
0x103: {  	_ =	shalt  }

// kernel: kernel.15.cloned.1.call-start
scs
__scs_entry_jumppad:
0x0: {  	(pc) =	sbr.rel $0x88, $3  }
0x1: {  	(tag) =	ssettag $0x0;
	lr =	simm.s32 $0x1  }
0x2: {  	[smem:$0x3F96] =	sst lr;
	_ =	strace $0xD0000000  }
0x3: {  	_ = 	snop  }
0x4: {  	_ = 	snop  }
0x5: {  	_ = 	snop  }
0x6: {  	_ = 	snop  }
0x7: {  	_ = 	snop  }
__scs_overlays_trampoline_lowered:
0x8: {  	[smem:$0x3FA5] =	sst s0  }
0x9: {  	[smem:$0x3FA6] =	sst s1  }
0xa: {  	[smem:$0x3FA7] =	sst s2  }
0xb: {  	[smem:$0x3FA8] =	sst s3  }
0xc: {  	[smem:$0x3FA9] =	sst s4  }
0xd: {  	[smem:$0x3FAA] =	sst s5  }
0xe: {  	[smem:$0x3FAB] =	sst s6  }
0xf: {  	[smem:$0x3FAC] =	sst s7  }
0x10: {  	[smem:$0x3FAD] =	sst s8  }
0x11: {  	[smem:$0x3FAE] =	sst s9;
	s0 =	simm.s32 @!p0 $0x0  }
0x12: {  	s1 =	sld [smem:$0x3F94];
	s0 =	simm.s32 @p0 $0x1  }
0x13: {  	[smem:$0x3FAF] =	sst s0;
	s0 =	simm.s32 @!p1 $0x0  }
0x14: {  	s2 =	sld [smem:$0x3F93];
	s0 =	simm.s32 @p1 $0x1  }
0x15: {  	[smem:$0x3FB0] =	sst s0;
	s0 =	simm.s32 @!p2 $0x0  }
0x16: {  	s3 =	sld [smem:$0x3FDB];
	s0 =	simm.s32 @p2 $0x1  }
0x17: {  	s4 =	simm.s32 $0x1BF5;
	[smem:$0x3FB2] =	sst s0  }
0x18: {  	s0 =	sld [smem:$0x3F95];
	_ =	swait.ge [sflag:s4], $0x0  }
0x19: {  	s7 =	sld [smem:$0x3F96]  }
0x1a: {  	s8 =	sadd.s32 $0xFFFFE003, lr  }
0x1b: {  	s9 =	sadd.s32 $0xFFFFFEF7, lr;
	s5 =	simm.s32 $0xFFFFFFFF;
	p2 =	slt.u32 s8, $0xFFFFF086  }
0x1c: {  	p1 =	slt.u32 s9, $0xF7A;
	s5 =	simm.s32 @!p2 $0x0  }
0x1d: {  	s5 =	simm.s32 @p1 $0x1;
	p0 =	seq.s32 s7, s2  }
0x1e: {  	s7 =	smul.u32 @!p0 $0xF7A, s2;
	p2 =	seq.s32 @!p0 s5, $0x0  }
0x1f: {  	s9 =	smul.u32 $0xF7A, s1;
	s8 =	simm.s32 @!p0 $0x1BF5;
	p2 =	por !p2, p0  }
0x20: {  	[sflag:s8] =	ssyncset.s32 @!p0 $0xFFFFF086;
	s6 =	sadd.s32 @!p0 s3, s7;
	s7 =	simm.s32 @!p0 $0x108  }
0x21: {  	s3 =	sadd.s32 s3, s9;
	s6 =	sadd.s32 @!p0 $0x88, s6;
	s7 =	simm.s32 @p2 $0x1082  }
0x22: {  	[simem:s7], [sflag:s8] =	dma.local @!p0 [hbm:s6], $0xF7A  }
0x23: {  	s9 =	sor.u32 $0xD0000000, s2;
	s6 =	simm.s32 $0x108;
	_ =	swait.ge @!p0 [sflag:s8], $0x0  }
0x24: {  	s3 =	sadd.s32 $0x88, s3;
	s6 =	simm.s32 @!p1 $0x1082;
	[sflag:s4] =	ssyncset.s32 $0xFFFFF086  }
0x25: {  	[simem:s6], [sflag:s4] =	dma.local [hbm:s3], $0xF7A  }
0x26: {  	[smem:$0x3F96] =	sst s1;
	(tag) =	ssettag s2;
	_ =	strace s9  }
0x27: {  	s1 =	sld [smem:$0x3FA6]  }
0x28: {  	s2 =	sld [smem:$0x3FA7]  }
0x29: {  	s4 =	sld [smem:$0x3FA9]  }
0x2a: {  	p0 =	seq.s32 s5, $0x0;
	s5 =	sld [smem:$0x3FAA]  }
0x2b: {  	s6 =	sld [smem:$0x3FAB]  }
0x2c: {  	s7 =	sld [smem:$0x3FAC]  }
0x2d: {  	s3 =	simm.s32 $0x108;
	s8 =	sld [smem:$0x3FAD]  }
0x2e: {  	s3 =	simm.s32 @!p0 $0x1082;
	s9 =	sld [smem:$0x3FAE]  }
0x2f: {  	lr =	sadd.s32 s0, s3;
	s0 =	sld [smem:$0x3FA5]  }
0x30: {  	s3 =	sld [smem:$0x3FA8]  }
0x31: {  	[smem:$0x3FB1] =	sst s10  }
0x32: {  	s10 =	sld [smem:$0x3FAF];
	_ =	sdelay $0x3  }
0x33: {  	p0 =	seq.s32 s10, $0x1;
	s10 =	sld [smem:$0x3FB1];
	_ =	sdelay $0x3  }
0x34: {  	[smem:$0x3FB1] =	sst s10  }
0x35: {  	s10 =	sld [smem:$0x3FB0];
	_ =	sdelay $0x3  }
0x36: {  	p1 =	seq.s32 s10, $0x1;
	s10 =	sld [smem:$0x3FB1];
	_ =	sdelay $0x3  }
0x37: {  	[smem:$0x3FB1] =	sst s10  }
0x38: {  	s10 =	sld [smem:$0x3FB2]  }
0x39: {  	_ = 	snop;
	(pc) =	sbr.ind lr, $3  }
0x3a: {  	_ = 	snop  }
0x3b: {  	_ = 	snop  }
0x3c: {  	p2 =	seq.s32 s10, $0x1;
	s10 =	sld [smem:$0x3FB1]  }
0x3d: {  	_ =	shalt  }
0x3e: {  	_ =	shalt  }
0x3f: {  	_ =	shalt  }
0x40: {  	_ =	shalt  }
0x41: {  	_ =	shalt  }
0x42: {  	_ =	shalt  }
0x43: {  	_ =	shalt  }
0x44: {  	_ =	shalt  }
0x45: {  	_ =	shalt  }
0x46: {  	_ =	shalt  }
0x47: {  	_ =	shalt  }
0x48: {  	_ =	shalt  }
0x49: {  	_ =	shalt  }
0x4a: {  	_ =	shalt  }
0x4b: {  	_ =	shalt  }
0x4c: {  	_ =	shalt  }
0x4d: {  	_ =	shalt  }
0x4e: {  	_ =	shalt  }
0x4f: {  	_ =	shalt  }
0x50: {  	_ =	shalt  }
0x51: {  	_ =	shalt  }
0x52: {  	_ =	shalt  }
0x53: {  	_ =	shalt  }
0x54: {  	_ =	shalt  }
0x55: {  	_ =	shalt  }
0x56: {  	_ =	shalt  }
0x57: {  	_ =	shalt  }
0x58: {  	_ =	shalt  }
0x59: {  	_ =	shalt  }
0x5a: {  	_ =	shalt  }
0x5b: {  	_ =	shalt  }
0x5c: {  	_ =	shalt  }
0x5d: {  	_ =	shalt  }
0x5e: {  	_ =	shalt  }
0x5f: {  	_ =	shalt  }
0x60: {  	_ =	shalt  }
0x61: {  	_ =	shalt  }
0x62: {  	_ =	shalt  }
0x63: {  	_ =	shalt  }
0x64: {  	_ =	shalt  }
0x65: {  	_ =	shalt  }
0x66: {  	_ =	shalt  }
0x67: {  	_ =	shalt  }
0x68: {  	_ =	shalt  }
0x69: {  	_ =	shalt  }
0x6a: {  	_ =	shalt  }
0x6b: {  	_ =	shalt  }
0x6c: {  	_ =	shalt  }
0x6d: {  	_ =	shalt  }
0x6e: {  	_ =	shalt  }
0x6f: {  	_ =	shalt  }
0x70: {  	_ =	shalt  }
0x71: {  	_ =	shalt  }
0x72: {  	_ =	shalt  }
0x73: {  	_ =	shalt  }
0x74: {  	_ =	shalt  }
0x75: {  	_ =	shalt  }
0x76: {  	_ =	shalt  }
0x77: {  	_ =	shalt  }
0x78: {  	_ =	shalt  }
0x79: {  	_ =	shalt  }
0x7a: {  	_ =	shalt  }
0x7b: {  	_ =	shalt  }
0x7c: {  	_ =	shalt  }
0x7d: {  	_ =	shalt  }
0x7e: {  	_ =	shalt  }
0x7f: {  	_ =	shalt  }
0x80: {  	_ =	shalt  }
0x81: {  	_ =	shalt  }
0x82: {  	_ =	shalt  }
0x83: {  	_ =	shalt  }
0x84: {  	_ =	shalt  }
0x85: {  	_ =	shalt  }
0x86: {  	_ =	shalt  }
0x87: {  	_ =	shalt  }
.Lfunc_end0:
.L_simem_size_0:
called_computation.2_lowered:
.L_overlay_start_0:
0x88: {  	s2 =	sld [smem:$0x3FD9]  }
0x89: {  	s3 =	sld [smem:$0x3FFE];
	_ =	sdelay $0x1  }
0x8a: {  	s1 =	srdreg.scid  }
0x8b: {  	s0 =	sand.u32 $0x1, s1  }
0x8c: {  	s17 =	sshll.u32 s0, $0xA;
	s2 =	sadd.s32 s3, s2  }
0x8d: {  	s2 =	sadd.s32 s2, s17  }
0x8e: {  	[smem:$0x3FBD] =	sst s2  }
0x8f: {  	_ = 	snop  }
0x90: {  	(tm) =	ssettm $0x1  }
0x91: {  	s18 =	sld [smem:$0x3FFB];
	_ =	sdelay $0x3  }
0x92: {  	_ =	strace s18  }
0x93: {  	s2 =	sld [smem:$0x3FFC];
	_ =	sdelay $0x3  }
0x94: {  	_ =	strace s2  }
0x95: {  	s2 =	sld [smem:$0x3FFD];
	_ =	sdelay $0x3  }
0x96: {  	_ =	strace s2  }
0x97: {  	_ =	strace $0x8FFFFFFF  }
0x98: {  	s19 =	sld [smem:$0x3FDB];
	_ =	sdelay $0x1  }
0x99: {  	s20 =	simm.s32 $_scs_section_size  }
0x9a: {  	s4 =	simm.s32 $_size__tile_overlayer_lowered;
	s5 =	simm.s32 $_tile_overlayer_lowered  }
0x9b: {  	s6 =	simm.s32 $0x1BFF;
	s21 =	sshll.u32 s5, $0x1;
	s3 =	sadd.s32 s20, s19  }
0x9c: {  	s22 =	simm.s32 $0x0;
	s4 =	sshll.u32 s4, $0x1;
	s5 =	sadd.s32 s21, s3  }
0x9d: {  	[timem:s22], [sflag:s6] =	dma.local [hbm:s5], s4  }
0x9e: {  	_ =	swait.ge [sflag:s6], s4  }
0x9f: {  	s4 =	ssub.s32 $0x0, s4;
	[sflag:s6] =	ssyncset.done $0x0  }
0xa0: {  	[sflag:s6] =	ssyncadd.s32 s4;
	_ =	sdelay $0x1  }
0xa1: {  	s23 =	simm.s32 $0x1B8B  }
0xa2: {  	_ =	swait.ge [sflag:s23], $0x1  }
0xa3: {  	[sflag:s23] =	ssyncset.done $0x0  }
0xa4: {  	[sflag:s23] =	ssyncadd.s32 $0xFFFFFFFF  }
0xa5: {  	s4 =	sld [smem:$0x0]  }
0xa6: {  	s5 =	sand.u32 $0xFFFFFFFE, s1  }
0xa7: {  	p0 =	sne.s32 s1, s5  }
0xa8: {  	s5 =	sshll.u32 @p0 s5, $0xE  }
0xa9: {  	s5 =	sadd.s32 @p0 $0x11B8D, s5;
	s6 =	sshll.u32 @p0 s4, $0x11  }
0xaa: {  	s5 =	sor.u32 @p0 s6, s5  }
0xab: {  	[sflag:s5] =	ssyncadd.remote.s32 @p0 $0x1;
	_ =	sdelay $0x1  }
0xac: {  	s5 =	simm.s32 @p0 $0x1B8D  }
0xad: {  	_ =	swait.eq @p0 [sflag:s5], $0x1  }
0xae: {  	[sflag:s5] =	ssyncadd.s32 @p0 $0xFFFFFFFF  }
0xaf: {  	s6 =	sshll.u32 @!p0 s1, $0xE  }
0xb0: {  	s6 =	sor.u32 @!p0 $0x4000, s6;
	s5 =	simm.s32 @!p0 $0x1B8D  }
0xb1: {  	s4 =	sshll.u32 @!p0 s4, $0x11;
	s6 =	sadd.s32 @!p0 $0x11B8D, s6;
	_ =	swait.eq @!p0 [sflag:s5], $0x1  }
0xb2: {  	s4 =	sor.u32 @!p0 s4, s6;
	[sflag:s5] =	ssyncadd.s32 @!p0 $0xFFFFFFFF  }
0xb3: {  	s25 =	simm.s32 $0x1B8E;
	s24 =	sld [smem:$0x3FFE];
	[sflag:s4] =	ssyncadd.remote.s32 @!p0 $0x1  }
0xb4: {  	s26 =	simm.s32 $execute0_lowered;
	[smem:$0x3FD2] =	sst s25  }
0xb5: {  	s5 =	sshll.u32 s26, $0x1;
	_ =	strace $0x8000004C;
	[dreg:$0x1] =	wrdreg $0xFFFFFFFF  }
0xb6: {  	s28 =	simm.s32 $_size_execute0_lowered;
	s3 =	sadd.s32 s3, s5;
	[dreg:$0x0] =	wrdreg $0x0  }
0xb7: {  	s5 =	sshll.u32 s28, $0x1;
	[dreg:$0x2] =	wrdreg s3  }
0xb8: {  	[dreg:$0x3] =	wrdreg s5  }
0xb9: {  	[dreg:$0x4] =	wrdreg $0xC0  }
0xba: {  	_ =	task [dreg:s22], $0x5FFFF  }
0xbb: {  	[dreg:$0x1] =	wrdreg $0xFFFFFFFF  }
0xbc: {  	[dreg:$0x0] =	wrdreg $0x60  }
0xbd: {  	[dreg:$0x2] =	wrdreg s24  }
0xbe: {  	[dreg:$0x3] =	wrdreg $0xB  }
0xbf: {  	_ =	task.clear_ibuf [dreg:s22], $0x4FFFF;
	_ =	strace $0x9000004C  }
0xc0: {  	s29 =	simm.s32 $0xB;
	_ =	strace $0x8000004E  }
0xc1: {  	_ =	swait.ge [sflag:s29], $0x1  }
0xc2: {  	[sflag:s29] =	ssyncadd.s32 $0xFFFFFFFF  }
0xc3: {  	_ =	strace $0x9000004E  }
0xc4: {  	_ =	sfence  }
0xc5: {  	s30 =	sld [smem:$0x0];
	_ =	sdelay $0x2  }
0xc6: {  	s31 =	sshll.u32 s1, $0xD;
	s1 =	sshrl.u32 s1, $0x2  }
0xc7: {  	s4 =	sand.u32 $0x4000, s31;
	s1 =	sadd.s32 s1, s30  }
0xc8: {  	s0 =	sor.u32 s4, s0;
	s1 =	sshll.u32 s1, $0x11  }
0xc9: {  	s0 =	sor.u32 s1, s0  }
0xca: {  	s0 =	sadd.s32 $0x8F2B, s0  }
0xcb: {  	[sflag:s0] =	ssyncadd.remote.s32 $0x1  }
0xcc: {  	_ =	sfence.sel $0xFFFF  }
0xcd: {  	[dreg:$0x0] =	wrdreg $0xFFFFFFFF;
	(pc) =	sbr.abs _section_cstart, $3  }
0xce: {  	[dreg:$0x1] =	wrdreg $0xFFFFFFFF  }
0xcf: {  	_ =	task.clear_ibuf [dreg:s22], $0x2FFFF;
	_ =	strace $0x9FFFFFFF  }
0xd0: {  	(tm) =	ssettm $0x7FFFFFFF  }
0xd1: {  	_ =	shalt  }
tec
execute0_lowered:
.L_overlay_start_1:
0x0: {  	(tag) =	ssettag $0x1  }
0x1: {  	s0 =	srdreg.scid  }
0x2: {  	s1 =	sand.u32 $0x1, s0  }
0x3: {  	s24 =	stileid.u32;
	s2 =	sshll.u32 s1, $0x4  }
0x4: {  	s8 =	rddreg [dreg:$0x0];
	s3 =	sor.u32 s24, s2;
	s2 =	simm.s32 $0x0  }
0x5: {  	s6 =	simm.s32 $0x15000;
	[smem:$0x7FF] =	sst s2  }
0x6: {  	s7 =	simm.s32 $0x100;
	_ =	strace $0x8000004D;
	[dreg:$0xa] =	wrdreg s6  }
0x7: {  	s9 =	simm.s32 $0x4800;
	[dreg:$0xb] =	wrdreg s7  }
0x8: {  	s10 =	simm.s32 $0x500;
	[dreg:$0xc] =	wrdreg s9  }
0x9: {  	s11 =	simm.s32 $0x15800;
	[dreg:$0xd] =	wrdreg s10  }
0xa: {  	s12 =	simm.s32 $0x180;
	[dreg:$0xe] =	wrdreg s11  }
0xb: {  	s13 =	simm.s32 $0x6800;
	[dreg:$0xf] =	wrdreg s12  }
0xc: {  	s14 =	simm.s32 $0x580;
	[dreg:$0x10] =	wrdreg s13  }
0xd: {  	s15 =	simm.s32 $0x16000;
	s4 =	sshll.u32 s3, $0x7;
	[dreg:$0x11] =	wrdreg s14  }
0xe: {  	s17 =	simm.s32 $0x200;
	s4 =	sadd.s32 s8, s4;
	[dreg:$0x12] =	wrdreg s15  }
0xf: {  	s3 =	sshll.u32 s3, $0xE;
	[dreg:$0x13] =	wrdreg s17;
	s5 =	sadd.s32 $0x3C00, s4  }
0x10: {  	s3 =	sadd.s32 s3, s8;
	s4 =	sadd.s32 $0x6E00, s4;
	[dreg:$0x2] =	wrdreg s5  }
0x11: {  	s25 =	sadd.s32 $0x14BC00, s3;
	[dreg:$0x3] =	wrdreg s4  }
0x12: {  	s26 =	sadd.s32 $0x14BC08, s3;
	[dreg:$0x4] =	wrdreg s25  }
0x13: {  	s0 =	sadd.s32 $0x14E400, s3;
	[dreg:$0x5] =	wrdreg s26  }
0x14: {  	s3 =	sadd.s32 $0x14E408, s3;
	[dreg:$0x6] =	wrdreg s0  }
0x15: {  	[dreg:$0x7] =	wrdreg s3;
	s4 =	simm.s32 $0x2800  }
0x16: {  	s5 =	simm.s32 $0x480;
	[dreg:$0x8] =	wrdreg s4  }
0x17: {  	[dreg:$0x9] =	wrdreg s5  }
0x18: {  	s3 =	simm.s32 $0x5;
	s16 =	rddreg [dreg:$0x2]  }
0x19: {  	[tilespmem:s2], [sflag:$0x5] =	stream.linear.gather [hbm4b:s16+s2], $0x400, $0x38;
	[tilespmem:$0x19800] =	vst v63  }
0x1a: {  	_ =	swait.ge [sflag:s3], $0x400  }
0x1b: {  	[sflag:s3] =	ssyncset.done $0x0  }
0x1c: {  	s4 =	simm.s32 $0x400;
	s18 =	rddreg [dreg:$0x3];
	[sflag:s3] =	ssyncadd.s32 $0xFFFFFC00  }
0x1d: {  	[tilespmem:s4], [sflag:$0x5] =	stream.linear.gather [hbm4b:s18+s2], $0x400, $0x38;
	[tilespmem:$0x19800] =	vst v63  }
0x1e: {  	_ =	swait.ge [sflag:s3], $0x400  }
0x1f: {  	s10 =	rddreg [dreg:$0x12]  }
0x20: {  	s6 =	simm.s32 $0x80;
	s11 =	rddreg [dreg:$0x10]  }
0x21: {  	s7 =	simm.s32 $0x800;
	s12 =	rddreg [dreg:$0x8];
	[sflag:s3] =	ssyncset.done $0x0  }
0x22: {  	s5 =	sadd.s32 $0x8600, s8;
	s13 =	rddreg [dreg:$0xa];
	[sflag:s3] =	ssyncadd.s32 $0xFFFFFC00  }
0x23: {  	[tilespmem:s7], [sflag:$0x1] =	stream.indirect.gather [hbm4b:s5+s6], $0x40, s2, s6, $0xb8;
	[tilespmem:$0x19800] =	vst v63  }
0x24: {  	s9 =	simm.s32 $0x14800;
	s8 =	sadd.s32 $0x7E00, s8;
	s14 =	rddreg [dreg:$0xc]  }
0x25: {  	[tilespmem:s9], [sflag:$0x1] =	stream.indirect.gather [hbm4b:s8+s6], $0x10, s4, s6, $0xb8;
	[tilespmem:$0x19800] =	vst v63  }
0x26: {  	s15 =	rddreg [dreg:$0xe]  }
0x27: {  	[tilespmem:s12], [sflag:$0x1] =	stream.indirect.gather [hbm4b:s5+s6], $0x40, s6, s6, $0xb8;
	[tilespmem:$0x19800] =	vst v63  }
0x28: {  	s16 =	rddreg [dreg:$0x9]  }
0x29: {  	[tilespmem:s13], [sflag:$0x1] =	stream.indirect.gather [hbm4b:s8+s6], $0x10, s16, s6, $0xb8;
	[tilespmem:$0x19800] =	vst v63  }
0x2a: {  	s19 =	rddreg [dreg:$0xb]  }
0x2b: {  	[tilespmem:s14], [sflag:$0x1] =	stream.indirect.gather [hbm4b:s5+s6], $0x40, s19, s6, $0xb8;
	[tilespmem:$0x19800] =	vst v63  }
0x2c: {  	s20 =	rddreg [dreg:$0xd]  }
0x2d: {  	[tilespmem:s15], [sflag:$0x1] =	stream.indirect.gather [hbm4b:s8+s6], $0x10, s20, s6, $0xb8;
	[tilespmem:$0x19800] =	vst v63  }
0x2e: {  	s21 =	rddreg [dreg:$0xf]  }
0x2f: {  	[tilespmem:s11], [sflag:$0x1] =	stream.indirect.gather [hbm4b:s5+s6], $0x40, s21, s6, $0xb8;
	[tilespmem:$0x19800] =	vst v63  }
0x30: {  	s22 =	rddreg [dreg:$0x11]  }
0x31: {  	[tilespmem:s10], [sflag:$0x1] =	stream.indirect.gather [hbm4b:s8+s6], $0x10, s22, s6, $0xb8;
	[tilespmem:$0x19800] =	vst v63  }
0x32: {  	s24 =	simm.s32 $0x8800;
	s23 =	rddreg [dreg:$0x13]  }
0x33: {  	[tilespmem:s24], [sflag:$0x1] =	stream.indirect.gather [hbm4b:s5+s6], $0x40, s23, s6, $0xb8;
	[tilespmem:$0x19800] =	vst v63  }
0x34: {  	s25 =	simm.s32 $0x600;
	s26 =	simm.s32 $0x16800  }
0x35: {  	[tilespmem:s26], [sflag:$0x1] =	stream.indirect.gather [hbm4b:s8+s6], $0x10, s25, s6, $0xb8;
	[tilespmem:$0x19800] =	vst v63  }
0x36: {  	s14 =	simm.s32 $0xA800;
	s11 =	simm.s32 $0x280  }
0x37: {  	[tilespmem:s14], [sflag:$0x2] =	stream.indirect.gather [hbm4b:s5+s6], $0x40, s11, s6, $0xb8;
	[tilespmem:$0x19800] =	vst v63  }
0x38: {  	s12 =	simm.s32 $0x680;
	s16 =	simm.s32 $0x17000  }
0x39: {  	[tilespmem:s16], [sflag:$0x2] =	stream.indirect.gather [hbm4b:s8+s6], $0x10, s12, s6, $0xb8;
	[tilespmem:$0x19800] =	vst v63  }
0x3a: {  	s13 =	simm.s32 $0x300;
	s15 =	simm.s32 $0xC800  }
0x3b: {  	[tilespmem:s15], [sflag:$0x2] =	stream.indirect.gather [hbm4b:s5+s6], $0x40, s13, s6, $0xb8;
	[tilespmem:$0x19800] =	vst v63  }
0x3c: {  	s19 =	simm.s32 $0x700;
	s20 =	simm.s32 $0x17800  }
0x3d: {  	[tilespmem:s20], [sflag:$0x2] =	stream.indirect.gather [hbm4b:s8+s6], $0x10, s19, s6, $0xb8;
	[tilespmem:$0x19800] =	vst v63  }
0x3e: {  	s21 =	simm.s32 $0x380;
	s22 =	simm.s32 $0xE800  }
0x3f: {  	[tilespmem:s22], [sflag:$0x2] =	stream.indirect.gather [hbm4b:s5+s6], $0x40, s21, s6, $0xb8;
	[tilespmem:$0x19800] =	vst v63  }
0x40: {  	s23 =	simm.s32 $0x780;
	s24 =	simm.s32 $0x18000;
	s25 =	simm.s32 $0x1  }
0x41: {  	[tilespmem:s24], [sflag:$0x2] =	stream.indirect.gather [hbm4b:s8+s6], $0x10, s23, s6, $0xb8;
	[tilespmem:$0x19800] =	vst v63  }
0x42: {  	_ =	swait.ge [sflag:s25], $0x2000  }
0x43: {  	[sflag:s25] =	ssyncset.done $0x0  }
0x44: {  	[sflag:s25] =	ssyncadd.s32 $0xFFFFE000  }
0x45: {  	_ =	swait.ge [sflag:s25], $0x800  }
0x46: {  	[sflag:s25] =	ssyncset.done $0x0  }
0x47: {  	[sflag:s25] =	ssyncadd.s32 $0xFFFFF800  }
0x48: {  	_ =	swait.ge [sflag:s25], $0x2000  }
0x49: {  	[sflag:s25] =	ssyncset.done $0x0  }
0x4a: {  	[sflag:s25] =	ssyncadd.s32 $0xFFFFE000  }
0x4b: {  	_ =	swait.ge [sflag:s25], $0x800  }
0x4c: {  	[sflag:s25] =	ssyncset.done $0x0  }
0x4d: {  	[sflag:s25] =	ssyncadd.s32 $0xFFFFF800  }
0x4e: {  	_ =	swait.ge [sflag:s25], $0x2000  }
0x4f: {  	[sflag:s25] =	ssyncset.done $0x0  }
0x50: {  	[sflag:s25] =	ssyncadd.s32 $0xFFFFE000  }
0x51: {  	_ =	swait.ge [sflag:s25], $0x800  }
0x52: {  	[sflag:s25] =	ssyncset.done $0x0  }
0x53: {  	[sflag:s25] =	ssyncadd.s32 $0xFFFFF800  }
0x54: {  	_ =	swait.ge [sflag:s25], $0x2000  }
0x55: {  	[sflag:s25] =	ssyncset.done $0x0  }
0x56: {  	[sflag:s25] =	ssyncadd.s32 $0xFFFFE000  }
0x57: {  	_ =	swait.ge [sflag:s25], $0x800  }
0x58: {  	[sflag:s25] =	ssyncset.done $0x0  }
0x59: {  	[sflag:s25] =	ssyncadd.s32 $0xFFFFF800  }
0x5a: {  	_ =	swait.ge [sflag:s25], $0x2000  }
0x5b: {  	[sflag:s25] =	ssyncset.done $0x0  }
0x5c: {  	[sflag:s25] =	ssyncadd.s32 $0xFFFFE000  }
0x5d: {  	_ =	swait.ge [sflag:s25], $0x800  }
0x5e: {  	[sflag:s25] =	ssyncset.done $0x0  }
0x5f: {  	s26 =	simm.s32 $0x40;
	s28 =	rddreg [dreg:$0x4];
	[sflag:s25] =	ssyncadd.s32 $0xFFFFF800  }
0x60: {  	[hbm4b:s28+s26] =	stream.strided.scatter [tilespmem:s7], [sflag:$0x3], $0xA000, s6, s26, $0x38;
	[tilespmem:$0x19800] =	vst v63  }
0x61: {  	s29 =	rddreg [dreg:$0x5];
	s28 =	simm.s32 $0x10  }
0x62: {  	[hbm4b:s29+s28] =	stream.strided.scatter [tilespmem:s9], [sflag:$0x3], $0x2800, s6, s28, $0x38;
	[tilespmem:$0x19800] =	vst v63  }
0x63: {  	s29 =	simm.s32 $0x3  }
0x64: {  	_ =	swait.ge [sflag:s29], $0xA000  }
0x65: {  	[sflag:s29] =	ssyncset.done $0x0  }
0x66: {  	[sflag:s29] =	ssyncadd.s32 $0xFFFF6000  }
0x67: {  	_ =	swait.ge [sflag:s29], $0x2800  }
0x68: {  	[sflag:s29] =	ssyncset.done $0x0  }
0x69: {  	s30 =	simm.s32 $0x2;
	[sflag:s29] =	ssyncadd.s32 $0xFFFFD800  }
0x6a: {  	_ =	swait.ge [sflag:s30], $0x2000  }
0x6b: {  	[sflag:s30] =	ssyncset.done $0x0  }
0x6c: {  	[sflag:s30] =	ssyncadd.s32 $0xFFFFE000  }
0x6d: {  	_ =	swait.ge [sflag:s30], $0x800  }
0x6e: {  	[sflag:s30] =	ssyncset.done $0x0  }
0x6f: {  	[sflag:s30] =	ssyncadd.s32 $0xFFFFF800  }
0x70: {  	_ =	swait.ge [sflag:s30], $0x2000  }
0x71: {  	[sflag:s30] =	ssyncset.done $0x0  }
0x72: {  	[sflag:s30] =	ssyncadd.s32 $0xFFFFE000  }
0x73: {  	_ =	swait.ge [sflag:s30], $0x800  }
0x74: {  	[sflag:s30] =	ssyncset.done $0x0  }
0x75: {  	[sflag:s30] =	ssyncadd.s32 $0xFFFFF800  }
0x76: {  	_ =	swait.ge [sflag:s30], $0x2000  }
0x77: {  	s1 =	ssub.s32 $0x2, s1;
	[sflag:s30] =	ssyncset.done $0x0  }
0x78: {  	s17 =	sshrl.u32 s1, $0x1;
	[sflag:s30] =	ssyncadd.s32 $0xFFFFE000  }
0x79: {  	s0 =	ssub.s32 s1, s17;
	_ =	swait.ge [sflag:s30], $0x800  }
0x7a: {  	s0 =	smax.u32 s0, $0x1;
	[sflag:s30] =	ssyncset.done $0x0  }
0x7b: {  	p0 =	sne.s32 s0, $0x1;
	s31 =	rddreg [dreg:$0x6];
	[sflag:s30] =	ssyncadd.s32 $0xFFFFF800  }
0x7c: {  	[hbm4b:s31+s26] =	stream.strided.scatter [tilespmem:s14], [sflag:$0x4], $0x6000, s6, s26, $0x38;
	[tilespmem:$0x19800] =	vst v63  }
.Ltmp0:
0x7d: {  	_ = 	snop;
	(pc) =	sbr.rel @!p0 .LBB2_2-.Ltmp0, $4  }
0x7e: {  	s31 =	rddreg [dreg:$0x7]  }
0x7f: {  	[hbm4b:s31+s28] =	stream.strided.scatter [tilespmem:s16], [sflag:$0x4], $0x1800, s6, s28, $0x38;
	[tilespmem:$0x19800] =	vst v63  }
0x80: {  	s31 =	simm.s32 $0x4  }
0x81: {  	s1 =	sadd.s32 $0xFFFFFFFF, s0;
	s18 =	simm.s32 $0xC800;
	_ =	swait.ge [sflag:s31], $0x6000  }
.LBB2_1:
0x82: {  	[sflag:s31] =	ssyncset.done $0x0  }
0x83: {  	[sflag:s31] =	ssyncadd.s32 $0xFFFFA000  }
0x84: {  	_ =	swait.ge [sflag:s31], $0x1800  }
0x85: {  	[sflag:s31] =	ssyncset.done $0x0  }
0x86: {  	s0 =	rddreg [dreg:$0x2];
	[sflag:s31] =	ssyncadd.s32 $0xFFFFE800  }
0x87: {  	[tilespmem:s2], [sflag:$0x5] =	stream.linear.gather [hbm4b:s0+s2], $0x400, $0x38;
	[tilespmem:$0x19800] =	vst v63  }
0x88: {  	_ =	swait.ge [sflag:s3], $0x400  }
0x89: {  	[sflag:s3] =	ssyncset.done $0x0  }
0x8a: {  	s15 =	rddreg [dreg:$0x3];
	[sflag:s3] =	ssyncadd.s32 $0xFFFFFC00  }
0x8b: {  	[tilespmem:s4], [sflag:$0x5] =	stream.linear.gather [hbm4b:s15+s2], $0x400, $0x38;
	[tilespmem:$0x19800] =	vst v63  }
0x8c: {  	_ =	swait.ge [sflag:s3], $0x400  }
0x8d: {  	s0 =	rddreg [dreg:$0x12]  }
0x8e: {  	s10 =	rddreg [dreg:$0x10]  }
0x8f: {  	s11 =	rddreg [dreg:$0x8];
	[sflag:s3] =	ssyncset.done $0x0  }
0x90: {  	s12 =	rddreg [dreg:$0xa];
	[sflag:s3] =	ssyncadd.s32 $0xFFFFFC00  }
0x91: {  	[tilespmem:s7], [sflag:$0x1] =	stream.indirect.gather [hbm4b:s5+s6], $0x40, s2, s6, $0xb8;
	[tilespmem:$0x19800] =	vst v63  }
0x92: {  	s13 =	rddreg [dreg:$0xc]  }
0x93: {  	[tilespmem:s9], [sflag:$0x1] =	stream.indirect.gather [hbm4b:s8+s6], $0x10, s4, s6, $0xb8;
	[tilespmem:$0x19800] =	vst v63  }
0x94: {  	s15 =	rddreg [dreg:$0xe]  }
0x95: {  	[tilespmem:s11], [sflag:$0x1] =	stream.indirect.gather [hbm4b:s5+s6], $0x40, s6, s6, $0xb8;
	[tilespmem:$0x19800] =	vst v63  }
0x96: {  	s17 =	rddreg [dreg:$0x9]  }
0x97: {  	[tilespmem:s12], [sflag:$0x1] =	stream.indirect.gather [hbm4b:s8+s6], $0x10, s17, s6, $0xb8;
	[tilespmem:$0x19800] =	vst v63  }
0x98: {  	s11 =	rddreg [dreg:$0xb]  }
0x99: {  	[tilespmem:s13], [sflag:$0x1] =	stream.indirect.gather [hbm4b:s5+s6], $0x40, s11, s6, $0xb8;
	[tilespmem:$0x19800] =	vst v63  }
0x9a: {  	s17 =	rddreg [dreg:$0xd]  }
0x9b: {  	[tilespmem:s15], [sflag:$0x1] =	stream.indirect.gather [hbm4b:s8+s6], $0x10, s17, s6, $0xb8;
	[tilespmem:$0x19800] =	vst v63  }
0x9c: {  	s13 =	rddreg [dreg:$0xf]  }
0x9d: {  	[tilespmem:s10], [sflag:$0x1] =	stream.indirect.gather [hbm4b:s5+s6], $0x40, s13, s6, $0xb8;
	[tilespmem:$0x19800] =	vst v63  }
0x9e: {  	s17 =	rddreg [dreg:$0x11]  }
0x9f: {  	[tilespmem:s0], [sflag:$0x1] =	stream.indirect.gather [hbm4b:s8+s6], $0x10, s17, s6, $0xb8;
	[tilespmem:$0x19800] =	vst v63  }
0xa0: {  	s12 =	simm.s32 $0x8800;
	s11 =	rddreg [dreg:$0x13]  }
0xa1: {  	[tilespmem:s12], [sflag:$0x1] =	stream.indirect.gather [hbm4b:s5+s6], $0x40, s11, s6, $0xb8;
	[tilespmem:$0x19800] =	vst v63  }
0xa2: {  	s15 =	simm.s32 $0x16800;
	s13 =	simm.s32 $0x600  }
0xa3: {  	[tilespmem:s15], [sflag:$0x1] =	stream.indirect.gather [hbm4b:s8+s6], $0x10, s13, s6, $0xb8;
	[tilespmem:$0x19800] =	vst v63  }
0xa4: {  	s17 =	simm.s32 $0x280  }
0xa5: {  	[tilespmem:s14], [sflag:$0x2] =	stream.indirect.gather [hbm4b:s5+s6], $0x40, s17, s6, $0xb8;
	[tilespmem:$0x19800] =	vst v63  }
0xa6: {  	s10 =	simm.s32 $0x680  }
0xa7: {  	[tilespmem:s16], [sflag:$0x2] =	stream.indirect.gather [hbm4b:s8+s6], $0x10, s10, s6, $0xb8;
	[tilespmem:$0x19800] =	vst v63  }
0xa8: {  	s11 =	simm.s32 $0x300  }
0xa9: {  	[tilespmem:s18], [sflag:$0x2] =	stream.indirect.gather [hbm4b:s5+s6], $0x40, s11, s6, $0xb8;
	[tilespmem:$0x19800] =	vst v63  }
0xaa: {  	_ = 	snop  }
0xab: {  	[tilespmem:s20], [sflag:$0x2] =	stream.indirect.gather [hbm4b:s8+s6], $0x10, s19, s6, $0xb8;
	[tilespmem:$0x19800] =	vst v63  }
0xac: {  	_ = 	snop  }
0xad: {  	[tilespmem:s22], [sflag:$0x2] =	stream.indirect.gather [hbm4b:s5+s6], $0x40, s21, s6, $0xb8;
	[tilespmem:$0x19800] =	vst v63  }
0xae: {  	_ = 	snop  }
0xaf: {  	[tilespmem:s24], [sflag:$0x2] =	stream.indirect.gather [hbm4b:s8+s6], $0x10, s23, s6, $0xb8;
	[tilespmem:$0x19800] =	vst v63  }
0xb0: {  	_ =	swait.ge [sflag:s25], $0x2000  }
0xb1: {  	[sflag:s25] =	ssyncset.done $0x0  }
0xb2: {  	[sflag:s25] =	ssyncadd.s32 $0xFFFFE000  }
0xb3: {  	_ =	swait.ge [sflag:s25], $0x800  }
0xb4: {  	[sflag:s25] =	ssyncset.done $0x0  }
0xb5: {  	[sflag:s25] =	ssyncadd.s32 $0xFFFFF800  }
0xb6: {  	_ =	swait.ge [sflag:s25], $0x2000  }
0xb7: {  	[sflag:s25] =	ssyncset.done $0x0  }
0xb8: {  	[sflag:s25] =	ssyncadd.s32 $0xFFFFE000  }
0xb9: {  	_ =	swait.ge [sflag:s25], $0x800  }
0xba: {  	[sflag:s25] =	ssyncset.done $0x0  }
0xbb: {  	[sflag:s25] =	ssyncadd.s32 $0xFFFFF800  }
0xbc: {  	_ =	swait.ge [sflag:s25], $0x2000  }
0xbd: {  	[sflag:s25] =	ssyncset.done $0x0  }
0xbe: {  	[sflag:s25] =	ssyncadd.s32 $0xFFFFE000  }
0xbf: {  	_ =	swait.ge [sflag:s25], $0x800  }
0xc0: {  	[sflag:s25] =	ssyncset.done $0x0  }
0xc1: {  	[sflag:s25] =	ssyncadd.s32 $0xFFFFF800  }
0xc2: {  	_ =	swait.ge [sflag:s25], $0x2000  }
0xc3: {  	[sflag:s25] =	ssyncset.done $0x0  }
0xc4: {  	[sflag:s25] =	ssyncadd.s32 $0xFFFFE000  }
0xc5: {  	_ =	swait.ge [sflag:s25], $0x800  }
0xc6: {  	[sflag:s25] =	ssyncset.done $0x0  }
0xc7: {  	[sflag:s25] =	ssyncadd.s32 $0xFFFFF800  }
0xc8: {  	_ =	swait.ge [sflag:s25], $0x2000  }
0xc9: {  	[sflag:s25] =	ssyncset.done $0x0  }
0xca: {  	[sflag:s25] =	ssyncadd.s32 $0xFFFFE000  }
0xcb: {  	_ =	swait.ge [sflag:s25], $0x800  }
0xcc: {  	[sflag:s25] =	ssyncset.done $0x0  }
0xcd: {  	s12 =	rddreg [dreg:$0x4];
	[sflag:s25] =	ssyncadd.s32 $0xFFFFF800  }
0xce: {  	[hbm4b:s12+s26] =	stream.strided.scatter [tilespmem:s7], [sflag:$0x3], $0xA000, s6, s26, $0x38;
	[tilespmem:$0x19800] =	vst v63  }
0xcf: {  	s13 =	rddreg [dreg:$0x5]  }
0xd0: {  	[hbm4b:s13+s28] =	stream.strided.scatter [tilespmem:s9], [sflag:$0x3], $0x2800, s6, s28, $0x38;
	[tilespmem:$0x19800] =	vst v63  }
0xd1: {  	_ =	swait.ge [sflag:s29], $0xA000  }
0xd2: {  	[sflag:s29] =	ssyncset.done $0x0  }
0xd3: {  	[sflag:s29] =	ssyncadd.s32 $0xFFFF6000  }
0xd4: {  	_ =	swait.ge [sflag:s29], $0x2800  }
0xd5: {  	[sflag:s29] =	ssyncset.done $0x0  }
0xd6: {  	[sflag:s29] =	ssyncadd.s32 $0xFFFFD800  }
0xd7: {  	_ =	swait.ge [sflag:s30], $0x2000  }
0xd8: {  	[sflag:s30] =	ssyncset.done $0x0  }
0xd9: {  	[sflag:s30] =	ssyncadd.s32 $0xFFFFE000  }
0xda: {  	_ =	swait.ge [sflag:s30], $0x800  }
0xdb: {  	[sflag:s30] =	ssyncset.done $0x0  }
0xdc: {  	[sflag:s30] =	ssyncadd.s32 $0xFFFFF800  }
0xdd: {  	_ =	swait.ge [sflag:s30], $0x2000  }
0xde: {  	[sflag:s30] =	ssyncset.done $0x0  }
0xdf: {  	[sflag:s30] =	ssyncadd.s32 $0xFFFFE000  }
0xe0: {  	_ =	swait.ge [sflag:s30], $0x800  }
0xe1: {  	[sflag:s30] =	ssyncset.done $0x0  }
0xe2: {  	[sflag:s30] =	ssyncadd.s32 $0xFFFFF800  }
0xe3: {  	_ =	swait.ge [sflag:s30], $0x2000  }
0xe4: {  	[sflag:s30] =	ssyncset.done $0x0  }
0xe5: {  	[sflag:s30] =	ssyncadd.s32 $0xFFFFE000  }
0xe6: {  	_ =	swait.ge [sflag:s30], $0x800  }
0xe7: {  	p0 =	sne.s32 s1, $0x1;
	[sflag:s30] =	ssyncset.done $0x0  }
.Ltmp1:
0xe8: {  	s15 =	rddreg [dreg:$0x6];
	[sflag:s30] =	ssyncadd.s32 $0xFFFFF800;
	(pc) =	sbr.rel @p0 .LBB2_1-.Ltmp1, $4  }
0xe9: {  	[hbm4b:s15+s26] =	stream.strided.scatter [tilespmem:s14], [sflag:$0x4], $0x6000, s6, s26, $0x38;
	[tilespmem:$0x19800] =	vst v63  }
0xea: {  	s17 =	rddreg [dreg:$0x7]  }
0xeb: {  	[hbm4b:s17+s28] =	stream.strided.scatter [tilespmem:s16], [sflag:$0x4], $0x1800, s6, s28, $0x38;
	[tilespmem:$0x19800] =	vst v63  }
0xec: {  	s1 =	sadd.s32 $0xFFFFFFFF, s1;
	_ =	swait.ge [sflag:s31], $0x6000  }
.LBB2_2:
0xed: {  	[sflag:s31] =	ssyncset.done $0x0  }
0xee: {  	[sflag:s31] =	ssyncadd.s32 $0xFFFFA000  }
0xef: {  	_ =	swait.ge [sflag:s31], $0x1800  }
0xf0: {  	[sflag:s31] =	ssyncset.done $0x0  }
0xf1: {  	[sflag:s31] =	ssyncadd.s32 $0xFFFFE800  }
0xf2: {  	_ =	sfence.sel $0x180000  }
0xf3: {  	[bflag:$0x0] =	sbarrier.arrive $0xFFFF  }
0xf4: {  	_ =	strace $0x9000004D  }
0xf5: {  	s0 =	stileid.u32;
	[bflag:$0x2] =	sbarrier.arrive $0xFFFF  }
0xf6: {  	p0 =	sne.s32 s0, $0x0;
	s0 =	rddreg [dreg:$0x1]  }
0xf7: {  	s0 =	sadd.s32 @!p0 $0x100000, s0  }
0xf8: {  	[sflag:s0] =	ssyncadd.tile.s32 @!p0 $0x1;
	_ =	shalt  }
.Lfunc_end2:
_tile_overlayer_lowered:
.L_overlay_start_2:
0xf9: {  	(tag) =	ssettag $0x2  }
0xfa: {  	s0 =	rddreg [dreg:$0x0];
	s2 =	stileid.u32  }
0xfb: {  	s1 =	rddreg [dreg:$0x1];
	p0 =	sne.s32 s2, $0x0  }
0xfc: {  	s3 =	rddreg [dreg:$0x2];
	[bflag:$0x3] =	sbarrier.arrive $0xFFFF;
	s2 =	simm.s32 @!p0 $0x1C05  }
0xfd: {  	[timem:s3], [sflag:s2] =	dma.local @!p0 [hbm:s0], s1  }
0xfe: {  	s0 =	simm.s32 @!p0 $0x5  }
0xff: {  	_ =	swait.ge @!p0 [sflag:s0], s1  }
0x100: {  	s1 =	ssub.s32 @!p0 $0x0, s1;
	[sflag:s0] =	ssyncset.done @!p0 $0x0  }
0x101: {  	[sflag:s0] =	ssyncadd.s32 @!p0 s1  }
0x102: {  	[bflag:$0x3] =	sbarrier.arrive $0xFFFF  }
0x103: {  	_ =	shalt  }

// kernel: kernel.9.cloned.1.call-start
scs
__scs_entry_jumppad:
0x0: {  	(pc) =	sbr.rel $0x88, $3  }
0x1: {  	(tag) =	ssettag $0x0;
	lr =	simm.s32 $0x1  }
0x2: {  	[smem:$0x3F96] =	sst lr;
	_ =	strace $0xD0000000  }
0x3: {  	_ = 	snop  }
0x4: {  	_ = 	snop  }
0x5: {  	_ = 	snop  }
0x6: {  	_ = 	snop  }
0x7: {  	_ = 	snop  }
__scs_overlays_trampoline_lowered:
0x8: {  	[smem:$0x3FA5] =	sst s0  }
0x9: {  	[smem:$0x3FA6] =	sst s1  }
0xa: {  	[smem:$0x3FA7] =	sst s2  }
0xb: {  	[smem:$0x3FA8] =	sst s3  }
0xc: {  	[smem:$0x3FA9] =	sst s4  }
0xd: {  	[smem:$0x3FAA] =	sst s5  }
0xe: {  	[smem:$0x3FAB] =	sst s6  }
0xf: {  	[smem:$0x3FAC] =	sst s7  }
0x10: {  	[smem:$0x3FAD] =	sst s8  }
0x11: {  	[smem:$0x3FAE] =	sst s9;
	s0 =	simm.s32 @!p0 $0x0  }
0x12: {  	s1 =	sld [smem:$0x3F94];
	s0 =	simm.s32 @p0 $0x1  }
0x13: {  	[smem:$0x3FAF] =	sst s0;
	s0 =	simm.s32 @!p1 $0x0  }
0x14: {  	s2 =	sld [smem:$0x3F93];
	s0 =	simm.s32 @p1 $0x1  }
0x15: {  	[smem:$0x3FB0] =	sst s0;
	s0 =	simm.s32 @!p2 $0x0  }
0x16: {  	s3 =	sld [smem:$0x3FDB];
	s0 =	simm.s32 @p2 $0x1  }
0x17: {  	s4 =	simm.s32 $0x1BF5;
	[smem:$0x3FB2] =	sst s0  }
0x18: {  	s0 =	sld [smem:$0x3F95];
	_ =	swait.ge [sflag:s4], $0x0  }
0x19: {  	s7 =	sld [smem:$0x3F96]  }
0x1a: {  	s8 =	sadd.s32 $0xFFFFE003, lr  }
0x1b: {  	s9 =	sadd.s32 $0xFFFFFEF7, lr;
	s5 =	simm.s32 $0xFFFFFFFF;
	p2 =	slt.u32 s8, $0xFFFFF086  }
0x1c: {  	p1 =	slt.u32 s9, $0xF7A;
	s5 =	simm.s32 @!p2 $0x0  }
0x1d: {  	s5 =	simm.s32 @p1 $0x1;
	p0 =	seq.s32 s7, s2  }
0x1e: {  	s7 =	smul.u32 @!p0 $0xF7A, s2;
	p2 =	seq.s32 @!p0 s5, $0x0  }
0x1f: {  	s9 =	smul.u32 $0xF7A, s1;
	s8 =	simm.s32 @!p0 $0x1BF5;
	p2 =	por !p2, p0  }
0x20: {  	[sflag:s8] =	ssyncset.s32 @!p0 $0xFFFFF086;
	s6 =	sadd.s32 @!p0 s3, s7;
	s7 =	simm.s32 @!p0 $0x108  }
0x21: {  	s3 =	sadd.s32 s3, s9;
	s6 =	sadd.s32 @!p0 $0x88, s6;
	s7 =	simm.s32 @p2 $0x1082  }
0x22: {  	[simem:s7], [sflag:s8] =	dma.local @!p0 [hbm:s6], $0xF7A  }
0x23: {  	s9 =	sor.u32 $0xD0000000, s2;
	s6 =	simm.s32 $0x108;
	_ =	swait.ge @!p0 [sflag:s8], $0x0  }
0x24: {  	s3 =	sadd.s32 $0x88, s3;
	s6 =	simm.s32 @!p1 $0x1082;
	[sflag:s4] =	ssyncset.s32 $0xFFFFF086  }
0x25: {  	[simem:s6], [sflag:s4] =	dma.local [hbm:s3], $0xF7A  }
0x26: {  	[smem:$0x3F96] =	sst s1;
	(tag) =	ssettag s2;
	_ =	strace s9  }
0x27: {  	s1 =	sld [smem:$0x3FA6]  }
0x28: {  	s2 =	sld [smem:$0x3FA7]  }
0x29: {  	s4 =	sld [smem:$0x3FA9]  }
0x2a: {  	p0 =	seq.s32 s5, $0x0;
	s5 =	sld [smem:$0x3FAA]  }
0x2b: {  	s6 =	sld [smem:$0x3FAB]  }
0x2c: {  	s7 =	sld [smem:$0x3FAC]  }
0x2d: {  	s3 =	simm.s32 $0x108;
	s8 =	sld [smem:$0x3FAD]  }
0x2e: {  	s3 =	simm.s32 @!p0 $0x1082;
	s9 =	sld [smem:$0x3FAE]  }
0x2f: {  	lr =	sadd.s32 s0, s3;
	s0 =	sld [smem:$0x3FA5]  }
0x30: {  	s3 =	sld [smem:$0x3FA8]  }
0x31: {  	[smem:$0x3FB1] =	sst s10  }
0x32: {  	s10 =	sld [smem:$0x3FAF];
	_ =	sdelay $0x3  }
0x33: {  	p0 =	seq.s32 s10, $0x1;
	s10 =	sld [smem:$0x3FB1];
	_ =	sdelay $0x3  }
0x34: {  	[smem:$0x3FB1] =	sst s10  }
0x35: {  	s10 =	sld [smem:$0x3FB0];
	_ =	sdelay $0x3  }
0x36: {  	p1 =	seq.s32 s10, $0x1;
	s10 =	sld [smem:$0x3FB1];
	_ =	sdelay $0x3  }
0x37: {  	[smem:$0x3FB1] =	sst s10  }
0x38: {  	s10 =	sld [smem:$0x3FB2]  }
0x39: {  	_ = 	snop;
	(pc) =	sbr.ind lr, $3  }
0x3a: {  	_ = 	snop  }
0x3b: {  	_ = 	snop  }
0x3c: {  	p2 =	seq.s32 s10, $0x1;
	s10 =	sld [smem:$0x3FB1]  }
0x3d: {  	_ =	shalt  }
0x3e: {  	_ =	shalt  }
0x3f: {  	_ =	shalt  }
0x40: {  	_ =	shalt  }
0x41: {  	_ =	shalt  }
0x42: {  	_ =	shalt  }
0x43: {  	_ =	shalt  }
0x44: {  	_ =	shalt  }
0x45: {  	_ =	shalt  }
0x46: {  	_ =	shalt  }
0x47: {  	_ =	shalt  }
0x48: {  	_ =	shalt  }
0x49: {  	_ =	shalt  }
0x4a: {  	_ =	shalt  }
0x4b: {  	_ =	shalt  }
0x4c: {  	_ =	shalt  }
0x4d: {  	_ =	shalt  }
0x4e: {  	_ =	shalt  }
0x4f: {  	_ =	shalt  }
0x50: {  	_ =	shalt  }
0x51: {  	_ =	shalt  }
0x52: {  	_ =	shalt  }
0x53: {  	_ =	shalt  }
0x54: {  	_ =	shalt  }
0x55: {  	_ =	shalt  }
0x56: {  	_ =	shalt  }
0x57: {  	_ =	shalt  }
0x58: {  	_ =	shalt  }
0x59: {  	_ =	shalt  }
0x5a: {  	_ =	shalt  }
0x5b: {  	_ =	shalt  }
0x5c: {  	_ =	shalt  }
0x5d: {  	_ =	shalt  }
0x5e: {  	_ =	shalt  }
0x5f: {  	_ =	shalt  }
0x60: {  	_ =	shalt  }
0x61: {  	_ =	shalt  }
0x62: {  	_ =	shalt  }
0x63: {  	_ =	shalt  }
0x64: {  	_ =	shalt  }
0x65: {  	_ =	shalt  }
0x66: {  	_ =	shalt  }
0x67: {  	_ =	shalt  }
0x68: {  	_ =	shalt  }
0x69: {  	_ =	shalt  }
0x6a: {  	_ =	shalt  }
0x6b: {  	_ =	shalt  }
0x6c: {  	_ =	shalt  }
0x6d: {  	_ =	shalt  }
0x6e: {  	_ =	shalt  }
0x6f: {  	_ =	shalt  }
0x70: {  	_ =	shalt  }
0x71: {  	_ =	shalt  }
0x72: {  	_ =	shalt  }
0x73: {  	_ =	shalt  }
0x74: {  	_ =	shalt  }
0x75: {  	_ =	shalt  }
0x76: {  	_ =	shalt  }
0x77: {  	_ =	shalt  }
0x78: {  	_ =	shalt  }
0x79: {  	_ =	shalt  }
0x7a: {  	_ =	shalt  }
0x7b: {  	_ =	shalt  }
0x7c: {  	_ =	shalt  }
0x7d: {  	_ =	shalt  }
0x7e: {  	_ =	shalt  }
0x7f: {  	_ =	shalt  }
0x80: {  	_ =	shalt  }
0x81: {  	_ =	shalt  }
0x82: {  	_ =	shalt  }
0x83: {  	_ =	shalt  }
0x84: {  	_ =	shalt  }
0x85: {  	_ =	shalt  }
0x86: {  	_ =	shalt  }
0x87: {  	_ =	shalt  }
.Lfunc_end0:
.L_simem_size_0:
called_computation_lowered:
.L_overlay_start_0:
0x88: {  	s2 =	sld [smem:$0x3FD9]  }
0x89: {  	s3 =	sld [smem:$0x3FFE];
	_ =	sdelay $0x1  }
0x8a: {  	s1 =	srdreg.scid  }
0x8b: {  	s0 =	sand.u32 $0x1, s1  }
0x8c: {  	s17 =	sshll.u32 s0, $0xA;
	s2 =	sadd.s32 s3, s2  }
0x8d: {  	s2 =	sadd.s32 s2, s17  }
0x8e: {  	[smem:$0x3FBD] =	sst s2  }
0x8f: {  	_ = 	snop  }
0x90: {  	s2 =	sld [smem:$0x3FD0];
	(tm) =	ssettm $0x1  }
0x91: {  	s18 =	sld [smem:$0x3FFB];
	_ =	sdelay $0x3  }
0x92: {  	_ =	strace s18  }
0x93: {  	s3 =	sld [smem:$0x3FFC];
	_ =	sdelay $0x3  }
0x94: {  	_ =	strace s3  }
0x95: {  	s3 =	sld [smem:$0x3FFD];
	_ =	sdelay $0x3  }
0x96: {  	_ =	strace s3  }
0x97: {  	_ =	strace $0x8FFFFFFF  }
0x98: {  	s19 =	sld [smem:$0x3FDB];
	_ =	sdelay $0x1  }
0x99: {  	s4 =	simm.s32 $_scs_section_size  }
0x9a: {  	s5 =	simm.s32 $_size__tile_overlayer_lowered;
	s6 =	simm.s32 $_tile_overlayer_lowered  }
0x9b: {  	s22 =	simm.s32 $0x1BFF;
	s21 =	sshll.u32 s6, $0x1;
	s3 =	sadd.s32 s4, s19  }
0x9c: {  	s7 =	simm.s32 $0x0;
	s20 =	sshll.u32 s5, $0x1;
	s5 =	sadd.s32 s21, s3  }
0x9d: {  	[timem:s7], [sflag:s22] =	dma.local [hbm:s5], s20  }
0x9e: {  	_ =	swait.ge [sflag:s22], s20  }
0x9f: {  	s4 =	ssub.s32 $0x0, s20;
	[sflag:s22] =	ssyncset.done $0x0  }
0xa0: {  	[sflag:s22] =	ssyncadd.s32 s4;
	_ =	sdelay $0x1  }
0xa1: {  	s23 =	simm.s32 $0x1B8B  }
0xa2: {  	_ =	swait.ge [sflag:s23], $0x1  }
0xa3: {  	[sflag:s23] =	ssyncset.done $0x0  }
0xa4: {  	s25 =	simm.s32 $0x1B8E;
	s24 =	sld [smem:$0x3FFE];
	[sflag:s23] =	ssyncadd.s32 $0xFFFFFFFF  }
0xa5: {  	s26 =	simm.s32 $execute0_lowered;
	[smem:$0x3FD2] =	sst s25  }
0xa6: {  	s5 =	sshll.u32 s26, $0x1;
	_ =	strace $0x80000046;
	[dreg:$0x1] =	wrdreg $0xFFFFFFFF  }
0xa7: {  	s28 =	simm.s32 $_size_execute0_lowered;
	s3 =	sadd.s32 s3, s5;
	[dreg:$0x0] =	wrdreg $0x0  }
0xa8: {  	s5 =	sshll.u32 s28, $0x1;
	[dreg:$0x2] =	wrdreg s3  }
0xa9: {  	[dreg:$0x3] =	wrdreg s5  }
0xaa: {  	[dreg:$0x4] =	wrdreg $0xC0  }
0xab: {  	_ =	task [dreg:s7], $0x5FFFF  }
0xac: {  	[dreg:$0x1] =	wrdreg $0xFFFFFFFF  }
0xad: {  	[dreg:$0x0] =	wrdreg $0x60  }
0xae: {  	[dreg:$0x2] =	wrdreg s24  }
0xaf: {  	[dreg:$0x3] =	wrdreg s2  }
0xb0: {  	[dreg:$0x4] =	wrdreg $0x9  }
0xb1: {  	_ =	task.clear_ibuf [dreg:s7], $0x5FFFF;
	_ =	strace $0x90000046  }
0xb2: {  	s29 =	simm.s32 $0x9;
	_ =	strace $0x80000048  }
0xb3: {  	_ =	swait.ge [sflag:s29], $0x1  }
0xb4: {  	[sflag:s29] =	ssyncadd.s32 $0xFFFFFFFF  }
0xb5: {  	_ =	strace $0x90000048  }
0xb6: {  	_ =	sfence  }
0xb7: {  	s30 =	sld [smem:$0x0];
	_ =	sdelay $0x2  }
0xb8: {  	s31 =	sshll.u32 s1, $0xD;
	s1 =	sshrl.u32 s1, $0x2  }
0xb9: {  	s3 =	sand.u32 $0x4000, s31;
	s1 =	sadd.s32 s1, s30  }
0xba: {  	s0 =	sor.u32 s3, s0;
	s1 =	sshll.u32 s1, $0x11  }
0xbb: {  	s0 =	sor.u32 s1, s0  }
0xbc: {  	s0 =	sadd.s32 $0x8F2B, s0  }
0xbd: {  	[sflag:s0] =	ssyncadd.remote.s32 $0x1  }
0xbe: {  	_ =	sfence.sel $0xFFFF  }
0xbf: {  	[dreg:$0x0] =	wrdreg $0xFFFFFFFF;
	(pc) =	sbr.abs _section_cstart, $3  }
0xc0: {  	[dreg:$0x1] =	wrdreg $0xFFFFFFFF  }
0xc1: {  	_ =	task.clear_ibuf [dreg:s7], $0x2FFFF;
	_ =	strace $0x9FFFFFFF  }
0xc2: {  	(tm) =	ssettm $0x7FFFFFFF  }
0xc3: {  	_ =	shalt  }
tec
execute0_lowered:
.L_overlay_start_1:
0x0: {  	(tag) =	ssettag $0x1  }
0x1: {  	s0 =	srdreg.scid  }
0x2: {  	s1 =	sand.u32 $0x1, s0  }
0x3: {  	s2 =	stileid.u32;
	s9 =	rddreg [dreg:$0x0];
	s0 =	sshll.u32 s1, $0x4  }
0x4: {  	s3 =	rddreg [dreg:$0x1];
	s0 =	sor.u32 s2, s0;
	s2 =	simm.s32 $0x0  }
0x5: {  	s6 =	simm.s32 $0x500;
	[smem:$0x7FF] =	sst s2  }
0x6: {  	s7 =	simm.s32 $0x15100;
	_ =	strace $0x80000047;
	[dreg:$0x9] =	wrdreg s6  }
0x7: {  	s8 =	simm.s32 $0x100;
	[dreg:$0xa] =	wrdreg s7  }
0x8: {  	s10 =	simm.s32 $0x4900;
	[dreg:$0xb] =	wrdreg s8  }
0x9: {  	s11 =	simm.s32 $0x580;
	[dreg:$0xc] =	wrdreg s10  }
0xa: {  	s12 =	simm.s32 $0x15900;
	[dreg:$0xd] =	wrdreg s11  }
0xb: {  	s13 =	simm.s32 $0x180;
	[dreg:$0xe] =	wrdreg s12  }
0xc: {  	s14 =	simm.s32 $0x6900;
	[dreg:$0xf] =	wrdreg s13  }
0xd: {  	s15 =	simm.s32 $0x600;
	[dreg:$0x10] =	wrdreg s14  }
0xe: {  	s16 =	simm.s32 $0x16100;
	[dreg:$0x11] =	wrdreg s15  }
0xf: {  	s17 =	simm.s32 $0x200;
	[dreg:$0x12] =	wrdreg s16  }
0x10: {  	s18 =	simm.s32 $0x8900;
	[dreg:$0x13] =	wrdreg s17  }
0x11: {  	s19 =	simm.s32 $0x680;
	[dreg:$0x14] =	wrdreg s18  }
0x12: {  	s20 =	simm.s32 $0x16900;
	s4 =	smul.u32 $0x90, s0;
	[dreg:$0x15] =	wrdreg s19  }
0x13: {  	s21 =	simm.s32 $0x280;
	s0 =	smul.u32 $0x24000, s0;
	[dreg:$0x16] =	wrdreg s20  }
0x14: {  	s22 =	simm.s32 $0x700;
	[dreg:$0x17] =	wrdreg s21;
	s4 =	sadd.s32 s4, s9  }
0x15: {  	[dreg:$0x18] =	wrdreg s22;
	s0 =	sshrl.u32 s0, $0x3;
	s5 =	sadd.s32 $0x1A00, s4  }
0x16: {  	s4 =	sadd.s32 $0x4C00, s4;
	s3 =	sadd.s32 s3, s0;
	[dreg:$0x3] =	wrdreg s5  }
0x17: {  	[dreg:$0x4] =	wrdreg s4;
	s0 =	sadd.s32 $0x8, s3  }
0x18: {  	s26 =	sadd.s32 $0x2800, s3;
	[dreg:$0x5] =	wrdreg s0  }
0x19: {  	s4 =	sadd.s32 $0x2808, s3;
	[dreg:$0x6] =	wrdreg s26  }
0x1a: {  	s5 =	simm.s32 $0x2900;
	[dreg:$0x7] =	wrdreg s4  }
0x1b: {  	[dreg:$0x8] =	wrdreg s5  }
0x1c: {  	s5 =	rddreg [dreg:$0x3];
	s4 =	simm.s32 $0x5  }
0x1d: {  	[tilespmem:s2], [sflag:$0x5] =	stream.linear.gather [hbm4b:s5+s2], $0x480, $0x38;
	[tilespmem:$0x19900] =	vst v63  }
0x1e: {  	_ =	swait.ge [sflag:s4], $0x480  }
0x1f: {  	[sflag:s4] =	ssyncset.done $0x0  }
0x20: {  	s5 =	simm.s32 $0x480;
	s23 =	rddreg [dreg:$0x4];
	[sflag:s4] =	ssyncadd.s32 $0xFFFFFB80  }
0x21: {  	[tilespmem:s5], [sflag:$0x5] =	stream.linear.gather [hbm4b:s23+s2], $0x480, $0x38;
	[tilespmem:$0x19900] =	vst v63  }
0x22: {  	_ =	swait.ge [sflag:s4], $0x480  }
0x23: {  	s24 =	rddreg [dreg:$0x16]  }
0x24: {  	s11 =	rddreg [dreg:$0x14]  }
0x25: {  	s12 =	rddreg [dreg:$0x12]  }
0x26: {  	s6 =	sadd.s32 $0x8600, s9;
	s13 =	rddreg [dreg:$0x10]  }
0x27: {  	s7 =	simm.s32 $0x80;
	s14 =	rddreg [dreg:$0x8];
	[sflag:s4] =	ssyncset.done $0x0  }
0x28: {  	s8 =	simm.s32 $0x900;
	s15 =	rddreg [dreg:$0xa];
	[sflag:s4] =	ssyncadd.s32 $0xFFFFFB80  }
0x29: {  	[tilespmem:s8], [sflag:$0x1] =	stream.indirect.gather [hbm4b:s6+s7], $0x40, s2, s7, $0xb8;
	[tilespmem:$0x19900] =	vst v63  }
0x2a: {  	s10 =	simm.s32 $0x14900;
	s9 =	sadd.s32 $0x7E00, s9;
	s16 =	rddreg [dreg:$0xc]  }
0x2b: {  	[tilespmem:s10], [sflag:$0x1] =	stream.indirect.gather [hbm4b:s9+s7], $0x10, s5, s7, $0xb8;
	[tilespmem:$0x19900] =	vst v63  }
0x2c: {  	s17 =	rddreg [dreg:$0xe]  }
0x2d: {  	[tilespmem:s14], [sflag:$0x1] =	stream.indirect.gather [hbm4b:s6+s7], $0x40, s7, s7, $0xb8;
	[tilespmem:$0x19900] =	vst v63  }
0x2e: {  	s18 =	rddreg [dreg:$0x9]  }
0x2f: {  	[tilespmem:s15], [sflag:$0x1] =	stream.indirect.gather [hbm4b:s9+s7], $0x10, s18, s7, $0xb8;
	[tilespmem:$0x19900] =	vst v63  }
0x30: {  	s25 =	rddreg [dreg:$0xb]  }
0x31: {  	[tilespmem:s16], [sflag:$0x1] =	stream.indirect.gather [hbm4b:s6+s7], $0x40, s25, s7, $0xb8;
	[tilespmem:$0x19900] =	vst v63  }
0x32: {  	s26 =	rddreg [dreg:$0xd]  }
0x33: {  	[tilespmem:s17], [sflag:$0x1] =	stream.indirect.gather [hbm4b:s9+s7], $0x10, s26, s7, $0xb8;
	[tilespmem:$0x19900] =	vst v63  }
0x34: {  	s16 =	rddreg [dreg:$0xf]  }
0x35: {  	[tilespmem:s13], [sflag:$0x1] =	stream.indirect.gather [hbm4b:s6+s7], $0x40, s16, s7, $0xb8;
	[tilespmem:$0x19900] =	vst v63  }
0x36: {  	s18 =	rddreg [dreg:$0x11]  }
0x37: {  	[tilespmem:s12], [sflag:$0x1] =	stream.indirect.gather [hbm4b:s9+s7], $0x10, s18, s7, $0xb8;
	[tilespmem:$0x19900] =	vst v63  }
0x38: {  	s19 =	rddreg [dreg:$0x13]  }
0x39: {  	[tilespmem:s11], [sflag:$0x1] =	stream.indirect.gather [hbm4b:s6+s7], $0x40, s19, s7, $0xb8;
	[tilespmem:$0x19900] =	vst v63  }
0x3a: {  	s20 =	rddreg [dreg:$0x15]  }
0x3b: {  	[tilespmem:s24], [sflag:$0x1] =	stream.indirect.gather [hbm4b:s9+s7], $0x10, s20, s7, $0xb8;
	[tilespmem:$0x19900] =	vst v63  }
0x3c: {  	s21 =	rddreg [dreg:$0x17];
	s11 =	simm.s32 $0xA900  }
0x3d: {  	[tilespmem:s11], [sflag:$0x2] =	stream.indirect.gather [hbm4b:s6+s7], $0x40, s21, s7, $0xb8;
	[tilespmem:$0x19900] =	vst v63  }
0x3e: {  	s22 =	rddreg [dreg:$0x18];
	s12 =	simm.s32 $0x17100  }
0x3f: {  	[tilespmem:s12], [sflag:$0x2] =	stream.indirect.gather [hbm4b:s9+s7], $0x10, s22, s7, $0xb8;
	[tilespmem:$0x19900] =	vst v63  }
0x40: {  	s23 =	simm.s32 $0x300;
	s24 =	simm.s32 $0xC900  }
0x41: {  	[tilespmem:s24], [sflag:$0x2] =	stream.indirect.gather [hbm4b:s6+s7], $0x40, s23, s7, $0xb8;
	[tilespmem:$0x19900] =	vst v63  }
0x42: {  	s25 =	simm.s32 $0x780;
	s26 =	simm.s32 $0x17900  }
0x43: {  	[tilespmem:s26], [sflag:$0x2] =	stream.indirect.gather [hbm4b:s9+s7], $0x10, s25, s7, $0xb8;
	[tilespmem:$0x19900] =	vst v63  }
0x44: {  	s14 =	simm.s32 $0x380;
	s15 =	simm.s32 $0xE900  }
0x45: {  	[tilespmem:s15], [sflag:$0x2] =	stream.indirect.gather [hbm4b:s6+s7], $0x40, s14, s7, $0xb8;
	[tilespmem:$0x19900] =	vst v63  }
0x46: {  	s17 =	simm.s32 $0x18100;
	s16 =	simm.s32 $0x800  }
0x47: {  	[tilespmem:s17], [sflag:$0x2] =	stream.indirect.gather [hbm4b:s9+s7], $0x10, s16, s7, $0xb8;
	[tilespmem:$0x19900] =	vst v63  }
0x48: {  	s21 =	simm.s32 $0x400;
	s22 =	simm.s32 $0x10900  }
0x49: {  	[tilespmem:s22], [sflag:$0x2] =	stream.indirect.gather [hbm4b:s6+s7], $0x40, s21, s7, $0xb8;
	[tilespmem:$0x19900] =	vst v63  }
0x4a: {  	s23 =	simm.s32 $0x880;
	s24 =	simm.s32 $0x18900;
	s25 =	simm.s32 $0x1  }
0x4b: {  	[tilespmem:s24], [sflag:$0x2] =	stream.indirect.gather [hbm4b:s9+s7], $0x10, s23, s7, $0xb8;
	[tilespmem:$0x19900] =	vst v63  }
0x4c: {  	_ =	swait.ge [sflag:s25], $0x2000  }
0x4d: {  	[sflag:s25] =	ssyncset.done $0x0  }
0x4e: {  	[sflag:s25] =	ssyncadd.s32 $0xFFFFE000  }
0x4f: {  	_ =	swait.ge [sflag:s25], $0x800  }
0x50: {  	[sflag:s25] =	ssyncset.done $0x0  }
0x51: {  	[sflag:s25] =	ssyncadd.s32 $0xFFFFF800  }
0x52: {  	_ =	swait.ge [sflag:s25], $0x2000  }
0x53: {  	[sflag:s25] =	ssyncset.done $0x0  }
0x54: {  	[sflag:s25] =	ssyncadd.s32 $0xFFFFE000  }
0x55: {  	_ =	swait.ge [sflag:s25], $0x800  }
0x56: {  	[sflag:s25] =	ssyncset.done $0x0  }
0x57: {  	[sflag:s25] =	ssyncadd.s32 $0xFFFFF800  }
0x58: {  	_ =	swait.ge [sflag:s25], $0x2000  }
0x59: {  	[sflag:s25] =	ssyncset.done $0x0  }
0x5a: {  	[sflag:s25] =	ssyncadd.s32 $0xFFFFE000  }
0x5b: {  	_ =	swait.ge [sflag:s25], $0x800  }
0x5c: {  	[sflag:s25] =	ssyncset.done $0x0  }
0x5d: {  	[sflag:s25] =	ssyncadd.s32 $0xFFFFF800  }
0x5e: {  	_ =	swait.ge [sflag:s25], $0x2000  }
0x5f: {  	[sflag:s25] =	ssyncset.done $0x0  }
0x60: {  	[sflag:s25] =	ssyncadd.s32 $0xFFFFE000  }
0x61: {  	_ =	swait.ge [sflag:s25], $0x800  }
0x62: {  	[sflag:s25] =	ssyncset.done $0x0  }
0x63: {  	[sflag:s25] =	ssyncadd.s32 $0xFFFFF800  }
0x64: {  	_ =	swait.ge [sflag:s25], $0x2000  }
0x65: {  	[sflag:s25] =	ssyncset.done $0x0  }
0x66: {  	[sflag:s25] =	ssyncadd.s32 $0xFFFFE000  }
0x67: {  	_ =	swait.ge [sflag:s25], $0x800  }
0x68: {  	[sflag:s25] =	ssyncset.done $0x0  }
0x69: {  	s26 =	simm.s32 $0x40;
	[sflag:s25] =	ssyncadd.s32 $0xFFFFF800  }
0x6a: {  	[hbm4b:s3+s26] =	stream.strided.scatter [tilespmem:s8], [sflag:$0x3], $0xA000, s7, s26, $0x38;
	[tilespmem:$0x19900] =	vst v63  }
0x6b: {  	s28 =	simm.s32 $0x10;
	s29 =	simm.s32 $0x3;
	s18 =	rddreg [dreg:$0x5]  }
0x6c: {  	[hbm4b:s18+s28] =	stream.strided.scatter [tilespmem:s10], [sflag:$0x3], $0x2800, s7, s28, $0x38;
	[tilespmem:$0x19900] =	vst v63  }
0x6d: {  	_ =	swait.ge [sflag:s29], $0xA000  }
0x6e: {  	[sflag:s29] =	ssyncset.done $0x0  }
0x6f: {  	[sflag:s29] =	ssyncadd.s32 $0xFFFF6000  }
0x70: {  	_ =	swait.ge [sflag:s29], $0x2800  }
0x71: {  	[sflag:s29] =	ssyncset.done $0x0  }
0x72: {  	s30 =	simm.s32 $0x2;
	[sflag:s29] =	ssyncadd.s32 $0xFFFFD800  }
0x73: {  	_ =	swait.ge [sflag:s30], $0x2000  }
0x74: {  	[sflag:s30] =	ssyncset.done $0x0  }
0x75: {  	[sflag:s30] =	ssyncadd.s32 $0xFFFFE000  }
0x76: {  	_ =	swait.ge [sflag:s30], $0x800  }
0x77: {  	[sflag:s30] =	ssyncset.done $0x0  }
0x78: {  	[sflag:s30] =	ssyncadd.s32 $0xFFFFF800  }
0x79: {  	_ =	swait.ge [sflag:s30], $0x2000  }
0x7a: {  	[sflag:s30] =	ssyncset.done $0x0  }
0x7b: {  	[sflag:s30] =	ssyncadd.s32 $0xFFFFE000  }
0x7c: {  	_ =	swait.ge [sflag:s30], $0x800  }
0x7d: {  	[sflag:s30] =	ssyncset.done $0x0  }
0x7e: {  	[sflag:s30] =	ssyncadd.s32 $0xFFFFF800  }
0x7f: {  	_ =	swait.ge [sflag:s30], $0x2000  }
0x80: {  	[sflag:s30] =	ssyncset.done $0x0  }
0x81: {  	[sflag:s30] =	ssyncadd.s32 $0xFFFFE000  }
0x82: {  	s19 =	ssub.s32 $0x2, s1;
	_ =	swait.ge [sflag:s30], $0x800  }
0x83: {  	s31 =	sshrl.u32 s19, $0x1;
	[sflag:s30] =	ssyncset.done $0x0  }
0x84: {  	s0 =	ssub.s32 s19, s31;
	[sflag:s30] =	ssyncadd.s32 $0xFFFFF800  }
0x85: {  	s0 =	smax.u32 s0, $0x1;
	_ =	swait.ge [sflag:s30], $0x2000  }
0x86: {  	p0 =	sne.s32 s0, $0x1;
	[sflag:s30] =	ssyncset.done $0x0  }
.Ltmp0:
0x87: {  	[sflag:s30] =	ssyncadd.s32 $0xFFFFE000;
	(pc) =	sbr.rel @!p0 .LBB2_2-.Ltmp0, $4  }
0x88: {  	_ =	swait.ge [sflag:s30], $0x800  }
0x89: {  	s31 =	simm.s32 $0x4;
	s20 =	rddreg [dreg:$0x6];
	[sflag:s30] =	ssyncset.done $0x0  }
0x8a: {  	s1 =	sadd.s32 $0xFFFFFFFF, s0;
	s0 =	rddreg [dreg:$0x7];
	[sflag:s30] =	ssyncadd.s32 $0xFFFFF800  }
0x8b: {  	[hbm4b:s20+s26] =	stream.strided.scatter [tilespmem:s11], [sflag:$0x4], $0x8000, s7, s26, $0x38;
	[tilespmem:$0x19900] =	vst v63  }
.LBB2_1:
0x8c: {  	[hbm4b:s0+s28] =	stream.strided.scatter [tilespmem:s12], [sflag:$0x4], $0x2000, s7, s28, $0x38;
	[tilespmem:$0x19900] =	vst v63  }
0x8d: {  	_ =	swait.ge [sflag:s31], $0x8000  }
0x8e: {  	[sflag:s31] =	ssyncset.done $0x0  }
0x8f: {  	[sflag:s31] =	ssyncadd.s32 $0xFFFF8000  }
0x90: {  	_ =	swait.ge [sflag:s31], $0x2000  }
0x91: {  	[sflag:s31] =	ssyncset.done $0x0  }
0x92: {  	s18 =	rddreg [dreg:$0x3];
	[sflag:s31] =	ssyncadd.s32 $0xFFFFE000  }
0x93: {  	[tilespmem:s2], [sflag:$0x5] =	stream.linear.gather [hbm4b:s18+s2], $0x480, $0x38;
	[tilespmem:$0x19900] =	vst v63  }
0x94: {  	_ =	swait.ge [sflag:s4], $0x480  }
0x95: {  	[sflag:s4] =	ssyncset.done $0x0  }
0x96: {  	s19 =	rddreg [dreg:$0x4];
	[sflag:s4] =	ssyncadd.s32 $0xFFFFFB80  }
0x97: {  	[tilespmem:s5], [sflag:$0x5] =	stream.linear.gather [hbm4b:s19+s2], $0x480, $0x38;
	[tilespmem:$0x19900] =	vst v63  }
0x98: {  	_ =	swait.ge [sflag:s4], $0x480  }
0x99: {  	s0 =	rddreg [dreg:$0x16]  }
0x9a: {  	s13 =	rddreg [dreg:$0x14]  }
0x9b: {  	s14 =	rddreg [dreg:$0x12]  }
0x9c: {  	s15 =	rddreg [dreg:$0x10]  }
0x9d: {  	[sflag:s4] =	ssyncset.done $0x0;
	s16 =	rddreg [dreg:$0x8]  }
0x9e: {  	s17 =	rddreg [dreg:$0xa];
	[sflag:s4] =	ssyncadd.s32 $0xFFFFFB80  }
0x9f: {  	[tilespmem:s8], [sflag:$0x1] =	stream.indirect.gather [hbm4b:s6+s7], $0x40, s2, s7, $0xb8;
	[tilespmem:$0x19900] =	vst v63  }
0xa0: {  	s18 =	rddreg [dreg:$0xc]  }
0xa1: {  	[tilespmem:s10], [sflag:$0x1] =	stream.indirect.gather [hbm4b:s9+s7], $0x10, s5, s7, $0xb8;
	[tilespmem:$0x19900] =	vst v63  }
0xa2: {  	s19 =	rddreg [dreg:$0xe]  }
0xa3: {  	[tilespmem:s16], [sflag:$0x1] =	stream.indirect.gather [hbm4b:s6+s7], $0x40, s7, s7, $0xb8;
	[tilespmem:$0x19900] =	vst v63  }
0xa4: {  	s20 =	rddreg [dreg:$0x9]  }
0xa5: {  	[tilespmem:s17], [sflag:$0x1] =	stream.indirect.gather [hbm4b:s9+s7], $0x10, s20, s7, $0xb8;
	[tilespmem:$0x19900] =	vst v63  }
0xa6: {  	s16 =	rddreg [dreg:$0xb]  }
0xa7: {  	[tilespmem:s18], [sflag:$0x1] =	stream.indirect.gather [hbm4b:s6+s7], $0x40, s16, s7, $0xb8;
	[tilespmem:$0x19900] =	vst v63  }
0xa8: {  	s20 =	rddreg [dreg:$0xd]  }
0xa9: {  	[tilespmem:s19], [sflag:$0x1] =	stream.indirect.gather [hbm4b:s9+s7], $0x10, s20, s7, $0xb8;
	[tilespmem:$0x19900] =	vst v63  }
0xaa: {  	s18 =	rddreg [dreg:$0xf]  }
0xab: {  	[tilespmem:s15], [sflag:$0x1] =	stream.indirect.gather [hbm4b:s6+s7], $0x40, s18, s7, $0xb8;
	[tilespmem:$0x19900] =	vst v63  }
0xac: {  	s19 =	rddreg [dreg:$0x11]  }
0xad: {  	[tilespmem:s14], [sflag:$0x1] =	stream.indirect.gather [hbm4b:s9+s7], $0x10, s19, s7, $0xb8;
	[tilespmem:$0x19900] =	vst v63  }
0xae: {  	s20 =	rddreg [dreg:$0x13]  }
0xaf: {  	[tilespmem:s13], [sflag:$0x1] =	stream.indirect.gather [hbm4b:s6+s7], $0x40, s20, s7, $0xb8;
	[tilespmem:$0x19900] =	vst v63  }
0xb0: {  	s16 =	rddreg [dreg:$0x15]  }
0xb1: {  	[tilespmem:s0], [sflag:$0x1] =	stream.indirect.gather [hbm4b:s9+s7], $0x10, s16, s7, $0xb8;
	[tilespmem:$0x19900] =	vst v63  }
0xb2: {  	s17 =	rddreg [dreg:$0x17]  }
0xb3: {  	[tilespmem:s11], [sflag:$0x2] =	stream.indirect.gather [hbm4b:s6+s7], $0x40, s17, s7, $0xb8;
	[tilespmem:$0x19900] =	vst v63  }
0xb4: {  	s18 =	rddreg [dreg:$0x18]  }
0xb5: {  	[tilespmem:s12], [sflag:$0x2] =	stream.indirect.gather [hbm4b:s9+s7], $0x10, s18, s7, $0xb8;
	[tilespmem:$0x19900] =	vst v63  }
0xb6: {  	s19 =	simm.s32 $0x300;
	s20 =	simm.s32 $0xC900  }
0xb7: {  	[tilespmem:s20], [sflag:$0x2] =	stream.indirect.gather [hbm4b:s6+s7], $0x40, s19, s7, $0xb8;
	[tilespmem:$0x19900] =	vst v63  }
0xb8: {  	s14 =	simm.s32 $0x17900;
	s13 =	simm.s32 $0x780  }
0xb9: {  	[tilespmem:s14], [sflag:$0x2] =	stream.indirect.gather [hbm4b:s9+s7], $0x10, s13, s7, $0xb8;
	[tilespmem:$0x19900] =	vst v63  }
0xba: {  	s15 =	simm.s32 $0x380;
	s16 =	simm.s32 $0xE900  }
0xbb: {  	[tilespmem:s16], [sflag:$0x2] =	stream.indirect.gather [hbm4b:s6+s7], $0x40, s15, s7, $0xb8;
	[tilespmem:$0x19900] =	vst v63  }
0xbc: {  	s17 =	simm.s32 $0x800;
	s18 =	simm.s32 $0x18100  }
0xbd: {  	[tilespmem:s18], [sflag:$0x2] =	stream.indirect.gather [hbm4b:s9+s7], $0x10, s17, s7, $0xb8;
	[tilespmem:$0x19900] =	vst v63  }
0xbe: {  	_ = 	snop  }
0xbf: {  	[tilespmem:s22], [sflag:$0x2] =	stream.indirect.gather [hbm4b:s6+s7], $0x40, s21, s7, $0xb8;
	[tilespmem:$0x19900] =	vst v63  }
0xc0: {  	_ = 	snop  }
0xc1: {  	[tilespmem:s24], [sflag:$0x2] =	stream.indirect.gather [hbm4b:s9+s7], $0x10, s23, s7, $0xb8;
	[tilespmem:$0x19900] =	vst v63  }
0xc2: {  	_ =	swait.ge [sflag:s25], $0x2000  }
0xc3: {  	[sflag:s25] =	ssyncset.done $0x0  }
0xc4: {  	[sflag:s25] =	ssyncadd.s32 $0xFFFFE000  }
0xc5: {  	_ =	swait.ge [sflag:s25], $0x800  }
0xc6: {  	[sflag:s25] =	ssyncset.done $0x0  }
0xc7: {  	[sflag:s25] =	ssyncadd.s32 $0xFFFFF800  }
0xc8: {  	_ =	swait.ge [sflag:s25], $0x2000  }
0xc9: {  	[sflag:s25] =	ssyncset.done $0x0  }
0xca: {  	[sflag:s25] =	ssyncadd.s32 $0xFFFFE000  }
0xcb: {  	_ =	swait.ge [sflag:s25], $0x800  }
0xcc: {  	[sflag:s25] =	ssyncset.done $0x0  }
0xcd: {  	[sflag:s25] =	ssyncadd.s32 $0xFFFFF800  }
0xce: {  	_ =	swait.ge [sflag:s25], $0x2000  }
0xcf: {  	[sflag:s25] =	ssyncset.done $0x0  }
0xd0: {  	[sflag:s25] =	ssyncadd.s32 $0xFFFFE000  }
0xd1: {  	_ =	swait.ge [sflag:s25], $0x800  }
0xd2: {  	[sflag:s25] =	ssyncset.done $0x0  }
0xd3: {  	[sflag:s25] =	ssyncadd.s32 $0xFFFFF800  }
0xd4: {  	_ =	swait.ge [sflag:s25], $0x2000  }
0xd5: {  	[sflag:s25] =	ssyncset.done $0x0  }
0xd6: {  	[sflag:s25] =	ssyncadd.s32 $0xFFFFE000  }
0xd7: {  	_ =	swait.ge [sflag:s25], $0x800  }
0xd8: {  	[sflag:s25] =	ssyncset.done $0x0  }
0xd9: {  	[sflag:s25] =	ssyncadd.s32 $0xFFFFF800  }
0xda: {  	_ =	swait.ge [sflag:s25], $0x2000  }
0xdb: {  	[sflag:s25] =	ssyncset.done $0x0  }
0xdc: {  	[sflag:s25] =	ssyncadd.s32 $0xFFFFE000  }
0xdd: {  	_ =	swait.ge [sflag:s25], $0x800  }
0xde: {  	[sflag:s25] =	ssyncset.done $0x0  }
0xdf: {  	[sflag:s25] =	ssyncadd.s32 $0xFFFFF800  }
0xe0: {  	[hbm4b:s3+s26] =	stream.strided.scatter [tilespmem:s8], [sflag:$0x3], $0xA000, s7, s26, $0x38;
	[tilespmem:$0x19900] =	vst v63  }
0xe1: {  	s19 =	rddreg [dreg:$0x5]  }
0xe2: {  	[hbm4b:s19+s28] =	stream.strided.scatter [tilespmem:s10], [sflag:$0x3], $0x2800, s7, s28, $0x38;
	[tilespmem:$0x19900] =	vst v63  }
0xe3: {  	_ =	swait.ge [sflag:s29], $0xA000  }
0xe4: {  	[sflag:s29] =	ssyncset.done $0x0  }
0xe5: {  	[sflag:s29] =	ssyncadd.s32 $0xFFFF6000  }
0xe6: {  	_ =	swait.ge [sflag:s29], $0x2800  }
0xe7: {  	[sflag:s29] =	ssyncset.done $0x0  }
0xe8: {  	[sflag:s29] =	ssyncadd.s32 $0xFFFFD800  }
0xe9: {  	_ =	swait.ge [sflag:s30], $0x2000  }
0xea: {  	[sflag:s30] =	ssyncset.done $0x0  }
0xeb: {  	[sflag:s30] =	ssyncadd.s32 $0xFFFFE000  }
0xec: {  	_ =	swait.ge [sflag:s30], $0x800  }
0xed: {  	[sflag:s30] =	ssyncset.done $0x0  }
0xee: {  	[sflag:s30] =	ssyncadd.s32 $0xFFFFF800  }
0xef: {  	_ =	swait.ge [sflag:s30], $0x2000  }
0xf0: {  	[sflag:s30] =	ssyncset.done $0x0  }
0xf1: {  	[sflag:s30] =	ssyncadd.s32 $0xFFFFE000  }
0xf2: {  	_ =	swait.ge [sflag:s30], $0x800  }
0xf3: {  	[sflag:s30] =	ssyncset.done $0x0  }
0xf4: {  	[sflag:s30] =	ssyncadd.s32 $0xFFFFF800  }
0xf5: {  	_ =	swait.ge [sflag:s30], $0x2000  }
0xf6: {  	[sflag:s30] =	ssyncset.done $0x0  }
0xf7: {  	[sflag:s30] =	ssyncadd.s32 $0xFFFFE000  }
0xf8: {  	_ =	swait.ge [sflag:s30], $0x800  }
0xf9: {  	[sflag:s30] =	ssyncset.done $0x0  }
0xfa: {  	[sflag:s30] =	ssyncadd.s32 $0xFFFFF800  }
0xfb: {  	_ =	swait.ge [sflag:s30], $0x2000  }
0xfc: {  	p0 =	sne.s32 s1, $0x1;
	[sflag:s30] =	ssyncset.done $0x0  }
.Ltmp1:
0xfd: {  	[sflag:s30] =	ssyncadd.s32 $0xFFFFE000;
	(pc) =	sbr.rel @p0 .LBB2_1-.Ltmp1, $4  }
0xfe: {  	_ =	swait.ge [sflag:s30], $0x800  }
0xff: {  	[sflag:s30] =	ssyncset.done $0x0;
	s20 =	rddreg [dreg:$0x6]  }
0x100: {  	s1 =	sadd.s32 $0xFFFFFFFF, s1;
	s0 =	rddreg [dreg:$0x7];
	[sflag:s30] =	ssyncadd.s32 $0xFFFFF800  }
0x101: {  	[hbm4b:s20+s26] =	stream.strided.scatter [tilespmem:s11], [sflag:$0x4], $0x8000, s7, s26, $0x38;
	[tilespmem:$0x19900] =	vst v63  }
.LBB2_2:
0x102: {  	[hbm4b:s0+s28] =	stream.strided.scatter [tilespmem:s12], [sflag:$0x4], $0x2000, s7, s28, $0x38;
	[tilespmem:$0x19900] =	vst v63  }
0x103: {  	_ =	swait.ge [sflag:s31], $0x8000  }
0x104: {  	[sflag:s31] =	ssyncset.done $0x0  }
0x105: {  	[sflag:s31] =	ssyncadd.s32 $0xFFFF8000  }
0x106: {  	_ =	swait.ge [sflag:s31], $0x2000  }
0x107: {  	[sflag:s31] =	ssyncset.done $0x0  }
0x108: {  	[sflag:s31] =	ssyncadd.s32 $0xFFFFE000  }
0x109: {  	_ =	sfence.sel $0x180000  }
0x10a: {  	[bflag:$0x0] =	sbarrier.arrive $0xFFFF  }
0x10b: {  	_ =	strace $0x90000047  }
0x10c: {  	s31 =	stileid.u32;
	[bflag:$0x2] =	sbarrier.arrive $0xFFFF  }
0x10d: {  	p0 =	sne.s32 s31, $0x0;
	s0 =	rddreg [dreg:$0x2]  }
0x10e: {  	s0 =	sadd.s32 @!p0 $0x100000, s0  }
0x10f: {  	[sflag:s0] =	ssyncadd.tile.s32 @!p0 $0x1;
	_ =	shalt  }
.Lfunc_end2:
_tile_overlayer_lowered:
.L_overlay_start_2:
0x110: {  	(tag) =	ssettag $0x2  }
0x111: {  	s0 =	rddreg [dreg:$0x0];
	s2 =	stileid.u32  }
0x112: {  	s1 =	rddreg [dreg:$0x1];
	p0 =	sne.s32 s2, $0x0  }
0x113: {  	s3 =	rddreg [dreg:$0x2];
	[bflag:$0x3] =	sbarrier.arrive $0xFFFF;
	s2 =	simm.s32 @!p0 $0x1C05  }
0x114: {  	[timem:s3], [sflag:s2] =	dma.local @!p0 [hbm:s0], s1  }
0x115: {  	s0 =	simm.s32 @!p0 $0x5  }
0x116: {  	_ =	swait.ge @!p0 [sflag:s0], s1  }
0x117: {  	s1 =	ssub.s32 @!p0 $0x0, s1;
	[sflag:s0] =	ssyncset.done @!p0 $0x0  }
0x118: {  	[sflag:s0] =	ssyncadd.s32 @!p0 s1  }
0x119: {  	[bflag:$0x3] =	sbarrier.arrive $0xFFFF  }
0x11a: {  	_ =	shalt  }

</sc_bundles>
